<compile_context>
chip_gen: v7x
topology: tpu7x:2x2x1
jax: 0.10.2.dev20260603
libtpu: 0.0.44.dev20260713+nightly
codegen_flags: <defaults>
</compile_context>

<pallas_src>
import jax
import jax.numpy as jnp
from jax import lax
from jax.experimental import pallas as pl
from jax.experimental.pallas import tpu as pltpu
from jax.experimental.pallas import tpu_sc as plsc

_STEPS = 1024
_CHANNELS = 256
_N = 65536
_NC = 2
_NS = 16
_NW = _NC * _NS
_PER_W = _N // _NW
_CHUNK = 64
_NCHUNK = _PER_W // _CHUNK
_NPAIR = _NCHUNK // 2
_L = 16
_WORDS = _CHANNELS // 2


def _body(t_hbm, cbits_hbm, out_hbm,
          t_v, idx0_v, idx1_v, w1_v,
          r0a, r1a, r0b, r1b, r0c, r1c, r0d, r1d, oa, ob, spt,
          sg0a, sg1a, sg0b, sg1b, sg0c, sg1c, sg0d, sg1d, soa, sob):
    sid = lax.axis_index("s")
    wid = sid * _NC + lax.axis_index("c")
    base = wid * _PER_W

    rows_per_tile = _STEPS // _NS
    pltpu.sync_copy(cbits_hbm.at[pl.ds(sid * rows_per_tile, rows_per_tile)],
                    spt.at[pl.ds(sid * rows_per_tile, rows_per_tile)])
    pltpu.sync_copy(t_hbm.at[pl.ds(base, _PER_W)], t_v)

    def idx_body(g, carry):
        t16 = t_v[pl.ds(g * _L, _L)]
        pos = t16 * float(_STEPS - 1)
        i0 = lax.convert_element_type(pos, jnp.int32)
        i0 = jnp.maximum(jnp.minimum(i0, _STEPS - 2), 0)
        frac = pos - lax.convert_element_type(i0, jnp.float32)
        idx0_v[pl.ds(g * _L, _L)] = i0
        idx1_v[pl.ds(g * _L, _L)] = i0 + 1
        w1_v[pl.ds(g * _L, _L)] = frac
        return carry

    lax.fori_loop(0, _PER_W // _L, idx_body, 0)
    plsc.subcore_barrier()

    def g_descs(k, r0, r1, s0, s1):
        d0 = pltpu.make_async_copy(
            spt.at[idx0_v.at[pl.ds(k * _CHUNK, _CHUNK)]], r0, s0)
        d1 = pltpu.make_async_copy(
            spt.at[idx1_v.at[pl.ds(k * _CHUNK, _CHUNK)]], r1, s1)
        return d0, d1

    def g_issue(k, r0, r1, s0, s1):
        d0, d1 = g_descs(k, r0, r1, s0, s1)
        d0.start()
        d1.start()

    def g_wait(k, r0, r1, s0, s1):
        d0, d1 = g_descs(k, r0, r1, s0, s1)
        d0.wait()
        d1.wait()

    def o_desc(k, o, so):
        return pltpu.make_async_copy(
            o, out_hbm.at[pl.ds(base + k * _CHUNK, _CHUNK)], so)

    def combine(k, r0, r1, o):
        @plsc.parallel_loop(0, _CHUNK, unroll=8)
        def t_body(j):
            w16 = w1_v[pl.ds(k * _CHUNK + (j // _L) * _L, _L)]
            dn = lax.GatherDimensionNumbers(
                offset_dims=(), collapsed_slice_dims=(0,),
                start_index_map=(0,))
            w1 = lax.gather(
                w16, jnp.full((_L, 1), j % _L, jnp.int32), dn, (1,),
                mode=lax.GatherScatterMode.PROMISE_IN_BOUNDS)
            w1b = plsc.pack(w1, w1, format=plsc.PackFormat.INTERLEAVED)
            for u in range(_CHANNELS // 32):
                if u % 4 != 3:
                    a = plsc.bitcast(r0[j, pl.ds(u * _L, _L)], jnp.bfloat16)
                    b = plsc.bitcast(r1[j, pl.ds(u * _L, _L)], jnp.bfloat16)
                    ob16 = a + w1b * (b - a)
                    oe, oo = plsc.unpack(
                        ob16, format=plsc.PackFormat.INTERLEAVED)
                else:
                    a = plsc.bitcast(r0[j, pl.ds(u * _L, _L)], jnp.bfloat16)
                    b = plsc.bitcast(r1[j, pl.ds(u * _L, _L)], jnp.bfloat16)
                    ae, ao = plsc.unpack(a, format=plsc.PackFormat.INTERLEAVED)
                    be, bo = plsc.unpack(b, format=plsc.PackFormat.INTERLEAVED)
                    oe = ae + w1 * (be - ae)
                    oo = ao + w1 * (bo - ao)
                o[j, pl.ds(u * 32, _L)] = oe
                o[j, pl.ds(u * 32 + _L, _L)] = oo

    slots = ((r0a, r1a, sg0a, sg1a), (r0b, r1b, sg0b, sg1b),
             (r0c, r1c, sg0c, sg1c), (r0d, r1d, sg0d, sg1d))
    outs = ((oa, soa), (ob, sob))
    for i in range(4):
        g_issue(i, *slots[i])

    def quad_body(p, carry):
        k0 = 4 * p
        for i in range(4):
            k = k0 + i
            r0, r1, s0, s1 = slots[i]
            o, so = outs[i % 2]
            g_wait(k, r0, r1, s0, s1)
            if i >= 2:
                o_desc(k - 2, o, so).wait()
            else:
                @pl.when(p > 0)
                def _():
                    o_desc(k - 2, o, so).wait()
            combine(k, r0, r1, o)
            o_desc(k, o, so).start()

            @pl.when(p + 1 < _NCHUNK // 4)
            def _():
                g_issue(k + 4, r0, r1, s0, s1)
        return carry

    lax.fori_loop(0, _NCHUNK // 4, quad_body, 0)

    o_desc(_NCHUNK - 2, oa, soa).wait()
    o_desc(_NCHUNK - 1, ob, sob).wait()


def kernel(t, control):
    cperm = (control.astype(jnp.bfloat16)
             .reshape(_STEPS, _CHANNELS // 32, 2, _L)
             .swapaxes(-1, -2))
    cbits = lax.bitcast_convert_type(
        cperm.reshape(_STEPS, _WORDS, 2), jnp.uint32)
    mesh = plsc.VectorSubcoreMesh(core_axis_name="c", subcore_axis_name="s")
    f = pl.kernel(
        _body,
        out_type=jax.ShapeDtypeStruct((_N, _CHANNELS), jnp.float32),
        mesh=mesh,
        compiler_params=pltpu.CompilerParams(needs_layout_passes=False),
        scratch_types=[
            pltpu.VMEM((_PER_W,), jnp.float32),
            pltpu.VMEM((_PER_W,), jnp.int32),
            pltpu.VMEM((_PER_W,), jnp.int32),
            pltpu.VMEM((_PER_W,), jnp.float32),
            pltpu.VMEM((_CHUNK, _WORDS), jnp.uint32),
            pltpu.VMEM((_CHUNK, _WORDS), jnp.uint32),
            pltpu.VMEM((_CHUNK, _WORDS), jnp.uint32),
            pltpu.VMEM((_CHUNK, _WORDS), jnp.uint32),
            pltpu.VMEM((_CHUNK, _WORDS), jnp.uint32),
            pltpu.VMEM((_CHUNK, _WORDS), jnp.uint32),
            pltpu.VMEM((_CHUNK, _WORDS), jnp.uint32),
            pltpu.VMEM((_CHUNK, _WORDS), jnp.uint32),
            pltpu.VMEM((_CHUNK, _CHANNELS), jnp.float32),
            pltpu.VMEM((_CHUNK, _CHANNELS), jnp.float32),
            pltpu.VMEM_SHARED((_STEPS, _WORDS), jnp.uint32),
            pltpu.SemaphoreType.DMA,
            pltpu.SemaphoreType.DMA,
            pltpu.SemaphoreType.DMA,
            pltpu.SemaphoreType.DMA,
            pltpu.SemaphoreType.DMA,
            pltpu.SemaphoreType.DMA,
            pltpu.SemaphoreType.DMA,
            pltpu.SemaphoreType.DMA,
            pltpu.SemaphoreType.DMA,
            pltpu.SemaphoreType.DMA,
        ],
    )
    return f(t, cbits)

# --- scband reference (transcript-rebuilt; emitter-appended) ---
"""Pipeline reference for scband-interpolation-control-13211319402549 (READ-ONLY COPY).

The authoritative reference and input builder live on the scoring server;
editing this copy changes nothing except your own understanding.
"""

import jax, jax.numpy as jnp
import numpy as np

STEPS = 1024
CHANNELS = 256
T_START = 0.0
T_END = 1.0
N = 65536


def setup_inputs(seed: int = 0) -> dict:
    key = jax.random.key(seed)
    k1, k2 = jax.random.split(key)
    t = jax.random.uniform(k1, (N,), dtype=jnp.float32)
    # learned parameter: control table (init is zeros in the module, but we
    # materialize a random table so the computation is non-trivial)
    control = jax.random.normal(k2, (STEPS, CHANNELS), dtype=jnp.float32)
    return {"t": t, "control": control}


def reference(t, control):
    # InterpolationControl.__call__ with method='linear'
    tn = (t - T_START) / (T_END - T_START)
    xp = jnp.linspace(0.0, 1.0, STEPS)
    vintp = jax.vmap(
        lambda fp: jnp.interp(tn, xp, fp, left=0.0, right=0.0),
        in_axes=-1,
        out_axes=-1,
    )
    return vintp(control)

if __name__ == "__main__":
    import jax
    _d = setup_inputs()
    print(jax.jit(kernel)(*tuple(_d.values())))

</pallas_src>

<mosaic_0001>
#map = affine_map<(d0, d1) -> (0)>
#map1 = affine_map<(d0, d1) -> (0, 0)>
module attributes {stable_mosaic.version = 14 : i64} {
  func.func @_body(%arg0: i32, %arg1: i32, %arg2: memref<65536xf32, #tpu.memory_space<hbm>>, %arg3: memref<1024x128xi32, #tpu.memory_space<hbm>>, %arg4: memref<65536x256xf32, #tpu.memory_space<hbm>>, %arg5: memref<2048xf32, #tpu.memory_space<vmem>>, %arg6: memref<2048xi32, #tpu.memory_space<vmem>>, %arg7: memref<2048xi32, #tpu.memory_space<vmem>>, %arg8: memref<2048xf32, #tpu.memory_space<vmem>>, %arg9: memref<64x128xi32, #tpu.memory_space<vmem>>, %arg10: memref<64x128xi32, #tpu.memory_space<vmem>>, %arg11: memref<64x128xi32, #tpu.memory_space<vmem>>, %arg12: memref<64x128xi32, #tpu.memory_space<vmem>>, %arg13: memref<64x128xi32, #tpu.memory_space<vmem>>, %arg14: memref<64x128xi32, #tpu.memory_space<vmem>>, %arg15: memref<64x128xi32, #tpu.memory_space<vmem>>, %arg16: memref<64x128xi32, #tpu.memory_space<vmem>>, %arg17: memref<64x256xf32, #tpu.memory_space<vmem>>, %arg18: memref<64x256xf32, #tpu.memory_space<vmem>>, %arg19: memref<1024x128xi32, #tpu.memory_space<vmem_shared>>, %arg20: memref<!tpu.dma_semaphore, #tpu.memory_space<semaphore_mem>>, %arg21: memref<!tpu.dma_semaphore, #tpu.memory_space<semaphore_mem>>, %arg22: memref<!tpu.dma_semaphore, #tpu.memory_space<semaphore_mem>>, %arg23: memref<!tpu.dma_semaphore, #tpu.memory_space<semaphore_mem>>, %arg24: memref<!tpu.dma_semaphore, #tpu.memory_space<semaphore_mem>>, %arg25: memref<!tpu.dma_semaphore, #tpu.memory_space<semaphore_mem>>, %arg26: memref<!tpu.dma_semaphore, #tpu.memory_space<semaphore_mem>>, %arg27: memref<!tpu.dma_semaphore, #tpu.memory_space<semaphore_mem>>, %arg28: memref<!tpu.dma_semaphore, #tpu.memory_space<semaphore_mem>>, %arg29: memref<!tpu.dma_semaphore, #tpu.memory_space<semaphore_mem>>) attributes {dimension_semantics = [#tpu.dimension_semantics<core_parallel>, #tpu.dimension_semantics<subcore_parallel>], iteration_bounds = array<i64: 2, 16>, scalar_prefetch = 0 : i64, scratch_operands = 25 : i64, tpu.core_type = #tpu.core_type<sc_vector_subcore>, window_params = [{transform_indices = #map}, {transform_indices = #map1}, {transform_indices = #map1}]} {
    %mul3A = arith.constant 2 : i32
    %mul3A_0 = arith.muli %arg1, %mul3A : i32
    %add3A = arith.addi %mul3A_0, %arg0 : i32
    %mul3A_1 = arith.constant 2048 : i32
    %mul3A_2 = arith.muli %add3A, %mul3A_1 : i32
    %mul3A_3 = arith.constant 64 : i32
    %mul3A_4 = arith.muli %arg1, %mul3A_3 : i32
    %mul3A_5 = arith.constant 64 : i32
    %mul3A_6 = arith.muli %arg1, %mul3A_5 : i32
    "tpu.region"() ({
      %run_scoped3A = tpu.sem_alloc : memref<!tpu.dma_semaphore, #tpu.memory_space<semaphore_mem>>
      %dma_start3A_68 = arith.constant 0 : i32
      %dma_start3A_69 = tpu.memref_slice %arg19[%mul3A_6, %dma_start3A_68] : memref<1024x128xi32, #tpu.memory_space<vmem_shared>> -> memref<64x128xi32, #tpu.memory_space<vmem_shared>>
      %dma_start3A_70 = arith.constant 0 : i32
      %dma_start3A_71 = tpu.memref_slice %arg3[%mul3A_4, %dma_start3A_70] : memref<1024x128xi32, #tpu.memory_space<hbm>> -> memref<64x128xi32, #tpu.memory_space<hbm>>
      tpu.enqueue_dma source(%dma_start3A_71 : memref<64x128xi32, #tpu.memory_space<hbm>>) target(%dma_start3A_69 : memref<64x128xi32, #tpu.memory_space<vmem_shared>>) target_semaphore(%run_scoped3A : memref<!tpu.dma_semaphore, #tpu.memory_space<semaphore_mem>>)
      %dma_wait3A_72 = arith.constant 0 : i32
      %dma_wait3A_73 = tpu.memref_slice %arg19[%mul3A_6, %dma_wait3A_72] : memref<1024x128xi32, #tpu.memory_space<vmem_shared>> -> memref<64x128xi32, #tpu.memory_space<vmem_shared>>
      %dma_wait3A_74 = arith.constant 0 : i32
      %dma_wait3A_75 = tpu.memref_slice %arg3[%mul3A_4, %dma_wait3A_74] : memref<1024x128xi32, #tpu.memory_space<hbm>> -> memref<64x128xi32, #tpu.memory_space<hbm>>
      tpu.wait_dma2 semaphore(%run_scoped3A : memref<!tpu.dma_semaphore, #tpu.memory_space<semaphore_mem>>) src(%dma_wait3A_75 : memref<64x128xi32, #tpu.memory_space<hbm>>) dst(%dma_wait3A_73 : memref<64x128xi32, #tpu.memory_space<vmem_shared>>)
      tpu.yield
    }) : () -> ()
    "tpu.region"() ({
      %run_scoped3A = tpu.sem_alloc : memref<!tpu.dma_semaphore, #tpu.memory_space<semaphore_mem>>
      %dma_start3A_68 = tpu.memref_slice %arg2[%mul3A_2] : memref<65536xf32, #tpu.memory_space<hbm>> -> memref<2048xf32, #tpu.memory_space<hbm>>
      %dma_start3A_69 = tpu.memref_slice %arg2[%mul3A_2] : memref<65536xf32, #tpu.memory_space<hbm>> -> memref<2048xf32, #tpu.memory_space<hbm>>
      tpu.enqueue_dma source(%dma_start3A_69 : memref<2048xf32, #tpu.memory_space<hbm>>) target(%arg5 : memref<2048xf32, #tpu.memory_space<vmem>>) target_semaphore(%run_scoped3A : memref<!tpu.dma_semaphore, #tpu.memory_space<semaphore_mem>>)
      %dma_wait3A_70 = tpu.memref_slice %arg2[%mul3A_2] : memref<65536xf32, #tpu.memory_space<hbm>> -> memref<2048xf32, #tpu.memory_space<hbm>>
      %dma_wait3A_71 = tpu.memref_slice %arg2[%mul3A_2] : memref<65536xf32, #tpu.memory_space<hbm>> -> memref<2048xf32, #tpu.memory_space<hbm>>
      tpu.wait_dma2 semaphore(%run_scoped3A : memref<!tpu.dma_semaphore, #tpu.memory_space<semaphore_mem>>) src(%dma_wait3A_71 : memref<2048xf32, #tpu.memory_space<hbm>>) dst(%arg5 : memref<2048xf32, #tpu.memory_space<vmem>>)
      tpu.yield
    }) : () -> ()
    %scan3A = arith.constant 0 : i32
    %scan3A_7 = arith.constant 0 : i32
    %scan3A_8 = arith.constant 128 : i32
    %scan3A_9 = arith.addi %scan3A_7, %scan3A_8 : i32
    %scan3A_10 = arith.constant 1 : i32
    scf.for %scan3A_68 = %scan3A_7 to %scan3A_9 step %scan3A_10  : i32 {
      %mul3A_69 = arith.constant 16 : i32
      %mul3A_70 = arith.muli %scan3A_68, %mul3A_69 : i32
      %get3A = arith.index_cast %mul3A_70 : i32 to index
      %get3A_71 = tpu.vector_load %arg5[%get3A] {strides = array<i32>} : memref<2048xf32, #tpu.memory_space<vmem>>, vector<16xf32>,
      %mul3A_72 = arith.constant 1.023000e+03 : f32
      %mul3A_73 = vector.broadcast %mul3A_72 : f32 to vector<16xf32>
      %mul3A_74 = arith.mulf %get3A_71, %mul3A_73 : vector<16xf32>
      %convert_element_type3A = arith.fptosi %mul3A_74 : vector<16xf32> to vector<16xi32>
      %min3A = arith.constant 1022 : i32
      %min3A_75 = vector.broadcast %min3A : i32 to vector<16xi32>
      %min3A_76 = arith.minsi %convert_element_type3A, %min3A_75 : vector<16xi32>
      %max3A = arith.constant 0 : i32
      %max3A_77 = vector.broadcast %max3A : i32 to vector<16xi32>
      %max3A_78 = arith.maxsi %min3A_76, %max3A_77 : vector<16xi32>
      %convert_element_type3A_79 = arith.sitofp %max3A_78 : vector<16xi32> to vector<16xf32>
      %sub3A = arith.subf %mul3A_74, %convert_element_type3A_79 : vector<16xf32>
      %mul3A_80 = arith.constant 16 : i32
      %mul3A_81 = arith.muli %scan3A_68, %mul3A_80 : i32
      %swap3A = arith.index_cast %mul3A_81 : i32 to index
      %swap3A_82 = tpu.vector_load %arg6[%swap3A] {strides = array<i32>} : memref<2048xi32, #tpu.memory_space<vmem>>, vector<16xi32>,
      tpu.vector_store %arg6[%swap3A], %max3A_78 {strides = array<i32>} : memref<2048xi32, #tpu.memory_space<vmem>>, vector<16xi32>,
      %add3A_83 = arith.constant 1 : i32
      %add3A_84 = vector.broadcast %add3A_83 : i32 to vector<16xi32>
      %add3A_85 = arith.addi %max3A_78, %add3A_84 : vector<16xi32>
      %mul3A_86 = arith.constant 16 : i32
      %mul3A_87 = arith.muli %scan3A_68, %mul3A_86 : i32
      %swap3A_88 = arith.index_cast %mul3A_87 : i32 to index
      %swap3A_89 = tpu.vector_load %arg7[%swap3A_88] {strides = array<i32>} : memref<2048xi32, #tpu.memory_space<vmem>>, vector<16xi32>,
      tpu.vector_store %arg7[%swap3A_88], %add3A_85 {strides = array<i32>} : memref<2048xi32, #tpu.memory_space<vmem>>, vector<16xi32>,
      %mul3A_90 = arith.constant 16 : i32
      %mul3A_91 = arith.muli %scan3A_68, %mul3A_90 : i32
      %swap3A_92 = arith.index_cast %mul3A_91 : i32 to index
      %swap3A_93 = tpu.vector_load %arg8[%swap3A_92] {strides = array<i32>} : memref<2048xf32, #tpu.memory_space<vmem>>, vector<16xf32>,
      tpu.vector_store %arg8[%swap3A_92], %sub3A {strides = array<i32>} : memref<2048xf32, #tpu.memory_space<vmem>>, vector<16xf32>,
    }
    %scan3A_11 = arith.constant 128 : i32
    %barrier3A = arith.constant 0 : index
    tpu.barrier barrier_id(%barrier3A)
    %dma_start3A = arith.constant 0 : i32
    %dma_start3A_12 = tpu.memref_slice %arg6[%dma_start3A] : memref<2048xi32, #tpu.memory_space<vmem>> -> memref<64xi32, #tpu.memory_space<vmem>>
    %dma_start3A_13 = arith.constant 0 : i32
    %dma_start3A_14 = arith.constant 0 : i32
    %dma_start3A_15 = tpu.memref_slice %arg19[%dma_start3A_13, %dma_start3A_14] : memref<1024x128xi32, #tpu.memory_space<vmem_shared>> -> memref<1024x128xi32, #tpu.memory_space<vmem_shared>>
    tpu.enqueue_indirect_dma source(%dma_start3A_15 : memref<1024x128xi32, #tpu.memory_space<vmem_shared>>) target(%arg9 : memref<64x128xi32, #tpu.memory_space<vmem>>) offsets(%dma_start3A_12 : memref<64xi32, #tpu.memory_space<vmem>>) semaphore(%arg20 : memref<!tpu.dma_semaphore, #tpu.memory_space<semaphore_mem>>)
    %dma_start3A_16 = arith.constant 0 : i32
    %dma_start3A_17 = tpu.memref_slice %arg7[%dma_start3A_16] : memref<2048xi32, #tpu.memory_space<vmem>> -> memref<64xi32, #tpu.memory_space<vmem>>
    %dma_start3A_18 = arith.constant 0 : i32
    %dma_start3A_19 = arith.constant 0 : i32
    %dma_start3A_20 = tpu.memref_slice %arg19[%dma_start3A_18, %dma_start3A_19] : memref<1024x128xi32, #tpu.memory_space<vmem_shared>> -> memref<1024x128xi32, #tpu.memory_space<vmem_shared>>
    tpu.enqueue_indirect_dma source(%dma_start3A_20 : memref<1024x128xi32, #tpu.memory_space<vmem_shared>>) target(%arg10 : memref<64x128xi32, #tpu.memory_space<vmem>>) offsets(%dma_start3A_17 : memref<64xi32, #tpu.memory_space<vmem>>) semaphore(%arg21 : memref<!tpu.dma_semaphore, #tpu.memory_space<semaphore_mem>>)
    %dma_start3A_21 = arith.constant 64 : i32
    %dma_start3A_22 = tpu.memref_slice %arg6[%dma_start3A_21] : memref<2048xi32, #tpu.memory_space<vmem>> -> memref<64xi32, #tpu.memory_space<vmem>>
    %dma_start3A_23 = arith.constant 0 : i32
    %dma_start3A_24 = arith.constant 0 : i32
    %dma_start3A_25 = tpu.memref_slice %arg19[%dma_start3A_23, %dma_start3A_24] : memref<1024x128xi32, #tpu.memory_space<vmem_shared>> -> memref<1024x128xi32, #tpu.memory_space<vmem_shared>>
    tpu.enqueue_indirect_dma source(%dma_start3A_25 : memref<1024x128xi32, #tpu.memory_space<vmem_shared>>) target(%arg11 : memref<64x128xi32, #tpu.memory_space<vmem>>) offsets(%dma_start3A_22 : memref<64xi32, #tpu.memory_space<vmem>>) semaphore(%arg22 : memref<!tpu.dma_semaphore, #tpu.memory_space<semaphore_mem>>)
    %dma_start3A_26 = arith.constant 64 : i32
    %dma_start3A_27 = tpu.memref_slice %arg7[%dma_start3A_26] : memref<2048xi32, #tpu.memory_space<vmem>> -> memref<64xi32, #tpu.memory_space<vmem>>
    %dma_start3A_28 = arith.constant 0 : i32
    %dma_start3A_29 = arith.constant 0 : i32
    %dma_start3A_30 = tpu.memref_slice %arg19[%dma_start3A_28, %dma_start3A_29] : memref<1024x128xi32, #tpu.memory_space<vmem_shared>> -> memref<1024x128xi32, #tpu.memory_space<vmem_shared>>
    tpu.enqueue_indirect_dma source(%dma_start3A_30 : memref<1024x128xi32, #tpu.memory_space<vmem_shared>>) target(%arg12 : memref<64x128xi32, #tpu.memory_space<vmem>>) offsets(%dma_start3A_27 : memref<64xi32, #tpu.memory_space<vmem>>) semaphore(%arg23 : memref<!tpu.dma_semaphore, #tpu.memory_space<semaphore_mem>>)
    %dma_start3A_31 = arith.constant 128 : i32
    %dma_start3A_32 = tpu.memref_slice %arg6[%dma_start3A_31] : memref<2048xi32, #tpu.memory_space<vmem>> -> memref<64xi32, #tpu.memory_space<vmem>>
    %dma_start3A_33 = arith.constant 0 : i32
    %dma_start3A_34 = arith.constant 0 : i32
    %dma_start3A_35 = tpu.memref_slice %arg19[%dma_start3A_33, %dma_start3A_34] : memref<1024x128xi32, #tpu.memory_space<vmem_shared>> -> memref<1024x128xi32, #tpu.memory_space<vmem_shared>>
    tpu.enqueue_indirect_dma source(%dma_start3A_35 : memref<1024x128xi32, #tpu.memory_space<vmem_shared>>) target(%arg13 : memref<64x128xi32, #tpu.memory_space<vmem>>) offsets(%dma_start3A_32 : memref<64xi32, #tpu.memory_space<vmem>>) semaphore(%arg24 : memref<!tpu.dma_semaphore, #tpu.memory_space<semaphore_mem>>)
    %dma_start3A_36 = arith.constant 128 : i32
    %dma_start3A_37 = tpu.memref_slice %arg7[%dma_start3A_36] : memref<2048xi32, #tpu.memory_space<vmem>> -> memref<64xi32, #tpu.memory_space<vmem>>
    %dma_start3A_38 = arith.constant 0 : i32
    %dma_start3A_39 = arith.constant 0 : i32
    %dma_start3A_40 = tpu.memref_slice %arg19[%dma_start3A_38, %dma_start3A_39] : memref<1024x128xi32, #tpu.memory_space<vmem_shared>> -> memref<1024x128xi32, #tpu.memory_space<vmem_shared>>
    tpu.enqueue_indirect_dma source(%dma_start3A_40 : memref<1024x128xi32, #tpu.memory_space<vmem_shared>>) target(%arg14 : memref<64x128xi32, #tpu.memory_space<vmem>>) offsets(%dma_start3A_37 : memref<64xi32, #tpu.memory_space<vmem>>) semaphore(%arg25 : memref<!tpu.dma_semaphore, #tpu.memory_space<semaphore_mem>>)
    %dma_start3A_41 = arith.constant 192 : i32
    %dma_start3A_42 = tpu.memref_slice %arg6[%dma_start3A_41] : memref<2048xi32, #tpu.memory_space<vmem>> -> memref<64xi32, #tpu.memory_space<vmem>>
    %dma_start3A_43 = arith.constant 0 : i32
    %dma_start3A_44 = arith.constant 0 : i32
    %dma_start3A_45 = tpu.memref_slice %arg19[%dma_start3A_43, %dma_start3A_44] : memref<1024x128xi32, #tpu.memory_space<vmem_shared>> -> memref<1024x128xi32, #tpu.memory_space<vmem_shared>>
    tpu.enqueue_indirect_dma source(%dma_start3A_45 : memref<1024x128xi32, #tpu.memory_space<vmem_shared>>) target(%arg15 : memref<64x128xi32, #tpu.memory_space<vmem>>) offsets(%dma_start3A_42 : memref<64xi32, #tpu.memory_space<vmem>>) semaphore(%arg26 : memref<!tpu.dma_semaphore, #tpu.memory_space<semaphore_mem>>)
    %dma_start3A_46 = arith.constant 192 : i32
    %dma_start3A_47 = tpu.memref_slice %arg7[%dma_start3A_46] : memref<2048xi32, #tpu.memory_space<vmem>> -> memref<64xi32, #tpu.memory_space<vmem>>
    %dma_start3A_48 = arith.constant 0 : i32
    %dma_start3A_49 = arith.constant 0 : i32
    %dma_start3A_50 = tpu.memref_slice %arg19[%dma_start3A_48, %dma_start3A_49] : memref<1024x128xi32, #tpu.memory_space<vmem_shared>> -> memref<1024x128xi32, #tpu.memory_space<vmem_shared>>
    tpu.enqueue_indirect_dma source(%dma_start3A_50 : memref<1024x128xi32, #tpu.memory_space<vmem_shared>>) target(%arg16 : memref<64x128xi32, #tpu.memory_space<vmem>>) offsets(%dma_start3A_47 : memref<64xi32, #tpu.memory_space<vmem>>) semaphore(%arg27 : memref<!tpu.dma_semaphore, #tpu.memory_space<semaphore_mem>>)
    %scan3A_51 = arith.constant 0 : i32
    %scan3A_52 = arith.constant 0 : i32
    %scan3A_53 = arith.constant 8 : i32
    %scan3A_54 = arith.addi %scan3A_52, %scan3A_53 : i32
    %scan3A_55 = arith.constant 1 : i32
    scf.for %scan3A_68 = %scan3A_52 to %scan3A_54 step %scan3A_55  : i32 {
      %mul3A_69 = arith.constant 4 : i32
      %mul3A_70 = arith.muli %mul3A_69, %scan3A_68 : i32
      %add3A_71 = arith.constant 0 : i32
      %add3A_72 = arith.addi %mul3A_70, %add3A_71 : i32
      %mul3A_73 = arith.constant 64 : i32
      %mul3A_74 = arith.muli %add3A_72, %mul3A_73 : i32
      %mul3A_75 = arith.constant 64 : i32
      %mul3A_76 = arith.muli %add3A_72, %mul3A_75 : i32
      %dma_wait3A_77 = tpu.memref_slice %arg6[%mul3A_74] : memref<2048xi32, #tpu.memory_space<vmem>> -> memref<64xi32, #tpu.memory_space<vmem>>
      %dma_wait3A_78 = arith.constant 0 : i32
      %dma_wait3A_79 = arith.constant 0 : i32
      %dma_wait3A_80 = tpu.memref_slice %arg19[%dma_wait3A_78, %dma_wait3A_79] : memref<1024x128xi32, #tpu.memory_space<vmem_shared>> -> memref<1024x128xi32, #tpu.memory_space<vmem_shared>>
      tpu.wait_indirect_dma semaphore(%arg20 : memref<!tpu.dma_semaphore, #tpu.memory_space<semaphore_mem>>) src(%dma_wait3A_80 : memref<1024x128xi32, #tpu.memory_space<vmem_shared>>) dst(%arg9 : memref<64x128xi32, #tpu.memory_space<vmem>>)
      %dma_wait3A_81 = tpu.memref_slice %arg7[%mul3A_76] : memref<2048xi32, #tpu.memory_space<vmem>> -> memref<64xi32, #tpu.memory_space<vmem>>
      %dma_wait3A_82 = arith.constant 0 : i32
      %dma_wait3A_83 = arith.constant 0 : i32
      %dma_wait3A_84 = tpu.memref_slice %arg19[%dma_wait3A_82, %dma_wait3A_83] : memref<1024x128xi32, #tpu.memory_space<vmem_shared>> -> memref<1024x128xi32, #tpu.memory_space<vmem_shared>>
      tpu.wait_indirect_dma semaphore(%arg21 : memref<!tpu.dma_semaphore, #tpu.memory_space<semaphore_mem>>) src(%dma_wait3A_84 : memref<1024x128xi32, #tpu.memory_space<vmem_shared>>) dst(%arg10 : memref<64x128xi32, #tpu.memory_space<vmem>>)
      %gt3A = arith.constant 0 : i32
      %gt3A_85 = arith.cmpi sgt, %scan3A_68, %gt3A : i32
      %convert_element_type3A = arith.extui %gt3A_85 : i1 to i32
      %cond3A = arith.constant 0 : i32
      %cond3A_86 = arith.cmpi ne, %convert_element_type3A, %cond3A : i32
      scf.if %cond3A_86 {
        %sub3A_217 = arith.constant 2 : i32
        %sub3A_218 = arith.subi %add3A_72, %sub3A_217 : i32
        %mul3A_219 = arith.constant 64 : i32
        %mul3A_220 = arith.muli %sub3A_218, %mul3A_219 : i32
        %add3A_221 = arith.addi %mul3A_2, %mul3A_220 : i32
        %dma_wait3A_222 = arith.constant 0 : i32
        %dma_wait3A_223 = tpu.memref_slice %arg4[%add3A_221, %dma_wait3A_222] : memref<65536x256xf32, #tpu.memory_space<hbm>> -> memref<64x256xf32, #tpu.memory_space<hbm>>
        %dma_wait3A_224 = arith.constant 0 : i32
        %dma_wait3A_225 = tpu.memref_slice %arg4[%add3A_221, %dma_wait3A_224] : memref<65536x256xf32, #tpu.memory_space<hbm>> -> memref<64x256xf32, #tpu.memory_space<hbm>>
        tpu.wait_dma2 semaphore(%arg28 : memref<!tpu.dma_semaphore, #tpu.memory_space<semaphore_mem>>) src(%arg17 : memref<64x256xf32, #tpu.memory_space<vmem>>) dst(%dma_wait3A_225 : memref<64x256xf32, #tpu.memory_space<hbm>>)
      } else {
      }
      %parallel_loop3A = arith.constant 0 : i32
      %parallel_loop3A_87 = arith.constant 64 : i32
      %parallel_loop3A_88 = arith.constant 1 : i32
      scf.for %parallel_loop3A_217 = %parallel_loop3A to %parallel_loop3A_87 step %parallel_loop3A_88  : i32 {
        %parallel_loop3A_218 = arith.constant 64 : i32
        %parallel_loop3A_219 = arith.muli %add3A_72, %parallel_loop3A_218 : i32
        %parallel_loop3A_220 = arith.constant 16 : i32
        %parallel_loop3A_221 = arith.divsi %parallel_loop3A_217, %parallel_loop3A_220 : i32
        %parallel_loop3A_222 = arith.constant 0 : i32
        %parallel_loop3A_223 = arith.cmpi sgt, %parallel_loop3A_217, %parallel_loop3A_222 : i32
        %parallel_loop3A_224 = arith.extui %parallel_loop3A_223 : i1 to i32
        %parallel_loop3A_225 = arith.constant 0 : i32
        %parallel_loop3A_226 = arith.cmpi slt, %parallel_loop3A_217, %parallel_loop3A_225 : i32
        %parallel_loop3A_227 = arith.extui %parallel_loop3A_226 : i1 to i32
        %parallel_loop3A_228 = arith.subi %parallel_loop3A_224, %parallel_loop3A_227 : i32
        %parallel_loop3A_229 = arith.constant 0 : i32
        %parallel_loop3A_230 = arith.cmpi sgt, %parallel_loop3A_220, %parallel_loop3A_229 : i32
        %parallel_loop3A_231 = arith.extui %parallel_loop3A_230 : i1 to i32
        %parallel_loop3A_232 = arith.constant 0 : i32
        %parallel_loop3A_233 = arith.cmpi slt, %parallel_loop3A_220, %parallel_loop3A_232 : i32
        %parallel_loop3A_234 = arith.extui %parallel_loop3A_233 : i1 to i32
        %parallel_loop3A_235 = arith.subi %parallel_loop3A_231, %parallel_loop3A_234 : i32
        %parallel_loop3A_236 = arith.cmpi ne, %parallel_loop3A_228, %parallel_loop3A_235 : i32
        %parallel_loop3A_237 = arith.remsi %parallel_loop3A_217, %parallel_loop3A_220 : i32
        %parallel_loop3A_238 = arith.constant 0 : i32
        %parallel_loop3A_239 = arith.cmpi ne, %parallel_loop3A_237, %parallel_loop3A_238 : i32
        %parallel_loop3A_240 = arith.andi %parallel_loop3A_236, %parallel_loop3A_239 : i1
        %parallel_loop3A_241 = arith.constant 1 : i32
        %parallel_loop3A_242 = arith.subi %parallel_loop3A_221, %parallel_loop3A_241 : i32
        %parallel_loop3A_243 = arith.select %parallel_loop3A_240, %parallel_loop3A_242, %parallel_loop3A_221 : i32
        %parallel_loop3A_244 = arith.constant 16 : i32
        %parallel_loop3A_245 = arith.muli %parallel_loop3A_243, %parallel_loop3A_244 : i32
        %parallel_loop3A_246 = arith.addi %parallel_loop3A_219, %parallel_loop3A_245 : i32
        %parallel_loop3A_247 = arith.index_cast %parallel_loop3A_246 : i32 to index
        %parallel_loop3A_248 = tpu.vector_load %arg8[%parallel_loop3A_247] {strides = array<i32>} : memref<2048xf32, #tpu.memory_space<vmem>>, vector<16xf32>,
        %parallel_loop3A_249 = arith.constant 16 : i32
        %parallel_loop3A_250 = arith.constant 0 : i32
        %parallel_loop3A_251 = arith.cmpi eq, %parallel_loop3A_249, %parallel_loop3A_250 : i32
        %parallel_loop3A_252 = arith.constant 1 : i32
        %parallel_loop3A_253 = arith.select %parallel_loop3A_251, %parallel_loop3A_252, %parallel_loop3A_249 : i32
        %parallel_loop3A_254 = arith.remsi %parallel_loop3A_217, %parallel_loop3A_253 : i32
        %parallel_loop3A_255 = arith.constant 0 : i32
        %parallel_loop3A_256 = arith.cmpi ne, %parallel_loop3A_254, %parallel_loop3A_255 : i32
        %parallel_loop3A_257 = arith.constant 0 : i32
        %parallel_loop3A_258 = arith.cmpi slt, %parallel_loop3A_254, %parallel_loop3A_257 : i32
        %parallel_loop3A_259 = arith.constant 0 : i32
        %parallel_loop3A_260 = arith.cmpi slt, %parallel_loop3A_253, %parallel_loop3A_259 : i32
        %parallel_loop3A_261 = arith.xori %parallel_loop3A_258, %parallel_loop3A_260 : i1
        %parallel_loop3A_262 = arith.andi %parallel_loop3A_261, %parallel_loop3A_256 : i1
        %parallel_loop3A_263 = arith.addi %parallel_loop3A_254, %parallel_loop3A_253 : i32
        %parallel_loop3A_264 = arith.select %parallel_loop3A_262, %parallel_loop3A_263, %parallel_loop3A_254 : i32
        %parallel_loop3A_265 = vector.broadcast %parallel_loop3A_264 : i32 to vector<16x1xi32>
        %parallel_loop3A_266 = vector.shape_cast %parallel_loop3A_265 : vector<16x1xi32> to vector<16xi32>
        %parallel_loop3A_267 = tpu.dynamic_gather %parallel_loop3A_248[%parallel_loop3A_266] in [0] : vector<16xf32>, vector<16xi32> -> vector<16xf32>
        %parallel_loop3A_268 = tpu.pack_subelements %parallel_loop3A_267, %parallel_loop3A_267 {pack_format = #tpu.pack_format<interleaved>, positions = array<i32: 0, 1>} : vector<16xf32>, vector<16xf32> -> vector<32xbf16>
        %parallel_loop3A_269 = arith.index_cast %parallel_loop3A_217 : i32 to index
        %parallel_loop3A_270 = arith.constant 0 : index
        %parallel_loop3A_271 = tpu.vector_load %arg9[%parallel_loop3A_269, %parallel_loop3A_270] {strides = array<i32>} : memref<64x128xi32, #tpu.memory_space<vmem>>, vector<16xi32>,
        %parallel_loop3A_272 = vector.bitcast %parallel_loop3A_271 : vector<16xi32> to vector<32xbf16>
        %parallel_loop3A_273 = arith.index_cast %parallel_loop3A_217 : i32 to index
        %parallel_loop3A_274 = arith.constant 0 : index
        %parallel_loop3A_275 = tpu.vector_load %arg10[%parallel_loop3A_273, %parallel_loop3A_274] {strides = array<i32>} : memref<64x128xi32, #tpu.memory_space<vmem>>, vector<16xi32>,
        %parallel_loop3A_276 = vector.bitcast %parallel_loop3A_275 : vector<16xi32> to vector<32xbf16>
        %parallel_loop3A_277 = arith.subf %parallel_loop3A_276, %parallel_loop3A_272 : vector<32xbf16>
        %parallel_loop3A_278 = arith.mulf %parallel_loop3A_268, %parallel_loop3A_277 : vector<32xbf16>
        %parallel_loop3A_279 = arith.addf %parallel_loop3A_272, %parallel_loop3A_278 : vector<32xbf16>
        %parallel_loop3A_280 = tpu.unpack_subelements %parallel_loop3A_279, 0 {pack_format = #tpu.pack_format<interleaved>} : vector<32xbf16> -> vector<16xf32>
        %parallel_loop3A_281 = tpu.unpack_subelements %parallel_loop3A_279, 1 {pack_format = #tpu.pack_format<interleaved>} : vector<32xbf16> -> vector<16xf32>
        %parallel_loop3A_282 = arith.index_cast %parallel_loop3A_217 : i32 to index
        %parallel_loop3A_283 = arith.constant 0 : index
        %parallel_loop3A_284 = tpu.vector_load %arg17[%parallel_loop3A_282, %parallel_loop3A_283] {strides = array<i32>} : memref<64x256xf32, #tpu.memory_space<vmem>>, vector<16xf32>,
        tpu.vector_store %arg17[%parallel_loop3A_282, %parallel_loop3A_283], %parallel_loop3A_280 {strides = array<i32>} : memref<64x256xf32, #tpu.memory_space<vmem>>, vector<16xf32>,
        %parallel_loop3A_285 = arith.index_cast %parallel_loop3A_217 : i32 to index
        %parallel_loop3A_286 = arith.constant 16 : index
        %parallel_loop3A_287 = tpu.vector_load %arg17[%parallel_loop3A_285, %parallel_loop3A_286] {strides = array<i32>} : memref<64x256xf32, #tpu.memory_space<vmem>>, vector<16xf32>,
        tpu.vector_store %arg17[%parallel_loop3A_285, %parallel_loop3A_286], %parallel_loop3A_281 {strides = array<i32>} : memref<64x256xf32, #tpu.memory_space<vmem>>, vector<16xf32>,
        %parallel_loop3A_288 = arith.index_cast %parallel_loop3A_217 : i32 to index
        %parallel_loop3A_289 = arith.constant 16 : index
        %parallel_loop3A_290 = tpu.vector_load %arg9[%parallel_loop3A_288, %parallel_loop3A_289] {strides = array<i32>} : memref<64x128xi32, #tpu.memory_space<vmem>>, vector<16xi32>,
        %parallel_loop3A_291 = vector.bitcast %parallel_loop3A_290 : vector<16xi32> to vector<32xbf16>
        %parallel_loop3A_292 = arith.index_cast %parallel_loop3A_217 : i32 to index
        %parallel_loop3A_293 = arith.constant 16 : index
        %parallel_loop3A_294 = tpu.vector_load %arg10[%parallel_loop3A_292, %parallel_loop3A_293] {strides = array<i32>} : memref<64x128xi32, #tpu.memory_space<vmem>>, vector<16xi32>,
        %parallel_loop3A_295 = vector.bitcast %parallel_loop3A_294 : vector<16xi32> to vector<32xbf16>
        %parallel_loop3A_296 = arith.subf %parallel_loop3A_295, %parallel_loop3A_291 : vector<32xbf16>
        %parallel_loop3A_297 = arith.mulf %parallel_loop3A_268, %parallel_loop3A_296 : vector<32xbf16>
        %parallel_loop3A_298 = arith.addf %parallel_loop3A_291, %parallel_loop3A_297 : vector<32xbf16>
        %parallel_loop3A_299 = tpu.unpack_subelements %parallel_loop3A_298, 0 {pack_format = #tpu.pack_format<interleaved>} : vector<32xbf16> -> vector<16xf32>
        %parallel_loop3A_300 = tpu.unpack_subelements %parallel_loop3A_298, 1 {pack_format = #tpu.pack_format<interleaved>} : vector<32xbf16> -> vector<16xf32>
        %parallel_loop3A_301 = arith.index_cast %parallel_loop3A_217 : i32 to index
        %parallel_loop3A_302 = arith.constant 32 : index
        %parallel_loop3A_303 = tpu.vector_load %arg17[%parallel_loop3A_301, %parallel_loop3A_302] {strides = array<i32>} : memref<64x256xf32, #tpu.memory_space<vmem>>, vector<16xf32>,
        tpu.vector_store %arg17[%parallel_loop3A_301, %parallel_loop3A_302], %parallel_loop3A_299 {strides = array<i32>} : memref<64x256xf32, #tpu.memory_space<vmem>>, vector<16xf32>,
        %parallel_loop3A_304 = arith.index_cast %parallel_loop3A_217 : i32 to index
        %parallel_loop3A_305 = arith.constant 48 : index
        %parallel_loop3A_306 = tpu.vector_load %arg17[%parallel_loop3A_304, %parallel_loop3A_305] {strides = array<i32>} : memref<64x256xf32, #tpu.memory_space<vmem>>, vector<16xf32>,
        tpu.vector_store %arg17[%parallel_loop3A_304, %parallel_loop3A_305], %parallel_loop3A_300 {strides = array<i32>} : memref<64x256xf32, #tpu.memory_space<vmem>>, vector<16xf32>,
        %parallel_loop3A_307 = arith.index_cast %parallel_loop3A_217 : i32 to index
        %parallel_loop3A_308 = arith.constant 32 : index
        %parallel_loop3A_309 = tpu.vector_load %arg9[%parallel_loop3A_307, %parallel_loop3A_308] {strides = array<i32>} : memref<64x128xi32, #tpu.memory_space<vmem>>, vector<16xi32>,
        %parallel_loop3A_310 = vector.bitcast %parallel_loop3A_309 : vector<16xi32> to vector<32xbf16>
        %parallel_loop3A_311 = arith.index_cast %parallel_loop3A_217 : i32 to index
        %parallel_loop3A_312 = arith.constant 32 : index
        %parallel_loop3A_313 = tpu.vector_load %arg10[%parallel_loop3A_311, %parallel_loop3A_312] {strides = array<i32>} : memref<64x128xi32, #tpu.memory_space<vmem>>, vector<16xi32>,
        %parallel_loop3A_314 = vector.bitcast %parallel_loop3A_313 : vector<16xi32> to vector<32xbf16>
        %parallel_loop3A_315 = arith.subf %parallel_loop3A_314, %parallel_loop3A_310 : vector<32xbf16>
        %parallel_loop3A_316 = arith.mulf %parallel_loop3A_268, %parallel_loop3A_315 : vector<32xbf16>
        %parallel_loop3A_317 = arith.addf %parallel_loop3A_310, %parallel_loop3A_316 : vector<32xbf16>
        %parallel_loop3A_318 = tpu.unpack_subelements %parallel_loop3A_317, 0 {pack_format = #tpu.pack_format<interleaved>} : vector<32xbf16> -> vector<16xf32>
        %parallel_loop3A_319 = tpu.unpack_subelements %parallel_loop3A_317, 1 {pack_format = #tpu.pack_format<interleaved>} : vector<32xbf16> -> vector<16xf32>
        %parallel_loop3A_320 = arith.index_cast %parallel_loop3A_217 : i32 to index
        %parallel_loop3A_321 = arith.constant 64 : index
        %parallel_loop3A_322 = tpu.vector_load %arg17[%parallel_loop3A_320, %parallel_loop3A_321] {strides = array<i32>} : memref<64x256xf32, #tpu.memory_space<vmem>>, vector<16xf32>,
        tpu.vector_store %arg17[%parallel_loop3A_320, %parallel_loop3A_321], %parallel_loop3A_318 {strides = array<i32>} : memref<64x256xf32, #tpu.memory_space<vmem>>, vector<16xf32>,
        %parallel_loop3A_323 = arith.index_cast %parallel_loop3A_217 : i32 to index
        %parallel_loop3A_324 = arith.constant 80 : index
        %parallel_loop3A_325 = tpu.vector_load %arg17[%parallel_loop3A_323, %parallel_loop3A_324] {strides = array<i32>} : memref<64x256xf32, #tpu.memory_space<vmem>>, vector<16xf32>,
        tpu.vector_store %arg17[%parallel_loop3A_323, %parallel_loop3A_324], %parallel_loop3A_319 {strides = array<i32>} : memref<64x256xf32, #tpu.memory_space<vmem>>, vector<16xf32>,
        %parallel_loop3A_326 = arith.index_cast %parallel_loop3A_217 : i32 to index
        %parallel_loop3A_327 = arith.constant 48 : index
        %parallel_loop3A_328 = tpu.vector_load %arg9[%parallel_loop3A_326, %parallel_loop3A_327] {strides = array<i32>} : memref<64x128xi32, #tpu.memory_space<vmem>>, vector<16xi32>,
        %parallel_loop3A_329 = vector.bitcast %parallel_loop3A_328 : vector<16xi32> to vector<32xbf16>
        %parallel_loop3A_330 = arith.index_cast %parallel_loop3A_217 : i32 to index
        %parallel_loop3A_331 = arith.constant 48 : index
        %parallel_loop3A_332 = tpu.vector_load %arg10[%parallel_loop3A_330, %parallel_loop3A_331] {strides = array<i32>} : memref<64x128xi32, #tpu.memory_space<vmem>>, vector<16xi32>,
        %parallel_loop3A_333 = vector.bitcast %parallel_loop3A_332 : vector<16xi32> to vector<32xbf16>
        %parallel_loop3A_334 = tpu.unpack_subelements %parallel_loop3A_329, 0 {pack_format = #tpu.pack_format<interleaved>} : vector<32xbf16> -> vector<16xf32>
        %parallel_loop3A_335 = tpu.unpack_subelements %parallel_loop3A_329, 1 {pack_format = #tpu.pack_format<interleaved>} : vector<32xbf16> -> vector<16xf32>
        %parallel_loop3A_336 = tpu.unpack_subelements %parallel_loop3A_333, 0 {pack_format = #tpu.pack_format<interleaved>} : vector<32xbf16> -> vector<16xf32>
        %parallel_loop3A_337 = tpu.unpack_subelements %parallel_loop3A_333, 1 {pack_format = #tpu.pack_format<interleaved>} : vector<32xbf16> -> vector<16xf32>
        %parallel_loop3A_338 = arith.subf %parallel_loop3A_336, %parallel_loop3A_334 : vector<16xf32>
        %parallel_loop3A_339 = arith.mulf %parallel_loop3A_267, %parallel_loop3A_338 : vector<16xf32>
        %parallel_loop3A_340 = arith.addf %parallel_loop3A_334, %parallel_loop3A_339 : vector<16xf32>
        %parallel_loop3A_341 = arith.subf %parallel_loop3A_337, %parallel_loop3A_335 : vector<16xf32>
        %parallel_loop3A_342 = arith.mulf %parallel_loop3A_267, %parallel_loop3A_341 : vector<16xf32>
        %parallel_loop3A_343 = arith.addf %parallel_loop3A_335, %parallel_loop3A_342 : vector<16xf32>
        %parallel_loop3A_344 = arith.index_cast %parallel_loop3A_217 : i32 to index
        %parallel_loop3A_345 = arith.constant 96 : index
        %parallel_loop3A_346 = tpu.vector_load %arg17[%parallel_loop3A_344, %parallel_loop3A_345] {strides = array<i32>} : memref<64x256xf32, #tpu.memory_space<vmem>>, vector<16xf32>,
        tpu.vector_store %arg17[%parallel_loop3A_344, %parallel_loop3A_345], %parallel_loop3A_340 {strides = array<i32>} : memref<64x256xf32, #tpu.memory_space<vmem>>, vector<16xf32>,
        %parallel_loop3A_347 = arith.index_cast %parallel_loop3A_217 : i32 to index
        %parallel_loop3A_348 = arith.constant 112 : index
        %parallel_loop3A_349 = tpu.vector_load %arg17[%parallel_loop3A_347, %parallel_loop3A_348] {strides = array<i32>} : memref<64x256xf32, #tpu.memory_space<vmem>>, vector<16xf32>,
        tpu.vector_store %arg17[%parallel_loop3A_347, %parallel_loop3A_348], %parallel_loop3A_343 {strides = array<i32>} : memref<64x256xf32, #tpu.memory_space<vmem>>, vector<16xf32>,
        %parallel_loop3A_350 = arith.index_cast %parallel_loop3A_217 : i32 to index
        %parallel_loop3A_351 = arith.constant 64 : index
        %parallel_loop3A_352 = tpu.vector_load %arg9[%parallel_loop3A_350, %parallel_loop3A_351] {strides = array<i32>} : memref<64x128xi32, #tpu.memory_space<vmem>>, vector<16xi32>,
        %parallel_loop3A_353 = vector.bitcast %parallel_loop3A_352 : vector<16xi32> to vector<32xbf16>
        %parallel_loop3A_354 = arith.index_cast %parallel_loop3A_217 : i32 to index
        %parallel_loop3A_355 = arith.constant 64 : index
        %parallel_loop3A_356 = tpu.vector_load %arg10[%parallel_loop3A_354, %parallel_loop3A_355] {strides = array<i32>} : memref<64x128xi32, #tpu.memory_space<vmem>>, vector<16xi32>,
        %parallel_loop3A_357 = vector.bitcast %parallel_loop3A_356 : vector<16xi32> to vector<32xbf16>
        %parallel_loop3A_358 = arith.subf %parallel_loop3A_357, %parallel_loop3A_353 : vector<32xbf16>
        %parallel_loop3A_359 = arith.mulf %parallel_loop3A_268, %parallel_loop3A_358 : vector<32xbf16>
        %parallel_loop3A_360 = arith.addf %parallel_loop3A_353, %parallel_loop3A_359 : vector<32xbf16>
        %parallel_loop3A_361 = tpu.unpack_subelements %parallel_loop3A_360, 0 {pack_format = #tpu.pack_format<interleaved>} : vector<32xbf16> -> vector<16xf32>
        %parallel_loop3A_362 = tpu.unpack_subelements %parallel_loop3A_360, 1 {pack_format = #tpu.pack_format<interleaved>} : vector<32xbf16> -> vector<16xf32>
        %parallel_loop3A_363 = arith.index_cast %parallel_loop3A_217 : i32 to index
        %parallel_loop3A_364 = arith.constant 128 : index
        %parallel_loop3A_365 = tpu.vector_load %arg17[%parallel_loop3A_363, %parallel_loop3A_364] {strides = array<i32>} : memref<64x256xf32, #tpu.memory_space<vmem>>, vector<16xf32>,
        tpu.vector_store %arg17[%parallel_loop3A_363, %parallel_loop3A_364], %parallel_loop3A_361 {strides = array<i32>} : memref<64x256xf32, #tpu.memory_space<vmem>>, vector<16xf32>,
        %parallel_loop3A_366 = arith.index_cast %parallel_loop3A_217 : i32 to index
        %parallel_loop3A_367 = arith.constant 144 : index
        %parallel_loop3A_368 = tpu.vector_load %arg17[%parallel_loop3A_366, %parallel_loop3A_367] {strides = array<i32>} : memref<64x256xf32, #tpu.memory_space<vmem>>, vector<16xf32>,
        tpu.vector_store %arg17[%parallel_loop3A_366, %parallel_loop3A_367], %parallel_loop3A_362 {strides = array<i32>} : memref<64x256xf32, #tpu.memory_space<vmem>>, vector<16xf32>,
        %parallel_loop3A_369 = arith.index_cast %parallel_loop3A_217 : i32 to index
        %parallel_loop3A_370 = arith.constant 80 : index
        %parallel_loop3A_371 = tpu.vector_load %arg9[%parallel_loop3A_369, %parallel_loop3A_370] {strides = array<i32>} : memref<64x128xi32, #tpu.memory_space<vmem>>, vector<16xi32>,
        %parallel_loop3A_372 = vector.bitcast %parallel_loop3A_371 : vector<16xi32> to vector<32xbf16>
        %parallel_loop3A_373 = arith.index_cast %parallel_loop3A_217 : i32 to index
        %parallel_loop3A_374 = arith.constant 80 : index
        %parallel_loop3A_375 = tpu.vector_load %arg10[%parallel_loop3A_373, %parallel_loop3A_374] {strides = array<i32>} : memref<64x128xi32, #tpu.memory_space<vmem>>, vector<16xi32>,
        %parallel_loop3A_376 = vector.bitcast %parallel_loop3A_375 : vector<16xi32> to vector<32xbf16>
        %parallel_loop3A_377 = arith.subf %parallel_loop3A_376, %parallel_loop3A_372 : vector<32xbf16>
        %parallel_loop3A_378 = arith.mulf %parallel_loop3A_268, %parallel_loop3A_377 : vector<32xbf16>
        %parallel_loop3A_379 = arith.addf %parallel_loop3A_372, %parallel_loop3A_378 : vector<32xbf16>
        %parallel_loop3A_380 = tpu.unpack_subelements %parallel_loop3A_379, 0 {pack_format = #tpu.pack_format<interleaved>} : vector<32xbf16> -> vector<16xf32>
        %parallel_loop3A_381 = tpu.unpack_subelements %parallel_loop3A_379, 1 {pack_format = #tpu.pack_format<interleaved>} : vector<32xbf16> -> vector<16xf32>
        %parallel_loop3A_382 = arith.index_cast %parallel_loop3A_217 : i32 to index
        %parallel_loop3A_383 = arith.constant 160 : index
        %parallel_loop3A_384 = tpu.vector_load %arg17[%parallel_loop3A_382, %parallel_loop3A_383] {strides = array<i32>} : memref<64x256xf32, #tpu.memory_space<vmem>>, vector<16xf32>,
        tpu.vector_store %arg17[%parallel_loop3A_382, %parallel_loop3A_383], %parallel_loop3A_380 {strides = array<i32>} : memref<64x256xf32, #tpu.memory_space<vmem>>, vector<16xf32>,
        %parallel_loop3A_385 = arith.index_cast %parallel_loop3A_217 : i32 to index
        %parallel_loop3A_386 = arith.constant 176 : index
        %parallel_loop3A_387 = tpu.vector_load %arg17[%parallel_loop3A_385, %parallel_loop3A_386] {strides = array<i32>} : memref<64x256xf32, #tpu.memory_space<vmem>>, vector<16xf32>,
        tpu.vector_store %arg17[%parallel_loop3A_385, %parallel_loop3A_386], %parallel_loop3A_381 {strides = array<i32>} : memref<64x256xf32, #tpu.memory_space<vmem>>, vector<16xf32>,
        %parallel_loop3A_388 = arith.index_cast %parallel_loop3A_217 : i32 to index
        %parallel_loop3A_389 = arith.constant 96 : index
        %parallel_loop3A_390 = tpu.vector_load %arg9[%parallel_loop3A_388, %parallel_loop3A_389] {strides = array<i32>} : memref<64x128xi32, #tpu.memory_space<vmem>>, vector<16xi32>,
        %parallel_loop3A_391 = vector.bitcast %parallel_loop3A_390 : vector<16xi32> to vector<32xbf16>
        %parallel_loop3A_392 = arith.index_cast %parallel_loop3A_217 : i32 to index
        %parallel_loop3A_393 = arith.constant 96 : index
        %parallel_loop3A_394 = tpu.vector_load %arg10[%parallel_loop3A_392, %parallel_loop3A_393] {strides = array<i32>} : memref<64x128xi32, #tpu.memory_space<vmem>>, vector<16xi32>,
        %parallel_loop3A_395 = vector.bitcast %parallel_loop3A_394 : vector<16xi32> to vector<32xbf16>
        %parallel_loop3A_396 = arith.subf %parallel_loop3A_395, %parallel_loop3A_391 : vector<32xbf16>
        %parallel_loop3A_397 = arith.mulf %parallel_loop3A_268, %parallel_loop3A_396 : vector<32xbf16>
        %parallel_loop3A_398 = arith.addf %parallel_loop3A_391, %parallel_loop3A_397 : vector<32xbf16>
        %parallel_loop3A_399 = tpu.unpack_subelements %parallel_loop3A_398, 0 {pack_format = #tpu.pack_format<interleaved>} : vector<32xbf16> -> vector<16xf32>
        %parallel_loop3A_400 = tpu.unpack_subelements %parallel_loop3A_398, 1 {pack_format = #tpu.pack_format<interleaved>} : vector<32xbf16> -> vector<16xf32>
        %parallel_loop3A_401 = arith.index_cast %parallel_loop3A_217 : i32 to index
        %parallel_loop3A_402 = arith.constant 192 : index
        %parallel_loop3A_403 = tpu.vector_load %arg17[%parallel_loop3A_401, %parallel_loop3A_402] {strides = array<i32>} : memref<64x256xf32, #tpu.memory_space<vmem>>, vector<16xf32>,
        tpu.vector_store %arg17[%parallel_loop3A_401, %parallel_loop3A_402], %parallel_loop3A_399 {strides = array<i32>} : memref<64x256xf32, #tpu.memory_space<vmem>>, vector<16xf32>,
        %parallel_loop3A_404 = arith.index_cast %parallel_loop3A_217 : i32 to index
        %parallel_loop3A_405 = arith.constant 208 : index
        %parallel_loop3A_406 = tpu.vector_load %arg17[%parallel_loop3A_404, %parallel_loop3A_405] {strides = array<i32>} : memref<64x256xf32, #tpu.memory_space<vmem>>, vector<16xf32>,
        tpu.vector_store %arg17[%parallel_loop3A_404, %parallel_loop3A_405], %parallel_loop3A_400 {strides = array<i32>} : memref<64x256xf32, #tpu.memory_space<vmem>>, vector<16xf32>,
        %parallel_loop3A_407 = arith.index_cast %parallel_loop3A_217 : i32 to index
        %parallel_loop3A_408 = arith.constant 112 : index
        %parallel_loop3A_409 = tpu.vector_load %arg9[%parallel_loop3A_407, %parallel_loop3A_408] {strides = array<i32>} : memref<64x128xi32, #tpu.memory_space<vmem>>, vector<16xi32>,
        %parallel_loop3A_410 = vector.bitcast %parallel_loop3A_409 : vector<16xi32> to vector<32xbf16>
        %parallel_loop3A_411 = arith.index_cast %parallel_loop3A_217 : i32 to index
        %parallel_loop3A_412 = arith.constant 112 : index
        %parallel_loop3A_413 = tpu.vector_load %arg10[%parallel_loop3A_411, %parallel_loop3A_412] {strides = array<i32>} : memref<64x128xi32, #tpu.memory_space<vmem>>, vector<16xi32>,
        %parallel_loop3A_414 = vector.bitcast %parallel_loop3A_413 : vector<16xi32> to vector<32xbf16>
        %parallel_loop3A_415 = tpu.unpack_subelements %parallel_loop3A_410, 0 {pack_format = #tpu.pack_format<interleaved>} : vector<32xbf16> -> vector<16xf32>
        %parallel_loop3A_416 = tpu.unpack_subelements %parallel_loop3A_410, 1 {pack_format = #tpu.pack_format<interleaved>} : vector<32xbf16> -> vector<16xf32>
        %parallel_loop3A_417 = tpu.unpack_subelements %parallel_loop3A_414, 0 {pack_format = #tpu.pack_format<interleaved>} : vector<32xbf16> -> vector<16xf32>
        %parallel_loop3A_418 = tpu.unpack_subelements %parallel_loop3A_414, 1 {pack_format = #tpu.pack_format<interleaved>} : vector<32xbf16> -> vector<16xf32>
        %parallel_loop3A_419 = arith.subf %parallel_loop3A_417, %parallel_loop3A_415 : vector<16xf32>
        %parallel_loop3A_420 = arith.mulf %parallel_loop3A_267, %parallel_loop3A_419 : vector<16xf32>
        %parallel_loop3A_421 = arith.addf %parallel_loop3A_415, %parallel_loop3A_420 : vector<16xf32>
        %parallel_loop3A_422 = arith.subf %parallel_loop3A_418, %parallel_loop3A_416 : vector<16xf32>
        %parallel_loop3A_423 = arith.mulf %parallel_loop3A_267, %parallel_loop3A_422 : vector<16xf32>
        %parallel_loop3A_424 = arith.addf %parallel_loop3A_416, %parallel_loop3A_423 : vector<16xf32>
        %parallel_loop3A_425 = arith.index_cast %parallel_loop3A_217 : i32 to index
        %parallel_loop3A_426 = arith.constant 224 : index
        %parallel_loop3A_427 = tpu.vector_load %arg17[%parallel_loop3A_425, %parallel_loop3A_426] {strides = array<i32>} : memref<64x256xf32, #tpu.memory_space<vmem>>, vector<16xf32>,
        tpu.vector_store %arg17[%parallel_loop3A_425, %parallel_loop3A_426], %parallel_loop3A_421 {strides = array<i32>} : memref<64x256xf32, #tpu.memory_space<vmem>>, vector<16xf32>,
        %parallel_loop3A_428 = arith.index_cast %parallel_loop3A_217 : i32 to index
        %parallel_loop3A_429 = arith.constant 240 : index
        %parallel_loop3A_430 = tpu.vector_load %arg17[%parallel_loop3A_428, %parallel_loop3A_429] {strides = array<i32>} : memref<64x256xf32, #tpu.memory_space<vmem>>, vector<16xf32>,
        tpu.vector_store %arg17[%parallel_loop3A_428, %parallel_loop3A_429], %parallel_loop3A_424 {strides = array<i32>} : memref<64x256xf32, #tpu.memory_space<vmem>>, vector<16xf32>,
      } {sc.loop_unroll_factor = 8 : i64, sc.parallel_access}
      %mul3A_89 = arith.constant 64 : i32
      %mul3A_90 = arith.muli %add3A_72, %mul3A_89 : i32
      %add3A_91 = arith.addi %mul3A_2, %mul3A_90 : i32
      %dma_start3A_92 = arith.constant 0 : i32
      %dma_start3A_93 = tpu.memref_slice %arg4[%add3A_91, %dma_start3A_92] : memref<65536x256xf32, #tpu.memory_space<hbm>> -> memref<64x256xf32, #tpu.memory_space<hbm>>
      %dma_start3A_94 = arith.constant 0 : i32
      %dma_start3A_95 = tpu.memref_slice %arg4[%add3A_91, %dma_start3A_94] : memref<65536x256xf32, #tpu.memory_space<hbm>> -> memref<64x256xf32, #tpu.memory_space<hbm>>
      tpu.enqueue_dma source(%arg17 : memref<64x256xf32, #tpu.memory_space<vmem>>) target(%dma_start3A_95 : memref<64x256xf32, #tpu.memory_space<hbm>>) target_semaphore(%arg28 : memref<!tpu.dma_semaphore, #tpu.memory_space<semaphore_mem>>)
      %add3A_96 = arith.constant 1 : i32
      %add3A_97 = arith.addi %scan3A_68, %add3A_96 : i32
      %lt3A = arith.constant 8 : i32
      %lt3A_98 = arith.cmpi slt, %add3A_97, %lt3A : i32
      %convert_element_type3A_99 = arith.extui %lt3A_98 : i1 to i32
      %cond3A_100 = arith.constant 0 : i32
      %cond3A_101 = arith.cmpi ne, %convert_element_type3A_99, %cond3A_100 : i32
      scf.if %cond3A_101 {
        %add3A_217 = arith.constant 4 : i32
        %add3A_218 = arith.addi %add3A_72, %add3A_217 : i32
        %mul3A_219 = arith.constant 64 : i32
        %mul3A_220 = arith.muli %add3A_218, %mul3A_219 : i32
        %mul3A_221 = arith.constant 64 : i32
        %mul3A_222 = arith.muli %add3A_218, %mul3A_221 : i32
        %dma_start3A_223 = tpu.memref_slice %arg6[%mul3A_220] : memref<2048xi32, #tpu.memory_space<vmem>> -> memref<64xi32, #tpu.memory_space<vmem>>
        %dma_start3A_224 = arith.constant 0 : i32
        %dma_start3A_225 = arith.constant 0 : i32
        %dma_start3A_226 = tpu.memref_slice %arg19[%dma_start3A_224, %dma_start3A_225] : memref<1024x128xi32, #tpu.memory_space<vmem_shared>> -> memref<1024x128xi32, #tpu.memory_space<vmem_shared>>
        tpu.enqueue_indirect_dma source(%dma_start3A_226 : memref<1024x128xi32, #tpu.memory_space<vmem_shared>>) target(%arg9 : memref<64x128xi32, #tpu.memory_space<vmem>>) offsets(%dma_start3A_223 : memref<64xi32, #tpu.memory_space<vmem>>) semaphore(%arg20 : memref<!tpu.dma_semaphore, #tpu.memory_space<semaphore_mem>>)
        %dma_start3A_227 = tpu.memref_slice %arg7[%mul3A_222] : memref<2048xi32, #tpu.memory_space<vmem>> -> memref<64xi32, #tpu.memory_space<vmem>>
        %dma_start3A_228 = arith.constant 0 : i32
        %dma_start3A_229 = arith.constant 0 : i32
        %dma_start3A_230 = tpu.memref_slice %arg19[%dma_start3A_228, %dma_start3A_229] : memref<1024x128xi32, #tpu.memory_space<vmem_shared>> -> memref<1024x128xi32, #tpu.memory_space<vmem_shared>>
        tpu.enqueue_indirect_dma source(%dma_start3A_230 : memref<1024x128xi32, #tpu.memory_space<vmem_shared>>) target(%arg10 : memref<64x128xi32, #tpu.memory_space<vmem>>) offsets(%dma_start3A_227 : memref<64xi32, #tpu.memory_space<vmem>>) semaphore(%arg21 : memref<!tpu.dma_semaphore, #tpu.memory_space<semaphore_mem>>)
      } else {
      }
      %add3A_102 = arith.constant 1 : i32
      %add3A_103 = arith.addi %mul3A_70, %add3A_102 : i32
      %mul3A_104 = arith.constant 64 : i32
      %mul3A_105 = arith.muli %add3A_103, %mul3A_104 : i32
      %mul3A_106 = arith.constant 64 : i32
      %mul3A_107 = arith.muli %add3A_103, %mul3A_106 : i32
      %dma_wait3A_108 = tpu.memref_slice %arg6[%mul3A_105] : memref<2048xi32, #tpu.memory_space<vmem>> -> memref<64xi32, #tpu.memory_space<vmem>>
      %dma_wait3A_109 = arith.constant 0 : i32
      %dma_wait3A_110 = arith.constant 0 : i32
      %dma_wait3A_111 = tpu.memref_slice %arg19[%dma_wait3A_109, %dma_wait3A_110] : memref<1024x128xi32, #tpu.memory_space<vmem_shared>> -> memref<1024x128xi32, #tpu.memory_space<vmem_shared>>
      tpu.wait_indirect_dma semaphore(%arg22 : memref<!tpu.dma_semaphore, #tpu.memory_space<semaphore_mem>>) src(%dma_wait3A_111 : memref<1024x128xi32, #tpu.memory_space<vmem_shared>>) dst(%arg11 : memref<64x128xi32, #tpu.memory_space<vmem>>)
      %dma_wait3A_112 = tpu.memref_slice %arg7[%mul3A_107] : memref<2048xi32, #tpu.memory_space<vmem>> -> memref<64xi32, #tpu.memory_space<vmem>>
      %dma_wait3A_113 = arith.constant 0 : i32
      %dma_wait3A_114 = arith.constant 0 : i32
      %dma_wait3A_115 = tpu.memref_slice %arg19[%dma_wait3A_113, %dma_wait3A_114] : memref<1024x128xi32, #tpu.memory_space<vmem_shared>> -> memref<1024x128xi32, #tpu.memory_space<vmem_shared>>
      tpu.wait_indirect_dma semaphore(%arg23 : memref<!tpu.dma_semaphore, #tpu.memory_space<semaphore_mem>>) src(%dma_wait3A_115 : memref<1024x128xi32, #tpu.memory_space<vmem_shared>>) dst(%arg12 : memref<64x128xi32, #tpu.memory_space<vmem>>)
      %gt3A_116 = arith.constant 0 : i32
      %gt3A_117 = arith.cmpi sgt, %scan3A_68, %gt3A_116 : i32
      %convert_element_type3A_118 = arith.extui %gt3A_117 : i1 to i32
      %cond3A_119 = arith.constant 0 : i32
      %cond3A_120 = arith.cmpi ne, %convert_element_type3A_118, %cond3A_119 : i32
      scf.if %cond3A_120 {
        %sub3A_217 = arith.constant 2 : i32
        %sub3A_218 = arith.subi %add3A_103, %sub3A_217 : i32
        %mul3A_219 = arith.constant 64 : i32
        %mul3A_220 = arith.muli %sub3A_218, %mul3A_219 : i32
        %add3A_221 = arith.addi %mul3A_2, %mul3A_220 : i32
        %dma_wait3A_222 = arith.constant 0 : i32
        %dma_wait3A_223 = tpu.memref_slice %arg4[%add3A_221, %dma_wait3A_222] : memref<65536x256xf32, #tpu.memory_space<hbm>> -> memref<64x256xf32, #tpu.memory_space<hbm>>
        %dma_wait3A_224 = arith.constant 0 : i32
        %dma_wait3A_225 = tpu.memref_slice %arg4[%add3A_221, %dma_wait3A_224] : memref<65536x256xf32, #tpu.memory_space<hbm>> -> memref<64x256xf32, #tpu.memory_space<hbm>>
        tpu.wait_dma2 semaphore(%arg29 : memref<!tpu.dma_semaphore, #tpu.memory_space<semaphore_mem>>) src(%arg18 : memref<64x256xf32, #tpu.memory_space<vmem>>) dst(%dma_wait3A_225 : memref<64x256xf32, #tpu.memory_space<hbm>>)
      } else {
      }
      %parallel_loop3A_121 = arith.constant 0 : i32
      %parallel_loop3A_122 = arith.constant 64 : i32
      %parallel_loop3A_123 = arith.constant 1 : i32
      scf.for %parallel_loop3A_217 = %parallel_loop3A_121 to %parallel_loop3A_122 step %parallel_loop3A_123  : i32 {
        %parallel_loop3A_218 = arith.constant 64 : i32
        %parallel_loop3A_219 = arith.muli %add3A_103, %parallel_loop3A_218 : i32
        %parallel_loop3A_220 = arith.constant 16 : i32
        %parallel_loop3A_221 = arith.divsi %parallel_loop3A_217, %parallel_loop3A_220 : i32
        %parallel_loop3A_222 = arith.constant 0 : i32
        %parallel_loop3A_223 = arith.cmpi sgt, %parallel_loop3A_217, %parallel_loop3A_222 : i32
        %parallel_loop3A_224 = arith.extui %parallel_loop3A_223 : i1 to i32
        %parallel_loop3A_225 = arith.constant 0 : i32
        %parallel_loop3A_226 = arith.cmpi slt, %parallel_loop3A_217, %parallel_loop3A_225 : i32
        %parallel_loop3A_227 = arith.extui %parallel_loop3A_226 : i1 to i32
        %parallel_loop3A_228 = arith.subi %parallel_loop3A_224, %parallel_loop3A_227 : i32
        %parallel_loop3A_229 = arith.constant 0 : i32
        %parallel_loop3A_230 = arith.cmpi sgt, %parallel_loop3A_220, %parallel_loop3A_229 : i32
        %parallel_loop3A_231 = arith.extui %parallel_loop3A_230 : i1 to i32
        %parallel_loop3A_232 = arith.constant 0 : i32
        %parallel_loop3A_233 = arith.cmpi slt, %parallel_loop3A_220, %parallel_loop3A_232 : i32
        %parallel_loop3A_234 = arith.extui %parallel_loop3A_233 : i1 to i32
        %parallel_loop3A_235 = arith.subi %parallel_loop3A_231, %parallel_loop3A_234 : i32
        %parallel_loop3A_236 = arith.cmpi ne, %parallel_loop3A_228, %parallel_loop3A_235 : i32
        %parallel_loop3A_237 = arith.remsi %parallel_loop3A_217, %parallel_loop3A_220 : i32
        %parallel_loop3A_238 = arith.constant 0 : i32
        %parallel_loop3A_239 = arith.cmpi ne, %parallel_loop3A_237, %parallel_loop3A_238 : i32
        %parallel_loop3A_240 = arith.andi %parallel_loop3A_236, %parallel_loop3A_239 : i1
        %parallel_loop3A_241 = arith.constant 1 : i32
        %parallel_loop3A_242 = arith.subi %parallel_loop3A_221, %parallel_loop3A_241 : i32
        %parallel_loop3A_243 = arith.select %parallel_loop3A_240, %parallel_loop3A_242, %parallel_loop3A_221 : i32
        %parallel_loop3A_244 = arith.constant 16 : i32
        %parallel_loop3A_245 = arith.muli %parallel_loop3A_243, %parallel_loop3A_244 : i32
        %parallel_loop3A_246 = arith.addi %parallel_loop3A_219, %parallel_loop3A_245 : i32
        %parallel_loop3A_247 = arith.index_cast %parallel_loop3A_246 : i32 to index
        %parallel_loop3A_248 = tpu.vector_load %arg8[%parallel_loop3A_247] {strides = array<i32>} : memref<2048xf32, #tpu.memory_space<vmem>>, vector<16xf32>,
        %parallel_loop3A_249 = arith.constant 16 : i32
        %parallel_loop3A_250 = arith.constant 0 : i32
        %parallel_loop3A_251 = arith.cmpi eq, %parallel_loop3A_249, %parallel_loop3A_250 : i32
        %parallel_loop3A_252 = arith.constant 1 : i32
        %parallel_loop3A_253 = arith.select %parallel_loop3A_251, %parallel_loop3A_252, %parallel_loop3A_249 : i32
        %parallel_loop3A_254 = arith.remsi %parallel_loop3A_217, %parallel_loop3A_253 : i32
        %parallel_loop3A_255 = arith.constant 0 : i32
        %parallel_loop3A_256 = arith.cmpi ne, %parallel_loop3A_254, %parallel_loop3A_255 : i32
        %parallel_loop3A_257 = arith.constant 0 : i32
        %parallel_loop3A_258 = arith.cmpi slt, %parallel_loop3A_254, %parallel_loop3A_257 : i32
        %parallel_loop3A_259 = arith.constant 0 : i32
        %parallel_loop3A_260 = arith.cmpi slt, %parallel_loop3A_253, %parallel_loop3A_259 : i32
        %parallel_loop3A_261 = arith.xori %parallel_loop3A_258, %parallel_loop3A_260 : i1
        %parallel_loop3A_262 = arith.andi %parallel_loop3A_261, %parallel_loop3A_256 : i1
        %parallel_loop3A_263 = arith.addi %parallel_loop3A_254, %parallel_loop3A_253 : i32
        %parallel_loop3A_264 = arith.select %parallel_loop3A_262, %parallel_loop3A_263, %parallel_loop3A_254 : i32
        %parallel_loop3A_265 = vector.broadcast %parallel_loop3A_264 : i32 to vector<16x1xi32>
        %parallel_loop3A_266 = vector.shape_cast %parallel_loop3A_265 : vector<16x1xi32> to vector<16xi32>
        %parallel_loop3A_267 = tpu.dynamic_gather %parallel_loop3A_248[%parallel_loop3A_266] in [0] : vector<16xf32>, vector<16xi32> -> vector<16xf32>
        %parallel_loop3A_268 = tpu.pack_subelements %parallel_loop3A_267, %parallel_loop3A_267 {pack_format = #tpu.pack_format<interleaved>, positions = array<i32: 0, 1>} : vector<16xf32>, vector<16xf32> -> vector<32xbf16>
        %parallel_loop3A_269 = arith.index_cast %parallel_loop3A_217 : i32 to index
        %parallel_loop3A_270 = arith.constant 0 : index
        %parallel_loop3A_271 = tpu.vector_load %arg11[%parallel_loop3A_269, %parallel_loop3A_270] {strides = array<i32>} : memref<64x128xi32, #tpu.memory_space<vmem>>, vector<16xi32>,
        %parallel_loop3A_272 = vector.bitcast %parallel_loop3A_271 : vector<16xi32> to vector<32xbf16>
        %parallel_loop3A_273 = arith.index_cast %parallel_loop3A_217 : i32 to index
        %parallel_loop3A_274 = arith.constant 0 : index
        %parallel_loop3A_275 = tpu.vector_load %arg12[%parallel_loop3A_273, %parallel_loop3A_274] {strides = array<i32>} : memref<64x128xi32, #tpu.memory_space<vmem>>, vector<16xi32>,
        %parallel_loop3A_276 = vector.bitcast %parallel_loop3A_275 : vector<16xi32> to vector<32xbf16>
        %parallel_loop3A_277 = arith.subf %parallel_loop3A_276, %parallel_loop3A_272 : vector<32xbf16>
        %parallel_loop3A_278 = arith.mulf %parallel_loop3A_268, %parallel_loop3A_277 : vector<32xbf16>
        %parallel_loop3A_279 = arith.addf %parallel_loop3A_272, %parallel_loop3A_278 : vector<32xbf16>
        %parallel_loop3A_280 = tpu.unpack_subelements %parallel_loop3A_279, 0 {pack_format = #tpu.pack_format<interleaved>} : vector<32xbf16> -> vector<16xf32>
        %parallel_loop3A_281 = tpu.unpack_subelements %parallel_loop3A_279, 1 {pack_format = #tpu.pack_format<interleaved>} : vector<32xbf16> -> vector<16xf32>
        %parallel_loop3A_282 = arith.index_cast %parallel_loop3A_217 : i32 to index
        %parallel_loop3A_283 = arith.constant 0 : index
        %parallel_loop3A_284 = tpu.vector_load %arg18[%parallel_loop3A_282, %parallel_loop3A_283] {strides = array<i32>} : memref<64x256xf32, #tpu.memory_space<vmem>>, vector<16xf32>,
        tpu.vector_store %arg18[%parallel_loop3A_282, %parallel_loop3A_283], %parallel_loop3A_280 {strides = array<i32>} : memref<64x256xf32, #tpu.memory_space<vmem>>, vector<16xf32>,
        %parallel_loop3A_285 = arith.index_cast %parallel_loop3A_217 : i32 to index
        %parallel_loop3A_286 = arith.constant 16 : index
        %parallel_loop3A_287 = tpu.vector_load %arg18[%parallel_loop3A_285, %parallel_loop3A_286] {strides = array<i32>} : memref<64x256xf32, #tpu.memory_space<vmem>>, vector<16xf32>,
        tpu.vector_store %arg18[%parallel_loop3A_285, %parallel_loop3A_286], %parallel_loop3A_281 {strides = array<i32>} : memref<64x256xf32, #tpu.memory_space<vmem>>, vector<16xf32>,
        %parallel_loop3A_288 = arith.index_cast %parallel_loop3A_217 : i32 to index
        %parallel_loop3A_289 = arith.constant 16 : index
        %parallel_loop3A_290 = tpu.vector_load %arg11[%parallel_loop3A_288, %parallel_loop3A_289] {strides = array<i32>} : memref<64x128xi32, #tpu.memory_space<vmem>>, vector<16xi32>,
        %parallel_loop3A_291 = vector.bitcast %parallel_loop3A_290 : vector<16xi32> to vector<32xbf16>
        %parallel_loop3A_292 = arith.index_cast %parallel_loop3A_217 : i32 to index
        %parallel_loop3A_293 = arith.constant 16 : index
        %parallel_loop3A_294 = tpu.vector_load %arg12[%parallel_loop3A_292, %parallel_loop3A_293] {strides = array<i32>} : memref<64x128xi32, #tpu.memory_space<vmem>>, vector<16xi32>,
        %parallel_loop3A_295 = vector.bitcast %parallel_loop3A_294 : vector<16xi32> to vector<32xbf16>
        %parallel_loop3A_296 = arith.subf %parallel_loop3A_295, %parallel_loop3A_291 : vector<32xbf16>
        %parallel_loop3A_297 = arith.mulf %parallel_loop3A_268, %parallel_loop3A_296 : vector<32xbf16>
        %parallel_loop3A_298 = arith.addf %parallel_loop3A_291, %parallel_loop3A_297 : vector<32xbf16>
        %parallel_loop3A_299 = tpu.unpack_subelements %parallel_loop3A_298, 0 {pack_format = #tpu.pack_format<interleaved>} : vector<32xbf16> -> vector<16xf32>
        %parallel_loop3A_300 = tpu.unpack_subelements %parallel_loop3A_298, 1 {pack_format = #tpu.pack_format<interleaved>} : vector<32xbf16> -> vector<16xf32>
        %parallel_loop3A_301 = arith.index_cast %parallel_loop3A_217 : i32 to index
        %parallel_loop3A_302 = arith.constant 32 : index
        %parallel_loop3A_303 = tpu.vector_load %arg18[%parallel_loop3A_301, %parallel_loop3A_302] {strides = array<i32>} : memref<64x256xf32, #tpu.memory_space<vmem>>, vector<16xf32>,
        tpu.vector_store %arg18[%parallel_loop3A_301, %parallel_loop3A_302], %parallel_loop3A_299 {strides = array<i32>} : memref<64x256xf32, #tpu.memory_space<vmem>>, vector<16xf32>,
        %parallel_loop3A_304 = arith.index_cast %parallel_loop3A_217 : i32 to index
        %parallel_loop3A_305 = arith.constant 48 : index
        %parallel_loop3A_306 = tpu.vector_load %arg18[%parallel_loop3A_304, %parallel_loop3A_305] {strides = array<i32>} : memref<64x256xf32, #tpu.memory_space<vmem>>, vector<16xf32>,
        tpu.vector_store %arg18[%parallel_loop3A_304, %parallel_loop3A_305], %parallel_loop3A_300 {strides = array<i32>} : memref<64x256xf32, #tpu.memory_space<vmem>>, vector<16xf32>,
        %parallel_loop3A_307 = arith.index_cast %parallel_loop3A_217 : i32 to index
        %parallel_loop3A_308 = arith.constant 32 : index
        %parallel_loop3A_309 = tpu.vector_load %arg11[%parallel_loop3A_307, %parallel_loop3A_308] {strides = array<i32>} : memref<64x128xi32, #tpu.memory_space<vmem>>, vector<16xi32>,
        %parallel_loop3A_310 = vector.bitcast %parallel_loop3A_309 : vector<16xi32> to vector<32xbf16>
        %parallel_loop3A_311 = arith.index_cast %parallel_loop3A_217 : i32 to index
        %parallel_loop3A_312 = arith.constant 32 : index
        %parallel_loop3A_313 = tpu.vector_load %arg12[%parallel_loop3A_311, %parallel_loop3A_312] {strides = array<i32>} : memref<64x128xi32, #tpu.memory_space<vmem>>, vector<16xi32>,
        %parallel_loop3A_314 = vector.bitcast %parallel_loop3A_313 : vector<16xi32> to vector<32xbf16>
        %parallel_loop3A_315 = arith.subf %parallel_loop3A_314, %parallel_loop3A_310 : vector<32xbf16>
        %parallel_loop3A_316 = arith.mulf %parallel_loop3A_268, %parallel_loop3A_315 : vector<32xbf16>
        %parallel_loop3A_317 = arith.addf %parallel_loop3A_310, %parallel_loop3A_316 : vector<32xbf16>
        %parallel_loop3A_318 = tpu.unpack_subelements %parallel_loop3A_317, 0 {pack_format = #tpu.pack_format<interleaved>} : vector<32xbf16> -> vector<16xf32>
        %parallel_loop3A_319 = tpu.unpack_subelements %parallel_loop3A_317, 1 {pack_format = #tpu.pack_format<interleaved>} : vector<32xbf16> -> vector<16xf32>
        %parallel_loop3A_320 = arith.index_cast %parallel_loop3A_217 : i32 to index
        %parallel_loop3A_321 = arith.constant 64 : index
        %parallel_loop3A_322 = tpu.vector_load %arg18[%parallel_loop3A_320, %parallel_loop3A_321] {strides = array<i32>} : memref<64x256xf32, #tpu.memory_space<vmem>>, vector<16xf32>,
        tpu.vector_store %arg18[%parallel_loop3A_320, %parallel_loop3A_321], %parallel_loop3A_318 {strides = array<i32>} : memref<64x256xf32, #tpu.memory_space<vmem>>, vector<16xf32>,
        %parallel_loop3A_323 = arith.index_cast %parallel_loop3A_217 : i32 to index
        %parallel_loop3A_324 = arith.constant 80 : index
        %parallel_loop3A_325 = tpu.vector_load %arg18[%parallel_loop3A_323, %parallel_loop3A_324] {strides = array<i32>} : memref<64x256xf32, #tpu.memory_space<vmem>>, vector<16xf32>,
        tpu.vector_store %arg18[%parallel_loop3A_323, %parallel_loop3A_324], %parallel_loop3A_319 {strides = array<i32>} : memref<64x256xf32, #tpu.memory_space<vmem>>, vector<16xf32>,
        %parallel_loop3A_326 = arith.index_cast %parallel_loop3A_217 : i32 to index
        %parallel_loop3A_327 = arith.constant 48 : index
        %parallel_loop3A_328 = tpu.vector_load %arg11[%parallel_loop3A_326, %parallel_loop3A_327] {strides = array<i32>} : memref<64x128xi32, #tpu.memory_space<vmem>>, vector<16xi32>,
        %parallel_loop3A_329 = vector.bitcast %parallel_loop3A_328 : vector<16xi32> to vector<32xbf16>
        %parallel_loop3A_330 = arith.index_cast %parallel_loop3A_217 : i32 to index
        %parallel_loop3A_331 = arith.constant 48 : index
        %parallel_loop3A_332 = tpu.vector_load %arg12[%parallel_loop3A_330, %parallel_loop3A_331] {strides = array<i32>} : memref<64x128xi32, #tpu.memory_space<vmem>>, vector<16xi32>,
        %parallel_loop3A_333 = vector.bitcast %parallel_loop3A_332 : vector<16xi32> to vector<32xbf16>
        %parallel_loop3A_334 = tpu.unpack_subelements %parallel_loop3A_329, 0 {pack_format = #tpu.pack_format<interleaved>} : vector<32xbf16> -> vector<16xf32>
        %parallel_loop3A_335 = tpu.unpack_subelements %parallel_loop3A_329, 1 {pack_format = #tpu.pack_format<interleaved>} : vector<32xbf16> -> vector<16xf32>
        %parallel_loop3A_336 = tpu.unpack_subelements %parallel_loop3A_333, 0 {pack_format = #tpu.pack_format<interleaved>} : vector<32xbf16> -> vector<16xf32>
        %parallel_loop3A_337 = tpu.unpack_subelements %parallel_loop3A_333, 1 {pack_format = #tpu.pack_format<interleaved>} : vector<32xbf16> -> vector<16xf32>
        %parallel_loop3A_338 = arith.subf %parallel_loop3A_336, %parallel_loop3A_334 : vector<16xf32>
        %parallel_loop3A_339 = arith.mulf %parallel_loop3A_267, %parallel_loop3A_338 : vector<16xf32>
        %parallel_loop3A_340 = arith.addf %parallel_loop3A_334, %parallel_loop3A_339 : vector<16xf32>
        %parallel_loop3A_341 = arith.subf %parallel_loop3A_337, %parallel_loop3A_335 : vector<16xf32>
        %parallel_loop3A_342 = arith.mulf %parallel_loop3A_267, %parallel_loop3A_341 : vector<16xf32>
        %parallel_loop3A_343 = arith.addf %parallel_loop3A_335, %parallel_loop3A_342 : vector<16xf32>
        %parallel_loop3A_344 = arith.index_cast %parallel_loop3A_217 : i32 to index
        %parallel_loop3A_345 = arith.constant 96 : index
        %parallel_loop3A_346 = tpu.vector_load %arg18[%parallel_loop3A_344, %parallel_loop3A_345] {strides = array<i32>} : memref<64x256xf32, #tpu.memory_space<vmem>>, vector<16xf32>,
        tpu.vector_store %arg18[%parallel_loop3A_344, %parallel_loop3A_345], %parallel_loop3A_340 {strides = array<i32>} : memref<64x256xf32, #tpu.memory_space<vmem>>, vector<16xf32>,
        %parallel_loop3A_347 = arith.index_cast %parallel_loop3A_217 : i32 to index
        %parallel_loop3A_348 = arith.constant 112 : index
        %parallel_loop3A_349 = tpu.vector_load %arg18[%parallel_loop3A_347, %parallel_loop3A_348] {strides = array<i32>} : memref<64x256xf32, #tpu.memory_space<vmem>>, vector<16xf32>,
        tpu.vector_store %arg18[%parallel_loop3A_347, %parallel_loop3A_348], %parallel_loop3A_343 {strides = array<i32>} : memref<64x256xf32, #tpu.memory_space<vmem>>, vector<16xf32>,
        %parallel_loop3A_350 = arith.index_cast %parallel_loop3A_217 : i32 to index
        %parallel_loop3A_351 = arith.constant 64 : index
        %parallel_loop3A_352 = tpu.vector_load %arg11[%parallel_loop3A_350, %parallel_loop3A_351] {strides = array<i32>} : memref<64x128xi32, #tpu.memory_space<vmem>>, vector<16xi32>,
        %parallel_loop3A_353 = vector.bitcast %parallel_loop3A_352 : vector<16xi32> to vector<32xbf16>
        %parallel_loop3A_354 = arith.index_cast %parallel_loop3A_217 : i32 to index
        %parallel_loop3A_355 = arith.constant 64 : index
        %parallel_loop3A_356 = tpu.vector_load %arg12[%parallel_loop3A_354, %parallel_loop3A_355] {strides = array<i32>} : memref<64x128xi32, #tpu.memory_space<vmem>>, vector<16xi32>,
        %parallel_loop3A_357 = vector.bitcast %parallel_loop3A_356 : vector<16xi32> to vector<32xbf16>
        %parallel_loop3A_358 = arith.subf %parallel_loop3A_357, %parallel_loop3A_353 : vector<32xbf16>
        %parallel_loop3A_359 = arith.mulf %parallel_loop3A_268, %parallel_loop3A_358 : vector<32xbf16>
        %parallel_loop3A_360 = arith.addf %parallel_loop3A_353, %parallel_loop3A_359 : vector<32xbf16>
        %parallel_loop3A_361 = tpu.unpack_subelements %parallel_loop3A_360, 0 {pack_format = #tpu.pack_format<interleaved>} : vector<32xbf16> -> vector<16xf32>
        %parallel_loop3A_362 = tpu.unpack_subelements %parallel_loop3A_360, 1 {pack_format = #tpu.pack_format<interleaved>} : vector<32xbf16> -> vector<16xf32>
        %parallel_loop3A_363 = arith.index_cast %parallel_loop3A_217 : i32 to index
        %parallel_loop3A_364 = arith.constant 128 : index
        %parallel_loop3A_365 = tpu.vector_load %arg18[%parallel_loop3A_363, %parallel_loop3A_364] {strides = array<i32>} : memref<64x256xf32, #tpu.memory_space<vmem>>, vector<16xf32>,
        tpu.vector_store %arg18[%parallel_loop3A_363, %parallel_loop3A_364], %parallel_loop3A_361 {strides = array<i32>} : memref<64x256xf32, #tpu.memory_space<vmem>>, vector<16xf32>,
        %parallel_loop3A_366 = arith.index_cast %parallel_loop3A_217 : i32 to index
        %parallel_loop3A_367 = arith.constant 144 : index
        %parallel_loop3A_368 = tpu.vector_load %arg18[%parallel_loop3A_366, %parallel_loop3A_367] {strides = array<i32>} : memref<64x256xf32, #tpu.memory_space<vmem>>, vector<16xf32>,
        tpu.vector_store %arg18[%parallel_loop3A_366, %parallel_loop3A_367], %parallel_loop3A_362 {strides = array<i32>} : memref<64x256xf32, #tpu.memory_space<vmem>>, vector<16xf32>,
        %parallel_loop3A_369 = arith.index_cast %parallel_loop3A_217 : i32 to index
        %parallel_loop3A_370 = arith.constant 80 : index
        %parallel_loop3A_371 = tpu.vector_load %arg11[%parallel_loop3A_369, %parallel_loop3A_370] {strides = array<i32>} : memref<64x128xi32, #tpu.memory_space<vmem>>, vector<16xi32>,
        %parallel_loop3A_372 = vector.bitcast %parallel_loop3A_371 : vector<16xi32> to vector<32xbf16>
        %parallel_loop3A_373 = arith.index_cast %parallel_loop3A_217 : i32 to index
        %parallel_loop3A_374 = arith.constant 80 : index
        %parallel_loop3A_375 = tpu.vector_load %arg12[%parallel_loop3A_373, %parallel_loop3A_374] {strides = array<i32>} : memref<64x128xi32, #tpu.memory_space<vmem>>, vector<16xi32>,
        %parallel_loop3A_376 = vector.bitcast %parallel_loop3A_375 : vector<16xi32> to vector<32xbf16>
        %parallel_loop3A_377 = arith.subf %parallel_loop3A_376, %parallel_loop3A_372 : vector<32xbf16>
        %parallel_loop3A_378 = arith.mulf %parallel_loop3A_268, %parallel_loop3A_377 : vector<32xbf16>
        %parallel_loop3A_379 = arith.addf %parallel_loop3A_372, %parallel_loop3A_378 : vector<32xbf16>
        %parallel_loop3A_380 = tpu.unpack_subelements %parallel_loop3A_379, 0 {pack_format = #tpu.pack_format<interleaved>} : vector<32xbf16> -> vector<16xf32>
        %parallel_loop3A_381 = tpu.unpack_subelements %parallel_loop3A_379, 1 {pack_format = #tpu.pack_format<interleaved>} : vector<32xbf16> -> vector<16xf32>
        %parallel_loop3A_382 = arith.index_cast %parallel_loop3A_217 : i32 to index
        %parallel_loop3A_383 = arith.constant 160 : index
        %parallel_loop3A_384 = tpu.vector_load %arg18[%parallel_loop3A_382, %parallel_loop3A_383] {strides = array<i32>} : memref<64x256xf32, #tpu.memory_space<vmem>>, vector<16xf32>,
        tpu.vector_store %arg18[%parallel_loop3A_382, %parallel_loop3A_383], %parallel_loop3A_380 {strides = array<i32>} : memref<64x256xf32, #tpu.memory_space<vmem>>, vector<16xf32>,
        %parallel_loop3A_385 = arith.index_cast %parallel_loop3A_217 : i32 to index
        %parallel_loop3A_386 = arith.constant 176 : index
        %parallel_loop3A_387 = tpu.vector_load %arg18[%parallel_loop3A_385, %parallel_loop3A_386] {strides = array<i32>} : memref<64x256xf32, #tpu.memory_space<vmem>>, vector<16xf32>,
        tpu.vector_store %arg18[%parallel_loop3A_385, %parallel_loop3A_386], %parallel_loop3A_381 {strides = array<i32>} : memref<64x256xf32, #tpu.memory_space<vmem>>, vector<16xf32>,
        %parallel_loop3A_388 = arith.index_cast %parallel_loop3A_217 : i32 to index
        %parallel_loop3A_389 = arith.constant 96 : index
        %parallel_loop3A_390 = tpu.vector_load %arg11[%parallel_loop3A_388, %parallel_loop3A_389] {strides = array<i32>} : memref<64x128xi32, #tpu.memory_space<vmem>>, vector<16xi32>,
        %parallel_loop3A_391 = vector.bitcast %parallel_loop3A_390 : vector<16xi32> to vector<32xbf16>
        %parallel_loop3A_392 = arith.index_cast %parallel_loop3A_217 : i32 to index
        %parallel_loop3A_393 = arith.constant 96 : index
        %parallel_loop3A_394 = tpu.vector_load %arg12[%parallel_loop3A_392, %parallel_loop3A_393] {strides = array<i32>} : memref<64x128xi32, #tpu.memory_space<vmem>>, vector<16xi32>,
        %parallel_loop3A_395 = vector.bitcast %parallel_loop3A_394 : vector<16xi32> to vector<32xbf16>
        %parallel_loop3A_396 = arith.subf %parallel_loop3A_395, %parallel_loop3A_391 : vector<32xbf16>
        %parallel_loop3A_397 = arith.mulf %parallel_loop3A_268, %parallel_loop3A_396 : vector<32xbf16>
        %parallel_loop3A_398 = arith.addf %parallel_loop3A_391, %parallel_loop3A_397 : vector<32xbf16>
        %parallel_loop3A_399 = tpu.unpack_subelements %parallel_loop3A_398, 0 {pack_format = #tpu.pack_format<interleaved>} : vector<32xbf16> -> vector<16xf32>
        %parallel_loop3A_400 = tpu.unpack_subelements %parallel_loop3A_398, 1 {pack_format = #tpu.pack_format<interleaved>} : vector<32xbf16> -> vector<16xf32>
        %parallel_loop3A_401 = arith.index_cast %parallel_loop3A_217 : i32 to index
        %parallel_loop3A_402 = arith.constant 192 : index
        %parallel_loop3A_403 = tpu.vector_load %arg18[%parallel_loop3A_401, %parallel_loop3A_402] {strides = array<i32>} : memref<64x256xf32, #tpu.memory_space<vmem>>, vector<16xf32>,
        tpu.vector_store %arg18[%parallel_loop3A_401, %parallel_loop3A_402], %parallel_loop3A_399 {strides = array<i32>} : memref<64x256xf32, #tpu.memory_space<vmem>>, vector<16xf32>,
        %parallel_loop3A_404 = arith.index_cast %parallel_loop3A_217 : i32 to index
        %parallel_loop3A_405 = arith.constant 208 : index
        %parallel_loop3A_406 = tpu.vector_load %arg18[%parallel_loop3A_404, %parallel_loop3A_405] {strides = array<i32>} : memref<64x256xf32, #tpu.memory_space<vmem>>, vector<16xf32>,
        tpu.vector_store %arg18[%parallel_loop3A_404, %parallel_loop3A_405], %parallel_loop3A_400 {strides = array<i32>} : memref<64x256xf32, #tpu.memory_space<vmem>>, vector<16xf32>,
        %parallel_loop3A_407 = arith.index_cast %parallel_loop3A_217 : i32 to index
        %parallel_loop3A_408 = arith.constant 112 : index
        %parallel_loop3A_409 = tpu.vector_load %arg11[%parallel_loop3A_407, %parallel_loop3A_408] {strides = array<i32>} : memref<64x128xi32, #tpu.memory_space<vmem>>, vector<16xi32>,
        %parallel_loop3A_410 = vector.bitcast %parallel_loop3A_409 : vector<16xi32> to vector<32xbf16>
        %parallel_loop3A_411 = arith.index_cast %parallel_loop3A_217 : i32 to index
        %parallel_loop3A_412 = arith.constant 112 : index
        %parallel_loop3A_413 = tpu.vector_load %arg12[%parallel_loop3A_411, %parallel_loop3A_412] {strides = array<i32>} : memref<64x128xi32, #tpu.memory_space<vmem>>, vector<16xi32>,
        %parallel_loop3A_414 = vector.bitcast %parallel_loop3A_413 : vector<16xi32> to vector<32xbf16>
        %parallel_loop3A_415 = tpu.unpack_subelements %parallel_loop3A_410, 0 {pack_format = #tpu.pack_format<interleaved>} : vector<32xbf16> -> vector<16xf32>
        %parallel_loop3A_416 = tpu.unpack_subelements %parallel_loop3A_410, 1 {pack_format = #tpu.pack_format<interleaved>} : vector<32xbf16> -> vector<16xf32>
        %parallel_loop3A_417 = tpu.unpack_subelements %parallel_loop3A_414, 0 {pack_format = #tpu.pack_format<interleaved>} : vector<32xbf16> -> vector<16xf32>
        %parallel_loop3A_418 = tpu.unpack_subelements %parallel_loop3A_414, 1 {pack_format = #tpu.pack_format<interleaved>} : vector<32xbf16> -> vector<16xf32>
        %parallel_loop3A_419 = arith.subf %parallel_loop3A_417, %parallel_loop3A_415 : vector<16xf32>
        %parallel_loop3A_420 = arith.mulf %parallel_loop3A_267, %parallel_loop3A_419 : vector<16xf32>
        %parallel_loop3A_421 = arith.addf %parallel_loop3A_415, %parallel_loop3A_420 : vector<16xf32>
        %parallel_loop3A_422 = arith.subf %parallel_loop3A_418, %parallel_loop3A_416 : vector<16xf32>
        %parallel_loop3A_423 = arith.mulf %parallel_loop3A_267, %parallel_loop3A_422 : vector<16xf32>
        %parallel_loop3A_424 = arith.addf %parallel_loop3A_416, %parallel_loop3A_423 : vector<16xf32>
        %parallel_loop3A_425 = arith.index_cast %parallel_loop3A_217 : i32 to index
        %parallel_loop3A_426 = arith.constant 224 : index
        %parallel_loop3A_427 = tpu.vector_load %arg18[%parallel_loop3A_425, %parallel_loop3A_426] {strides = array<i32>} : memref<64x256xf32, #tpu.memory_space<vmem>>, vector<16xf32>,
        tpu.vector_store %arg18[%parallel_loop3A_425, %parallel_loop3A_426], %parallel_loop3A_421 {strides = array<i32>} : memref<64x256xf32, #tpu.memory_space<vmem>>, vector<16xf32>,
        %parallel_loop3A_428 = arith.index_cast %parallel_loop3A_217 : i32 to index
        %parallel_loop3A_429 = arith.constant 240 : index
        %parallel_loop3A_430 = tpu.vector_load %arg18[%parallel_loop3A_428, %parallel_loop3A_429] {strides = array<i32>} : memref<64x256xf32, #tpu.memory_space<vmem>>, vector<16xf32>,
        tpu.vector_store %arg18[%parallel_loop3A_428, %parallel_loop3A_429], %parallel_loop3A_424 {strides = array<i32>} : memref<64x256xf32, #tpu.memory_space<vmem>>, vector<16xf32>,
      } {sc.loop_unroll_factor = 8 : i64, sc.parallel_access}
      %mul3A_124 = arith.constant 64 : i32
      %mul3A_125 = arith.muli %add3A_103, %mul3A_124 : i32
      %add3A_126 = arith.addi %mul3A_2, %mul3A_125 : i32
      %dma_start3A_127 = arith.constant 0 : i32
      %dma_start3A_128 = tpu.memref_slice %arg4[%add3A_126, %dma_start3A_127] : memref<65536x256xf32, #tpu.memory_space<hbm>> -> memref<64x256xf32, #tpu.memory_space<hbm>>
      %dma_start3A_129 = arith.constant 0 : i32
      %dma_start3A_130 = tpu.memref_slice %arg4[%add3A_126, %dma_start3A_129] : memref<65536x256xf32, #tpu.memory_space<hbm>> -> memref<64x256xf32, #tpu.memory_space<hbm>>
      tpu.enqueue_dma source(%arg18 : memref<64x256xf32, #tpu.memory_space<vmem>>) target(%dma_start3A_130 : memref<64x256xf32, #tpu.memory_space<hbm>>) target_semaphore(%arg29 : memref<!tpu.dma_semaphore, #tpu.memory_space<semaphore_mem>>)
      %add3A_131 = arith.constant 1 : i32
      %add3A_132 = arith.addi %scan3A_68, %add3A_131 : i32
      %lt3A_133 = arith.constant 8 : i32
      %lt3A_134 = arith.cmpi slt, %add3A_132, %lt3A_133 : i32
      %convert_element_type3A_135 = arith.extui %lt3A_134 : i1 to i32
      %cond3A_136 = arith.constant 0 : i32
      %cond3A_137 = arith.cmpi ne, %convert_element_type3A_135, %cond3A_136 : i32
      scf.if %cond3A_137 {
        %add3A_217 = arith.constant 4 : i32
        %add3A_218 = arith.addi %add3A_103, %add3A_217 : i32
        %mul3A_219 = arith.constant 64 : i32
        %mul3A_220 = arith.muli %add3A_218, %mul3A_219 : i32
        %mul3A_221 = arith.constant 64 : i32
        %mul3A_222 = arith.muli %add3A_218, %mul3A_221 : i32
        %dma_start3A_223 = tpu.memref_slice %arg6[%mul3A_220] : memref<2048xi32, #tpu.memory_space<vmem>> -> memref<64xi32, #tpu.memory_space<vmem>>
        %dma_start3A_224 = arith.constant 0 : i32
        %dma_start3A_225 = arith.constant 0 : i32
        %dma_start3A_226 = tpu.memref_slice %arg19[%dma_start3A_224, %dma_start3A_225] : memref<1024x128xi32, #tpu.memory_space<vmem_shared>> -> memref<1024x128xi32, #tpu.memory_space<vmem_shared>>
        tpu.enqueue_indirect_dma source(%dma_start3A_226 : memref<1024x128xi32, #tpu.memory_space<vmem_shared>>) target(%arg11 : memref<64x128xi32, #tpu.memory_space<vmem>>) offsets(%dma_start3A_223 : memref<64xi32, #tpu.memory_space<vmem>>) semaphore(%arg22 : memref<!tpu.dma_semaphore, #tpu.memory_space<semaphore_mem>>)
        %dma_start3A_227 = tpu.memref_slice %arg7[%mul3A_222] : memref<2048xi32, #tpu.memory_space<vmem>> -> memref<64xi32, #tpu.memory_space<vmem>>
        %dma_start3A_228 = arith.constant 0 : i32
        %dma_start3A_229 = arith.constant 0 : i32
        %dma_start3A_230 = tpu.memref_slice %arg19[%dma_start3A_228, %dma_start3A_229] : memref<1024x128xi32, #tpu.memory_space<vmem_shared>> -> memref<1024x128xi32, #tpu.memory_space<vmem_shared>>
        tpu.enqueue_indirect_dma source(%dma_start3A_230 : memref<1024x128xi32, #tpu.memory_space<vmem_shared>>) target(%arg12 : memref<64x128xi32, #tpu.memory_space<vmem>>) offsets(%dma_start3A_227 : memref<64xi32, #tpu.memory_space<vmem>>) semaphore(%arg23 : memref<!tpu.dma_semaphore, #tpu.memory_space<semaphore_mem>>)
      } else {
      }
      %add3A_138 = arith.constant 2 : i32
      %add3A_139 = arith.addi %mul3A_70, %add3A_138 : i32
      %mul3A_140 = arith.constant 64 : i32
      %mul3A_141 = arith.muli %add3A_139, %mul3A_140 : i32
      %mul3A_142 = arith.constant 64 : i32
      %mul3A_143 = arith.muli %add3A_139, %mul3A_142 : i32
      %dma_wait3A_144 = tpu.memref_slice %arg6[%mul3A_141] : memref<2048xi32, #tpu.memory_space<vmem>> -> memref<64xi32, #tpu.memory_space<vmem>>
      %dma_wait3A_145 = arith.constant 0 : i32
      %dma_wait3A_146 = arith.constant 0 : i32
      %dma_wait3A_147 = tpu.memref_slice %arg19[%dma_wait3A_145, %dma_wait3A_146] : memref<1024x128xi32, #tpu.memory_space<vmem_shared>> -> memref<1024x128xi32, #tpu.memory_space<vmem_shared>>
      tpu.wait_indirect_dma semaphore(%arg24 : memref<!tpu.dma_semaphore, #tpu.memory_space<semaphore_mem>>) src(%dma_wait3A_147 : memref<1024x128xi32, #tpu.memory_space<vmem_shared>>) dst(%arg13 : memref<64x128xi32, #tpu.memory_space<vmem>>)
      %dma_wait3A_148 = tpu.memref_slice %arg7[%mul3A_143] : memref<2048xi32, #tpu.memory_space<vmem>> -> memref<64xi32, #tpu.memory_space<vmem>>
      %dma_wait3A_149 = arith.constant 0 : i32
      %dma_wait3A_150 = arith.constant 0 : i32
      %dma_wait3A_151 = tpu.memref_slice %arg19[%dma_wait3A_149, %dma_wait3A_150] : memref<1024x128xi32, #tpu.memory_space<vmem_shared>> -> memref<1024x128xi32, #tpu.memory_space<vmem_shared>>
      tpu.wait_indirect_dma semaphore(%arg25 : memref<!tpu.dma_semaphore, #tpu.memory_space<semaphore_mem>>) src(%dma_wait3A_151 : memref<1024x128xi32, #tpu.memory_space<vmem_shared>>) dst(%arg14 : memref<64x128xi32, #tpu.memory_space<vmem>>)
      %sub3A = arith.constant 2 : i32
      %sub3A_152 = arith.subi %add3A_139, %sub3A : i32
      %mul3A_153 = arith.constant 64 : i32
      %mul3A_154 = arith.muli %sub3A_152, %mul3A_153 : i32
      %add3A_155 = arith.addi %mul3A_2, %mul3A_154 : i32
      %dma_wait3A_156 = arith.constant 0 : i32
      %dma_wait3A_157 = tpu.memref_slice %arg4[%add3A_155, %dma_wait3A_156] : memref<65536x256xf32, #tpu.memory_space<hbm>> -> memref<64x256xf32, #tpu.memory_space<hbm>>
      %dma_wait3A_158 = arith.constant 0 : i32
      %dma_wait3A_159 = tpu.memref_slice %arg4[%add3A_155, %dma_wait3A_158] : memref<65536x256xf32, #tpu.memory_space<hbm>> -> memref<64x256xf32, #tpu.memory_space<hbm>>
      tpu.wait_dma2 semaphore(%arg28 : memref<!tpu.dma_semaphore, #tpu.memory_space<semaphore_mem>>) src(%arg17 : memref<64x256xf32, #tpu.memory_space<vmem>>) dst(%dma_wait3A_159 : memref<64x256xf32, #tpu.memory_space<hbm>>)
      %parallel_loop3A_160 = arith.constant 0 : i32
      %parallel_loop3A_161 = arith.constant 64 : i32
      %parallel_loop3A_162 = arith.constant 1 : i32
      scf.for %parallel_loop3A_217 = %parallel_loop3A_160 to %parallel_loop3A_161 step %parallel_loop3A_162  : i32 {
        %parallel_loop3A_218 = arith.constant 64 : i32
        %parallel_loop3A_219 = arith.muli %add3A_139, %parallel_loop3A_218 : i32
        %parallel_loop3A_220 = arith.constant 16 : i32
        %parallel_loop3A_221 = arith.divsi %parallel_loop3A_217, %parallel_loop3A_220 : i32
        %parallel_loop3A_222 = arith.constant 0 : i32
        %parallel_loop3A_223 = arith.cmpi sgt, %parallel_loop3A_217, %parallel_loop3A_222 : i32
        %parallel_loop3A_224 = arith.extui %parallel_loop3A_223 : i1 to i32
        %parallel_loop3A_225 = arith.constant 0 : i32
        %parallel_loop3A_226 = arith.cmpi slt, %parallel_loop3A_217, %parallel_loop3A_225 : i32
        %parallel_loop3A_227 = arith.extui %parallel_loop3A_226 : i1 to i32
        %parallel_loop3A_228 = arith.subi %parallel_loop3A_224, %parallel_loop3A_227 : i32
        %parallel_loop3A_229 = arith.constant 0 : i32
        %parallel_loop3A_230 = arith.cmpi sgt, %parallel_loop3A_220, %parallel_loop3A_229 : i32
        %parallel_loop3A_231 = arith.extui %parallel_loop3A_230 : i1 to i32
        %parallel_loop3A_232 = arith.constant 0 : i32
        %parallel_loop3A_233 = arith.cmpi slt, %parallel_loop3A_220, %parallel_loop3A_232 : i32
        %parallel_loop3A_234 = arith.extui %parallel_loop3A_233 : i1 to i32
        %parallel_loop3A_235 = arith.subi %parallel_loop3A_231, %parallel_loop3A_234 : i32
        %parallel_loop3A_236 = arith.cmpi ne, %parallel_loop3A_228, %parallel_loop3A_235 : i32
        %parallel_loop3A_237 = arith.remsi %parallel_loop3A_217, %parallel_loop3A_220 : i32
        %parallel_loop3A_238 = arith.constant 0 : i32
        %parallel_loop3A_239 = arith.cmpi ne, %parallel_loop3A_237, %parallel_loop3A_238 : i32
        %parallel_loop3A_240 = arith.andi %parallel_loop3A_236, %parallel_loop3A_239 : i1
        %parallel_loop3A_241 = arith.constant 1 : i32
        %parallel_loop3A_242 = arith.subi %parallel_loop3A_221, %parallel_loop3A_241 : i32
        %parallel_loop3A_243 = arith.select %parallel_loop3A_240, %parallel_loop3A_242, %parallel_loop3A_221 : i32
        %parallel_loop3A_244 = arith.constant 16 : i32
        %parallel_loop3A_245 = arith.muli %parallel_loop3A_243, %parallel_loop3A_244 : i32
        %parallel_loop3A_246 = arith.addi %parallel_loop3A_219, %parallel_loop3A_245 : i32
        %parallel_loop3A_247 = arith.index_cast %parallel_loop3A_246 : i32 to index
        %parallel_loop3A_248 = tpu.vector_load %arg8[%parallel_loop3A_247] {strides = array<i32>} : memref<2048xf32, #tpu.memory_space<vmem>>, vector<16xf32>,
        %parallel_loop3A_249 = arith.constant 16 : i32
        %parallel_loop3A_250 = arith.constant 0 : i32
        %parallel_loop3A_251 = arith.cmpi eq, %parallel_loop3A_249, %parallel_loop3A_250 : i32
        %parallel_loop3A_252 = arith.constant 1 : i32
        %parallel_loop3A_253 = arith.select %parallel_loop3A_251, %parallel_loop3A_252, %parallel_loop3A_249 : i32
        %parallel_loop3A_254 = arith.remsi %parallel_loop3A_217, %parallel_loop3A_253 : i32
        %parallel_loop3A_255 = arith.constant 0 : i32
        %parallel_loop3A_256 = arith.cmpi ne, %parallel_loop3A_254, %parallel_loop3A_255 : i32
        %parallel_loop3A_257 = arith.constant 0 : i32
        %parallel_loop3A_258 = arith.cmpi slt, %parallel_loop3A_254, %parallel_loop3A_257 : i32
        %parallel_loop3A_259 = arith.constant 0 : i32
        %parallel_loop3A_260 = arith.cmpi slt, %parallel_loop3A_253, %parallel_loop3A_259 : i32
        %parallel_loop3A_261 = arith.xori %parallel_loop3A_258, %parallel_loop3A_260 : i1
        %parallel_loop3A_262 = arith.andi %parallel_loop3A_261, %parallel_loop3A_256 : i1
        %parallel_loop3A_263 = arith.addi %parallel_loop3A_254, %parallel_loop3A_253 : i32
        %parallel_loop3A_264 = arith.select %parallel_loop3A_262, %parallel_loop3A_263, %parallel_loop3A_254 : i32
        %parallel_loop3A_265 = vector.broadcast %parallel_loop3A_264 : i32 to vector<16x1xi32>
        %parallel_loop3A_266 = vector.shape_cast %parallel_loop3A_265 : vector<16x1xi32> to vector<16xi32>
        %parallel_loop3A_267 = tpu.dynamic_gather %parallel_loop3A_248[%parallel_loop3A_266] in [0] : vector<16xf32>, vector<16xi32> -> vector<16xf32>
        %parallel_loop3A_268 = tpu.pack_subelements %parallel_loop3A_267, %parallel_loop3A_267 {pack_format = #tpu.pack_format<interleaved>, positions = array<i32: 0, 1>} : vector<16xf32>, vector<16xf32> -> vector<32xbf16>
        %parallel_loop3A_269 = arith.index_cast %parallel_loop3A_217 : i32 to index
        %parallel_loop3A_270 = arith.constant 0 : index
        %parallel_loop3A_271 = tpu.vector_load %arg13[%parallel_loop3A_269, %parallel_loop3A_270] {strides = array<i32>} : memref<64x128xi32, #tpu.memory_space<vmem>>, vector<16xi32>,
        %parallel_loop3A_272 = vector.bitcast %parallel_loop3A_271 : vector<16xi32> to vector<32xbf16>
        %parallel_loop3A_273 = arith.index_cast %parallel_loop3A_217 : i32 to index
        %parallel_loop3A_274 = arith.constant 0 : index
        %parallel_loop3A_275 = tpu.vector_load %arg14[%parallel_loop3A_273, %parallel_loop3A_274] {strides = array<i32>} : memref<64x128xi32, #tpu.memory_space<vmem>>, vector<16xi32>,
        %parallel_loop3A_276 = vector.bitcast %parallel_loop3A_275 : vector<16xi32> to vector<32xbf16>
        %parallel_loop3A_277 = arith.subf %parallel_loop3A_276, %parallel_loop3A_272 : vector<32xbf16>
        %parallel_loop3A_278 = arith.mulf %parallel_loop3A_268, %parallel_loop3A_277 : vector<32xbf16>
        %parallel_loop3A_279 = arith.addf %parallel_loop3A_272, %parallel_loop3A_278 : vector<32xbf16>
        %parallel_loop3A_280 = tpu.unpack_subelements %parallel_loop3A_279, 0 {pack_format = #tpu.pack_format<interleaved>} : vector<32xbf16> -> vector<16xf32>
        %parallel_loop3A_281 = tpu.unpack_subelements %parallel_loop3A_279, 1 {pack_format = #tpu.pack_format<interleaved>} : vector<32xbf16> -> vector<16xf32>
        %parallel_loop3A_282 = arith.index_cast %parallel_loop3A_217 : i32 to index
        %parallel_loop3A_283 = arith.constant 0 : index
        %parallel_loop3A_284 = tpu.vector_load %arg17[%parallel_loop3A_282, %parallel_loop3A_283] {strides = array<i32>} : memref<64x256xf32, #tpu.memory_space<vmem>>, vector<16xf32>,
        tpu.vector_store %arg17[%parallel_loop3A_282, %parallel_loop3A_283], %parallel_loop3A_280 {strides = array<i32>} : memref<64x256xf32, #tpu.memory_space<vmem>>, vector<16xf32>,
        %parallel_loop3A_285 = arith.index_cast %parallel_loop3A_217 : i32 to index
        %parallel_loop3A_286 = arith.constant 16 : index
        %parallel_loop3A_287 = tpu.vector_load %arg17[%parallel_loop3A_285, %parallel_loop3A_286] {strides = array<i32>} : memref<64x256xf32, #tpu.memory_space<vmem>>, vector<16xf32>,
        tpu.vector_store %arg17[%parallel_loop3A_285, %parallel_loop3A_286], %parallel_loop3A_281 {strides = array<i32>} : memref<64x256xf32, #tpu.memory_space<vmem>>, vector<16xf32>,
        %parallel_loop3A_288 = arith.index_cast %parallel_loop3A_217 : i32 to index
        %parallel_loop3A_289 = arith.constant 16 : index
        %parallel_loop3A_290 = tpu.vector_load %arg13[%parallel_loop3A_288, %parallel_loop3A_289] {strides = array<i32>} : memref<64x128xi32, #tpu.memory_space<vmem>>, vector<16xi32>,
        %parallel_loop3A_291 = vector.bitcast %parallel_loop3A_290 : vector<16xi32> to vector<32xbf16>
        %parallel_loop3A_292 = arith.index_cast %parallel_loop3A_217 : i32 to index
        %parallel_loop3A_293 = arith.constant 16 : index
        %parallel_loop3A_294 = tpu.vector_load %arg14[%parallel_loop3A_292, %parallel_loop3A_293] {strides = array<i32>} : memref<64x128xi32, #tpu.memory_space<vmem>>, vector<16xi32>,
        %parallel_loop3A_295 = vector.bitcast %parallel_loop3A_294 : vector<16xi32> to vector<32xbf16>
        %parallel_loop3A_296 = arith.subf %parallel_loop3A_295, %parallel_loop3A_291 : vector<32xbf16>
        %parallel_loop3A_297 = arith.mulf %parallel_loop3A_268, %parallel_loop3A_296 : vector<32xbf16>
        %parallel_loop3A_298 = arith.addf %parallel_loop3A_291, %parallel_loop3A_297 : vector<32xbf16>
        %parallel_loop3A_299 = tpu.unpack_subelements %parallel_loop3A_298, 0 {pack_format = #tpu.pack_format<interleaved>} : vector<32xbf16> -> vector<16xf32>
        %parallel_loop3A_300 = tpu.unpack_subelements %parallel_loop3A_298, 1 {pack_format = #tpu.pack_format<interleaved>} : vector<32xbf16> -> vector<16xf32>
        %parallel_loop3A_301 = arith.index_cast %parallel_loop3A_217 : i32 to index
        %parallel_loop3A_302 = arith.constant 32 : index
        %parallel_loop3A_303 = tpu.vector_load %arg17[%parallel_loop3A_301, %parallel_loop3A_302] {strides = array<i32>} : memref<64x256xf32, #tpu.memory_space<vmem>>, vector<16xf32>,
        tpu.vector_store %arg17[%parallel_loop3A_301, %parallel_loop3A_302], %parallel_loop3A_299 {strides = array<i32>} : memref<64x256xf32, #tpu.memory_space<vmem>>, vector<16xf32>,
        %parallel_loop3A_304 = arith.index_cast %parallel_loop3A_217 : i32 to index
        %parallel_loop3A_305 = arith.constant 48 : index
        %parallel_loop3A_306 = tpu.vector_load %arg17[%parallel_loop3A_304, %parallel_loop3A_305] {strides = array<i32>} : memref<64x256xf32, #tpu.memory_space<vmem>>, vector<16xf32>,
        tpu.vector_store %arg17[%parallel_loop3A_304, %parallel_loop3A_305], %parallel_loop3A_300 {strides = array<i32>} : memref<64x256xf32, #tpu.memory_space<vmem>>, vector<16xf32>,
        %parallel_loop3A_307 = arith.index_cast %parallel_loop3A_217 : i32 to index
        %parallel_loop3A_308 = arith.constant 32 : index
        %parallel_loop3A_309 = tpu.vector_load %arg13[%parallel_loop3A_307, %parallel_loop3A_308] {strides = array<i32>} : memref<64x128xi32, #tpu.memory_space<vmem>>, vector<16xi32>,
        %parallel_loop3A_310 = vector.bitcast %parallel_loop3A_309 : vector<16xi32> to vector<32xbf16>
        %parallel_loop3A_311 = arith.index_cast %parallel_loop3A_217 : i32 to index
        %parallel_loop3A_312 = arith.constant 32 : index
        %parallel_loop3A_313 = tpu.vector_load %arg14[%parallel_loop3A_311, %parallel_loop3A_312] {strides = array<i32>} : memref<64x128xi32, #tpu.memory_space<vmem>>, vector<16xi32>,
        %parallel_loop3A_314 = vector.bitcast %parallel_loop3A_313 : vector<16xi32> to vector<32xbf16>
        %parallel_loop3A_315 = arith.subf %parallel_loop3A_314, %parallel_loop3A_310 : vector<32xbf16>
        %parallel_loop3A_316 = arith.mulf %parallel_loop3A_268, %parallel_loop3A_315 : vector<32xbf16>
        %parallel_loop3A_317 = arith.addf %parallel_loop3A_310, %parallel_loop3A_316 : vector<32xbf16>
        %parallel_loop3A_318 = tpu.unpack_subelements %parallel_loop3A_317, 0 {pack_format = #tpu.pack_format<interleaved>} : vector<32xbf16> -> vector<16xf32>
        %parallel_loop3A_319 = tpu.unpack_subelements %parallel_loop3A_317, 1 {pack_format = #tpu.pack_format<interleaved>} : vector<32xbf16> -> vector<16xf32>
        %parallel_loop3A_320 = arith.index_cast %parallel_loop3A_217 : i32 to index
        %parallel_loop3A_321 = arith.constant 64 : index
        %parallel_loop3A_322 = tpu.vector_load %arg17[%parallel_loop3A_320, %parallel_loop3A_321] {strides = array<i32>} : memref<64x256xf32, #tpu.memory_space<vmem>>, vector<16xf32>,
        tpu.vector_store %arg17[%parallel_loop3A_320, %parallel_loop3A_321], %parallel_loop3A_318 {strides = array<i32>} : memref<64x256xf32, #tpu.memory_space<vmem>>, vector<16xf32>,
        %parallel_loop3A_323 = arith.index_cast %parallel_loop3A_217 : i32 to index
        %parallel_loop3A_324 = arith.constant 80 : index
        %parallel_loop3A_325 = tpu.vector_load %arg17[%parallel_loop3A_323, %parallel_loop3A_324] {strides = array<i32>} : memref<64x256xf32, #tpu.memory_space<vmem>>, vector<16xf32>,
        tpu.vector_store %arg17[%parallel_loop3A_323, %parallel_loop3A_324], %parallel_loop3A_319 {strides = array<i32>} : memref<64x256xf32, #tpu.memory_space<vmem>>, vector<16xf32>,
        %parallel_loop3A_326 = arith.index_cast %parallel_loop3A_217 : i32 to index
        %parallel_loop3A_327 = arith.constant 48 : index
        %parallel_loop3A_328 = tpu.vector_load %arg13[%parallel_loop3A_326, %parallel_loop3A_327] {strides = array<i32>} : memref<64x128xi32, #tpu.memory_space<vmem>>, vector<16xi32>,
        %parallel_loop3A_329 = vector.bitcast %parallel_loop3A_328 : vector<16xi32> to vector<32xbf16>
        %parallel_loop3A_330 = arith.index_cast %parallel_loop3A_217 : i32 to index
        %parallel_loop3A_331 = arith.constant 48 : index
        %parallel_loop3A_332 = tpu.vector_load %arg14[%parallel_loop3A_330, %parallel_loop3A_331] {strides = array<i32>} : memref<64x128xi32, #tpu.memory_space<vmem>>, vector<16xi32>,
        %parallel_loop3A_333 = vector.bitcast %parallel_loop3A_332 : vector<16xi32> to vector<32xbf16>
        %parallel_loop3A_334 = tpu.unpack_subelements %parallel_loop3A_329, 0 {pack_format = #tpu.pack_format<interleaved>} : vector<32xbf16> -> vector<16xf32>
        %parallel_loop3A_335 = tpu.unpack_subelements %parallel_loop3A_329, 1 {pack_format = #tpu.pack_format<interleaved>} : vector<32xbf16> -> vector<16xf32>
        %parallel_loop3A_336 = tpu.unpack_subelements %parallel_loop3A_333, 0 {pack_format = #tpu.pack_format<interleaved>} : vector<32xbf16> -> vector<16xf32>
        %parallel_loop3A_337 = tpu.unpack_subelements %parallel_loop3A_333, 1 {pack_format = #tpu.pack_format<interleaved>} : vector<32xbf16> -> vector<16xf32>
        %parallel_loop3A_338 = arith.subf %parallel_loop3A_336, %parallel_loop3A_334 : vector<16xf32>
        %parallel_loop3A_339 = arith.mulf %parallel_loop3A_267, %parallel_loop3A_338 : vector<16xf32>
        %parallel_loop3A_340 = arith.addf %parallel_loop3A_334, %parallel_loop3A_339 : vector<16xf32>
        %parallel_loop3A_341 = arith.subf %parallel_loop3A_337, %parallel_loop3A_335 : vector<16xf32>
        %parallel_loop3A_342 = arith.mulf %parallel_loop3A_267, %parallel_loop3A_341 : vector<16xf32>
        %parallel_loop3A_343 = arith.addf %parallel_loop3A_335, %parallel_loop3A_342 : vector<16xf32>
        %parallel_loop3A_344 = arith.index_cast %parallel_loop3A_217 : i32 to index
        %parallel_loop3A_345 = arith.constant 96 : index
        %parallel_loop3A_346 = tpu.vector_load %arg17[%parallel_loop3A_344, %parallel_loop3A_345] {strides = array<i32>} : memref<64x256xf32, #tpu.memory_space<vmem>>, vector<16xf32>,
        tpu.vector_store %arg17[%parallel_loop3A_344, %parallel_loop3A_345], %parallel_loop3A_340 {strides = array<i32>} : memref<64x256xf32, #tpu.memory_space<vmem>>, vector<16xf32>,
        %parallel_loop3A_347 = arith.index_cast %parallel_loop3A_217 : i32 to index
        %parallel_loop3A_348 = arith.constant 112 : index
        %parallel_loop3A_349 = tpu.vector_load %arg17[%parallel_loop3A_347, %parallel_loop3A_348] {strides = array<i32>} : memref<64x256xf32, #tpu.memory_space<vmem>>, vector<16xf32>,
        tpu.vector_store %arg17[%parallel_loop3A_347, %parallel_loop3A_348], %parallel_loop3A_343 {strides = array<i32>} : memref<64x256xf32, #tpu.memory_space<vmem>>, vector<16xf32>,
        %parallel_loop3A_350 = arith.index_cast %parallel_loop3A_217 : i32 to index
        %parallel_loop3A_351 = arith.constant 64 : index
        %parallel_loop3A_352 = tpu.vector_load %arg13[%parallel_loop3A_350, %parallel_loop3A_351] {strides = array<i32>} : memref<64x128xi32, #tpu.memory_space<vmem>>, vector<16xi32>,
        %parallel_loop3A_353 = vector.bitcast %parallel_loop3A_352 : vector<16xi32> to vector<32xbf16>
        %parallel_loop3A_354 = arith.index_cast %parallel_loop3A_217 : i32 to index
        %parallel_loop3A_355 = arith.constant 64 : index
        %parallel_loop3A_356 = tpu.vector_load %arg14[%parallel_loop3A_354, %parallel_loop3A_355] {strides = array<i32>} : memref<64x128xi32, #tpu.memory_space<vmem>>, vector<16xi32>,
        %parallel_loop3A_357 = vector.bitcast %parallel_loop3A_356 : vector<16xi32> to vector<32xbf16>
        %parallel_loop3A_358 = arith.subf %parallel_loop3A_357, %parallel_loop3A_353 : vector<32xbf16>
        %parallel_loop3A_359 = arith.mulf %parallel_loop3A_268, %parallel_loop3A_358 : vector<32xbf16>
        %parallel_loop3A_360 = arith.addf %parallel_loop3A_353, %parallel_loop3A_359 : vector<32xbf16>
        %parallel_loop3A_361 = tpu.unpack_subelements %parallel_loop3A_360, 0 {pack_format = #tpu.pack_format<interleaved>} : vector<32xbf16> -> vector<16xf32>
        %parallel_loop3A_362 = tpu.unpack_subelements %parallel_loop3A_360, 1 {pack_format = #tpu.pack_format<interleaved>} : vector<32xbf16> -> vector<16xf32>
        %parallel_loop3A_363 = arith.index_cast %parallel_loop3A_217 : i32 to index
        %parallel_loop3A_364 = arith.constant 128 : index
        %parallel_loop3A_365 = tpu.vector_load %arg17[%parallel_loop3A_363, %parallel_loop3A_364] {strides = array<i32>} : memref<64x256xf32, #tpu.memory_space<vmem>>, vector<16xf32>,
        tpu.vector_store %arg17[%parallel_loop3A_363, %parallel_loop3A_364], %parallel_loop3A_361 {strides = array<i32>} : memref<64x256xf32, #tpu.memory_space<vmem>>, vector<16xf32>,
        %parallel_loop3A_366 = arith.index_cast %parallel_loop3A_217 : i32 to index
        %parallel_loop3A_367 = arith.constant 144 : index
        %parallel_loop3A_368 = tpu.vector_load %arg17[%parallel_loop3A_366, %parallel_loop3A_367] {strides = array<i32>} : memref<64x256xf32, #tpu.memory_space<vmem>>, vector<16xf32>,
        tpu.vector_store %arg17[%parallel_loop3A_366, %parallel_loop3A_367], %parallel_loop3A_362 {strides = array<i32>} : memref<64x256xf32, #tpu.memory_space<vmem>>, vector<16xf32>,
        %parallel_loop3A_369 = arith.index_cast %parallel_loop3A_217 : i32 to index
        %parallel_loop3A_370 = arith.constant 80 : index
        %parallel_loop3A_371 = tpu.vector_load %arg13[%parallel_loop3A_369, %parallel_loop3A_370] {strides = array<i32>} : memref<64x128xi32, #tpu.memory_space<vmem>>, vector<16xi32>,
        %parallel_loop3A_372 = vector.bitcast %parallel_loop3A_371 : vector<16xi32> to vector<32xbf16>
        %parallel_loop3A_373 = arith.index_cast %parallel_loop3A_217 : i32 to index
        %parallel_loop3A_374 = arith.constant 80 : index
        %parallel_loop3A_375 = tpu.vector_load %arg14[%parallel_loop3A_373, %parallel_loop3A_374] {strides = array<i32>} : memref<64x128xi32, #tpu.memory_space<vmem>>, vector<16xi32>,
        %parallel_loop3A_376 = vector.bitcast %parallel_loop3A_375 : vector<16xi32> to vector<32xbf16>
        %parallel_loop3A_377 = arith.subf %parallel_loop3A_376, %parallel_loop3A_372 : vector<32xbf16>
        %parallel_loop3A_378 = arith.mulf %parallel_loop3A_268, %parallel_loop3A_377 : vector<32xbf16>
        %parallel_loop3A_379 = arith.addf %parallel_loop3A_372, %parallel_loop3A_378 : vector<32xbf16>
        %parallel_loop3A_380 = tpu.unpack_subelements %parallel_loop3A_379, 0 {pack_format = #tpu.pack_format<interleaved>} : vector<32xbf16> -> vector<16xf32>
        %parallel_loop3A_381 = tpu.unpack_subelements %parallel_loop3A_379, 1 {pack_format = #tpu.pack_format<interleaved>} : vector<32xbf16> -> vector<16xf32>
        %parallel_loop3A_382 = arith.index_cast %parallel_loop3A_217 : i32 to index
        %parallel_loop3A_383 = arith.constant 160 : index
        %parallel_loop3A_384 = tpu.vector_load %arg17[%parallel_loop3A_382, %parallel_loop3A_383] {strides = array<i32>} : memref<64x256xf32, #tpu.memory_space<vmem>>, vector<16xf32>,
        tpu.vector_store %arg17[%parallel_loop3A_382, %parallel_loop3A_383], %parallel_loop3A_380 {strides = array<i32>} : memref<64x256xf32, #tpu.memory_space<vmem>>, vector<16xf32>,
        %parallel_loop3A_385 = arith.index_cast %parallel_loop3A_217 : i32 to index
        %parallel_loop3A_386 = arith.constant 176 : index
        %parallel_loop3A_387 = tpu.vector_load %arg17[%parallel_loop3A_385, %parallel_loop3A_386] {strides = array<i32>} : memref<64x256xf32, #tpu.memory_space<vmem>>, vector<16xf32>,
        tpu.vector_store %arg17[%parallel_loop3A_385, %parallel_loop3A_386], %parallel_loop3A_381 {strides = array<i32>} : memref<64x256xf32, #tpu.memory_space<vmem>>, vector<16xf32>,
        %parallel_loop3A_388 = arith.index_cast %parallel_loop3A_217 : i32 to index
        %parallel_loop3A_389 = arith.constant 96 : index
        %parallel_loop3A_390 = tpu.vector_load %arg13[%parallel_loop3A_388, %parallel_loop3A_389] {strides = array<i32>} : memref<64x128xi32, #tpu.memory_space<vmem>>, vector<16xi32>,
        %parallel_loop3A_391 = vector.bitcast %parallel_loop3A_390 : vector<16xi32> to vector<32xbf16>
        %parallel_loop3A_392 = arith.index_cast %parallel_loop3A_217 : i32 to index
        %parallel_loop3A_393 = arith.constant 96 : index
        %parallel_loop3A_394 = tpu.vector_load %arg14[%parallel_loop3A_392, %parallel_loop3A_393] {strides = array<i32>} : memref<64x128xi32, #tpu.memory_space<vmem>>, vector<16xi32>,
        %parallel_loop3A_395 = vector.bitcast %parallel_loop3A_394 : vector<16xi32> to vector<32xbf16>
        %parallel_loop3A_396 = arith.subf %parallel_loop3A_395, %parallel_loop3A_391 : vector<32xbf16>
        %parallel_loop3A_397 = arith.mulf %parallel_loop3A_268, %parallel_loop3A_396 : vector<32xbf16>
        %parallel_loop3A_398 = arith.addf %parallel_loop3A_391, %parallel_loop3A_397 : vector<32xbf16>
        %parallel_loop3A_399 = tpu.unpack_subelements %parallel_loop3A_398, 0 {pack_format = #tpu.pack_format<interleaved>} : vector<32xbf16> -> vector<16xf32>
        %parallel_loop3A_400 = tpu.unpack_subelements %parallel_loop3A_398, 1 {pack_format = #tpu.pack_format<interleaved>} : vector<32xbf16> -> vector<16xf32>
        %parallel_loop3A_401 = arith.index_cast %parallel_loop3A_217 : i32 to index
        %parallel_loop3A_402 = arith.constant 192 : index
        %parallel_loop3A_403 = tpu.vector_load %arg17[%parallel_loop3A_401, %parallel_loop3A_402] {strides = array<i32>} : memref<64x256xf32, #tpu.memory_space<vmem>>, vector<16xf32>,
        tpu.vector_store %arg17[%parallel_loop3A_401, %parallel_loop3A_402], %parallel_loop3A_399 {strides = array<i32>} : memref<64x256xf32, #tpu.memory_space<vmem>>, vector<16xf32>,
        %parallel_loop3A_404 = arith.index_cast %parallel_loop3A_217 : i32 to index
        %parallel_loop3A_405 = arith.constant 208 : index
        %parallel_loop3A_406 = tpu.vector_load %arg17[%parallel_loop3A_404, %parallel_loop3A_405] {strides = array<i32>} : memref<64x256xf32, #tpu.memory_space<vmem>>, vector<16xf32>,
        tpu.vector_store %arg17[%parallel_loop3A_404, %parallel_loop3A_405], %parallel_loop3A_400 {strides = array<i32>} : memref<64x256xf32, #tpu.memory_space<vmem>>, vector<16xf32>,
        %parallel_loop3A_407 = arith.index_cast %parallel_loop3A_217 : i32 to index
        %parallel_loop3A_408 = arith.constant 112 : index
        %parallel_loop3A_409 = tpu.vector_load %arg13[%parallel_loop3A_407, %parallel_loop3A_408] {strides = array<i32>} : memref<64x128xi32, #tpu.memory_space<vmem>>, vector<16xi32>,
        %parallel_loop3A_410 = vector.bitcast %parallel_loop3A_409 : vector<16xi32> to vector<32xbf16>
        %parallel_loop3A_411 = arith.index_cast %parallel_loop3A_217 : i32 to index
        %parallel_loop3A_412 = arith.constant 112 : index
        %parallel_loop3A_413 = tpu.vector_load %arg14[%parallel_loop3A_411, %parallel_loop3A_412] {strides = array<i32>} : memref<64x128xi32, #tpu.memory_space<vmem>>, vector<16xi32>,
        %parallel_loop3A_414 = vector.bitcast %parallel_loop3A_413 : vector<16xi32> to vector<32xbf16>
        %parallel_loop3A_415 = tpu.unpack_subelements %parallel_loop3A_410, 0 {pack_format = #tpu.pack_format<interleaved>} : vector<32xbf16> -> vector<16xf32>
        %parallel_loop3A_416 = tpu.unpack_subelements %parallel_loop3A_410, 1 {pack_format = #tpu.pack_format<interleaved>} : vector<32xbf16> -> vector<16xf32>
        %parallel_loop3A_417 = tpu.unpack_subelements %parallel_loop3A_414, 0 {pack_format = #tpu.pack_format<interleaved>} : vector<32xbf16> -> vector<16xf32>
        %parallel_loop3A_418 = tpu.unpack_subelements %parallel_loop3A_414, 1 {pack_format = #tpu.pack_format<interleaved>} : vector<32xbf16> -> vector<16xf32>
        %parallel_loop3A_419 = arith.subf %parallel_loop3A_417, %parallel_loop3A_415 : vector<16xf32>
        %parallel_loop3A_420 = arith.mulf %parallel_loop3A_267, %parallel_loop3A_419 : vector<16xf32>
        %parallel_loop3A_421 = arith.addf %parallel_loop3A_415, %parallel_loop3A_420 : vector<16xf32>
        %parallel_loop3A_422 = arith.subf %parallel_loop3A_418, %parallel_loop3A_416 : vector<16xf32>
        %parallel_loop3A_423 = arith.mulf %parallel_loop3A_267, %parallel_loop3A_422 : vector<16xf32>
        %parallel_loop3A_424 = arith.addf %parallel_loop3A_416, %parallel_loop3A_423 : vector<16xf32>
        %parallel_loop3A_425 = arith.index_cast %parallel_loop3A_217 : i32 to index
        %parallel_loop3A_426 = arith.constant 224 : index
        %parallel_loop3A_427 = tpu.vector_load %arg17[%parallel_loop3A_425, %parallel_loop3A_426] {strides = array<i32>} : memref<64x256xf32, #tpu.memory_space<vmem>>, vector<16xf32>,
        tpu.vector_store %arg17[%parallel_loop3A_425, %parallel_loop3A_426], %parallel_loop3A_421 {strides = array<i32>} : memref<64x256xf32, #tpu.memory_space<vmem>>, vector<16xf32>,
        %parallel_loop3A_428 = arith.index_cast %parallel_loop3A_217 : i32 to index
        %parallel_loop3A_429 = arith.constant 240 : index
        %parallel_loop3A_430 = tpu.vector_load %arg17[%parallel_loop3A_428, %parallel_loop3A_429] {strides = array<i32>} : memref<64x256xf32, #tpu.memory_space<vmem>>, vector<16xf32>,
        tpu.vector_store %arg17[%parallel_loop3A_428, %parallel_loop3A_429], %parallel_loop3A_424 {strides = array<i32>} : memref<64x256xf32, #tpu.memory_space<vmem>>, vector<16xf32>,
      } {sc.loop_unroll_factor = 8 : i64, sc.parallel_access}
      %mul3A_163 = arith.constant 64 : i32
      %mul3A_164 = arith.muli %add3A_139, %mul3A_163 : i32
      %add3A_165 = arith.addi %mul3A_2, %mul3A_164 : i32
      %dma_start3A_166 = arith.constant 0 : i32
      %dma_start3A_167 = tpu.memref_slice %arg4[%add3A_165, %dma_start3A_166] : memref<65536x256xf32, #tpu.memory_space<hbm>> -> memref<64x256xf32, #tpu.memory_space<hbm>>
      %dma_start3A_168 = arith.constant 0 : i32
      %dma_start3A_169 = tpu.memref_slice %arg4[%add3A_165, %dma_start3A_168] : memref<65536x256xf32, #tpu.memory_space<hbm>> -> memref<64x256xf32, #tpu.memory_space<hbm>>
      tpu.enqueue_dma source(%arg17 : memref<64x256xf32, #tpu.memory_space<vmem>>) target(%dma_start3A_169 : memref<64x256xf32, #tpu.memory_space<hbm>>) target_semaphore(%arg28 : memref<!tpu.dma_semaphore, #tpu.memory_space<semaphore_mem>>)
      %add3A_170 = arith.constant 1 : i32
      %add3A_171 = arith.addi %scan3A_68, %add3A_170 : i32
      %lt3A_172 = arith.constant 8 : i32
      %lt3A_173 = arith.cmpi slt, %add3A_171, %lt3A_172 : i32
      %convert_element_type3A_174 = arith.extui %lt3A_173 : i1 to i32
      %cond3A_175 = arith.constant 0 : i32
      %cond3A_176 = arith.cmpi ne, %convert_element_type3A_174, %cond3A_175 : i32
      scf.if %cond3A_176 {
        %add3A_217 = arith.constant 4 : i32
        %add3A_218 = arith.addi %add3A_139, %add3A_217 : i32
        %mul3A_219 = arith.constant 64 : i32
        %mul3A_220 = arith.muli %add3A_218, %mul3A_219 : i32
        %mul3A_221 = arith.constant 64 : i32
        %mul3A_222 = arith.muli %add3A_218, %mul3A_221 : i32
        %dma_start3A_223 = tpu.memref_slice %arg6[%mul3A_220] : memref<2048xi32, #tpu.memory_space<vmem>> -> memref<64xi32, #tpu.memory_space<vmem>>
        %dma_start3A_224 = arith.constant 0 : i32
        %dma_start3A_225 = arith.constant 0 : i32
        %dma_start3A_226 = tpu.memref_slice %arg19[%dma_start3A_224, %dma_start3A_225] : memref<1024x128xi32, #tpu.memory_space<vmem_shared>> -> memref<1024x128xi32, #tpu.memory_space<vmem_shared>>
        tpu.enqueue_indirect_dma source(%dma_start3A_226 : memref<1024x128xi32, #tpu.memory_space<vmem_shared>>) target(%arg13 : memref<64x128xi32, #tpu.memory_space<vmem>>) offsets(%dma_start3A_223 : memref<64xi32, #tpu.memory_space<vmem>>) semaphore(%arg24 : memref<!tpu.dma_semaphore, #tpu.memory_space<semaphore_mem>>)
        %dma_start3A_227 = tpu.memref_slice %arg7[%mul3A_222] : memref<2048xi32, #tpu.memory_space<vmem>> -> memref<64xi32, #tpu.memory_space<vmem>>
        %dma_start3A_228 = arith.constant 0 : i32
        %dma_start3A_229 = arith.constant 0 : i32
        %dma_start3A_230 = tpu.memref_slice %arg19[%dma_start3A_228, %dma_start3A_229] : memref<1024x128xi32, #tpu.memory_space<vmem_shared>> -> memref<1024x128xi32, #tpu.memory_space<vmem_shared>>
        tpu.enqueue_indirect_dma source(%dma_start3A_230 : memref<1024x128xi32, #tpu.memory_space<vmem_shared>>) target(%arg14 : memref<64x128xi32, #tpu.memory_space<vmem>>) offsets(%dma_start3A_227 : memref<64xi32, #tpu.memory_space<vmem>>) semaphore(%arg25 : memref<!tpu.dma_semaphore, #tpu.memory_space<semaphore_mem>>)
      } else {
      }
      %add3A_177 = arith.constant 3 : i32
      %add3A_178 = arith.addi %mul3A_70, %add3A_177 : i32
      %mul3A_179 = arith.constant 64 : i32
      %mul3A_180 = arith.muli %add3A_178, %mul3A_179 : i32
      %mul3A_181 = arith.constant 64 : i32
      %mul3A_182 = arith.muli %add3A_178, %mul3A_181 : i32
      %dma_wait3A_183 = tpu.memref_slice %arg6[%mul3A_180] : memref<2048xi32, #tpu.memory_space<vmem>> -> memref<64xi32, #tpu.memory_space<vmem>>
      %dma_wait3A_184 = arith.constant 0 : i32
      %dma_wait3A_185 = arith.constant 0 : i32
      %dma_wait3A_186 = tpu.memref_slice %arg19[%dma_wait3A_184, %dma_wait3A_185] : memref<1024x128xi32, #tpu.memory_space<vmem_shared>> -> memref<1024x128xi32, #tpu.memory_space<vmem_shared>>
      tpu.wait_indirect_dma semaphore(%arg26 : memref<!tpu.dma_semaphore, #tpu.memory_space<semaphore_mem>>) src(%dma_wait3A_186 : memref<1024x128xi32, #tpu.memory_space<vmem_shared>>) dst(%arg15 : memref<64x128xi32, #tpu.memory_space<vmem>>)
      %dma_wait3A_187 = tpu.memref_slice %arg7[%mul3A_182] : memref<2048xi32, #tpu.memory_space<vmem>> -> memref<64xi32, #tpu.memory_space<vmem>>
      %dma_wait3A_188 = arith.constant 0 : i32
      %dma_wait3A_189 = arith.constant 0 : i32
      %dma_wait3A_190 = tpu.memref_slice %arg19[%dma_wait3A_188, %dma_wait3A_189] : memref<1024x128xi32, #tpu.memory_space<vmem_shared>> -> memref<1024x128xi32, #tpu.memory_space<vmem_shared>>
      tpu.wait_indirect_dma semaphore(%arg27 : memref<!tpu.dma_semaphore, #tpu.memory_space<semaphore_mem>>) src(%dma_wait3A_190 : memref<1024x128xi32, #tpu.memory_space<vmem_shared>>) dst(%arg16 : memref<64x128xi32, #tpu.memory_space<vmem>>)
      %sub3A_191 = arith.constant 2 : i32
      %sub3A_192 = arith.subi %add3A_178, %sub3A_191 : i32
      %mul3A_193 = arith.constant 64 : i32
      %mul3A_194 = arith.muli %sub3A_192, %mul3A_193 : i32
      %add3A_195 = arith.addi %mul3A_2, %mul3A_194 : i32
      %dma_wait3A_196 = arith.constant 0 : i32
      %dma_wait3A_197 = tpu.memref_slice %arg4[%add3A_195, %dma_wait3A_196] : memref<65536x256xf32, #tpu.memory_space<hbm>> -> memref<64x256xf32, #tpu.memory_space<hbm>>
      %dma_wait3A_198 = arith.constant 0 : i32
      %dma_wait3A_199 = tpu.memref_slice %arg4[%add3A_195, %dma_wait3A_198] : memref<65536x256xf32, #tpu.memory_space<hbm>> -> memref<64x256xf32, #tpu.memory_space<hbm>>
      tpu.wait_dma2 semaphore(%arg29 : memref<!tpu.dma_semaphore, #tpu.memory_space<semaphore_mem>>) src(%arg18 : memref<64x256xf32, #tpu.memory_space<vmem>>) dst(%dma_wait3A_199 : memref<64x256xf32, #tpu.memory_space<hbm>>)
      %parallel_loop3A_200 = arith.constant 0 : i32
      %parallel_loop3A_201 = arith.constant 64 : i32
      %parallel_loop3A_202 = arith.constant 1 : i32
      scf.for %parallel_loop3A_217 = %parallel_loop3A_200 to %parallel_loop3A_201 step %parallel_loop3A_202  : i32 {
        %parallel_loop3A_218 = arith.constant 64 : i32
        %parallel_loop3A_219 = arith.muli %add3A_178, %parallel_loop3A_218 : i32
        %parallel_loop3A_220 = arith.constant 16 : i32
        %parallel_loop3A_221 = arith.divsi %parallel_loop3A_217, %parallel_loop3A_220 : i32
        %parallel_loop3A_222 = arith.constant 0 : i32
        %parallel_loop3A_223 = arith.cmpi sgt, %parallel_loop3A_217, %parallel_loop3A_222 : i32
        %parallel_loop3A_224 = arith.extui %parallel_loop3A_223 : i1 to i32
        %parallel_loop3A_225 = arith.constant 0 : i32
        %parallel_loop3A_226 = arith.cmpi slt, %parallel_loop3A_217, %parallel_loop3A_225 : i32
        %parallel_loop3A_227 = arith.extui %parallel_loop3A_226 : i1 to i32
        %parallel_loop3A_228 = arith.subi %parallel_loop3A_224, %parallel_loop3A_227 : i32
        %parallel_loop3A_229 = arith.constant 0 : i32
        %parallel_loop3A_230 = arith.cmpi sgt, %parallel_loop3A_220, %parallel_loop3A_229 : i32
        %parallel_loop3A_231 = arith.extui %parallel_loop3A_230 : i1 to i32
        %parallel_loop3A_232 = arith.constant 0 : i32
        %parallel_loop3A_233 = arith.cmpi slt, %parallel_loop3A_220, %parallel_loop3A_232 : i32
        %parallel_loop3A_234 = arith.extui %parallel_loop3A_233 : i1 to i32
        %parallel_loop3A_235 = arith.subi %parallel_loop3A_231, %parallel_loop3A_234 : i32
        %parallel_loop3A_236 = arith.cmpi ne, %parallel_loop3A_228, %parallel_loop3A_235 : i32
        %parallel_loop3A_237 = arith.remsi %parallel_loop3A_217, %parallel_loop3A_220 : i32
        %parallel_loop3A_238 = arith.constant 0 : i32
        %parallel_loop3A_239 = arith.cmpi ne, %parallel_loop3A_237, %parallel_loop3A_238 : i32
        %parallel_loop3A_240 = arith.andi %parallel_loop3A_236, %parallel_loop3A_239 : i1
        %parallel_loop3A_241 = arith.constant 1 : i32
        %parallel_loop3A_242 = arith.subi %parallel_loop3A_221, %parallel_loop3A_241 : i32
        %parallel_loop3A_243 = arith.select %parallel_loop3A_240, %parallel_loop3A_242, %parallel_loop3A_221 : i32
        %parallel_loop3A_244 = arith.constant 16 : i32
        %parallel_loop3A_245 = arith.muli %parallel_loop3A_243, %parallel_loop3A_244 : i32
        %parallel_loop3A_246 = arith.addi %parallel_loop3A_219, %parallel_loop3A_245 : i32
        %parallel_loop3A_247 = arith.index_cast %parallel_loop3A_246 : i32 to index
        %parallel_loop3A_248 = tpu.vector_load %arg8[%parallel_loop3A_247] {strides = array<i32>} : memref<2048xf32, #tpu.memory_space<vmem>>, vector<16xf32>,
        %parallel_loop3A_249 = arith.constant 16 : i32
        %parallel_loop3A_250 = arith.constant 0 : i32
        %parallel_loop3A_251 = arith.cmpi eq, %parallel_loop3A_249, %parallel_loop3A_250 : i32
        %parallel_loop3A_252 = arith.constant 1 : i32
        %parallel_loop3A_253 = arith.select %parallel_loop3A_251, %parallel_loop3A_252, %parallel_loop3A_249 : i32
        %parallel_loop3A_254 = arith.remsi %parallel_loop3A_217, %parallel_loop3A_253 : i32
        %parallel_loop3A_255 = arith.constant 0 : i32
        %parallel_loop3A_256 = arith.cmpi ne, %parallel_loop3A_254, %parallel_loop3A_255 : i32
        %parallel_loop3A_257 = arith.constant 0 : i32
        %parallel_loop3A_258 = arith.cmpi slt, %parallel_loop3A_254, %parallel_loop3A_257 : i32
        %parallel_loop3A_259 = arith.constant 0 : i32
        %parallel_loop3A_260 = arith.cmpi slt, %parallel_loop3A_253, %parallel_loop3A_259 : i32
        %parallel_loop3A_261 = arith.xori %parallel_loop3A_258, %parallel_loop3A_260 : i1
        %parallel_loop3A_262 = arith.andi %parallel_loop3A_261, %parallel_loop3A_256 : i1
        %parallel_loop3A_263 = arith.addi %parallel_loop3A_254, %parallel_loop3A_253 : i32
        %parallel_loop3A_264 = arith.select %parallel_loop3A_262, %parallel_loop3A_263, %parallel_loop3A_254 : i32
        %parallel_loop3A_265 = vector.broadcast %parallel_loop3A_264 : i32 to vector<16x1xi32>
        %parallel_loop3A_266 = vector.shape_cast %parallel_loop3A_265 : vector<16x1xi32> to vector<16xi32>
        %parallel_loop3A_267 = tpu.dynamic_gather %parallel_loop3A_248[%parallel_loop3A_266] in [0] : vector<16xf32>, vector<16xi32> -> vector<16xf32>
        %parallel_loop3A_268 = tpu.pack_subelements %parallel_loop3A_267, %parallel_loop3A_267 {pack_format = #tpu.pack_format<interleaved>, positions = array<i32: 0, 1>} : vector<16xf32>, vector<16xf32> -> vector<32xbf16>
        %parallel_loop3A_269 = arith.index_cast %parallel_loop3A_217 : i32 to index
        %parallel_loop3A_270 = arith.constant 0 : index
        %parallel_loop3A_271 = tpu.vector_load %arg15[%parallel_loop3A_269, %parallel_loop3A_270] {strides = array<i32>} : memref<64x128xi32, #tpu.memory_space<vmem>>, vector<16xi32>,
        %parallel_loop3A_272 = vector.bitcast %parallel_loop3A_271 : vector<16xi32> to vector<32xbf16>
        %parallel_loop3A_273 = arith.index_cast %parallel_loop3A_217 : i32 to index
        %parallel_loop3A_274 = arith.constant 0 : index
        %parallel_loop3A_275 = tpu.vector_load %arg16[%parallel_loop3A_273, %parallel_loop3A_274] {strides = array<i32>} : memref<64x128xi32, #tpu.memory_space<vmem>>, vector<16xi32>,
        %parallel_loop3A_276 = vector.bitcast %parallel_loop3A_275 : vector<16xi32> to vector<32xbf16>
        %parallel_loop3A_277 = arith.subf %parallel_loop3A_276, %parallel_loop3A_272 : vector<32xbf16>
        %parallel_loop3A_278 = arith.mulf %parallel_loop3A_268, %parallel_loop3A_277 : vector<32xbf16>
        %parallel_loop3A_279 = arith.addf %parallel_loop3A_272, %parallel_loop3A_278 : vector<32xbf16>
        %parallel_loop3A_280 = tpu.unpack_subelements %parallel_loop3A_279, 0 {pack_format = #tpu.pack_format<interleaved>} : vector<32xbf16> -> vector<16xf32>
        %parallel_loop3A_281 = tpu.unpack_subelements %parallel_loop3A_279, 1 {pack_format = #tpu.pack_format<interleaved>} : vector<32xbf16> -> vector<16xf32>
        %parallel_loop3A_282 = arith.index_cast %parallel_loop3A_217 : i32 to index
        %parallel_loop3A_283 = arith.constant 0 : index
        %parallel_loop3A_284 = tpu.vector_load %arg18[%parallel_loop3A_282, %parallel_loop3A_283] {strides = array<i32>} : memref<64x256xf32, #tpu.memory_space<vmem>>, vector<16xf32>,
        tpu.vector_store %arg18[%parallel_loop3A_282, %parallel_loop3A_283], %parallel_loop3A_280 {strides = array<i32>} : memref<64x256xf32, #tpu.memory_space<vmem>>, vector<16xf32>,
        %parallel_loop3A_285 = arith.index_cast %parallel_loop3A_217 : i32 to index
        %parallel_loop3A_286 = arith.constant 16 : index
        %parallel_loop3A_287 = tpu.vector_load %arg18[%parallel_loop3A_285, %parallel_loop3A_286] {strides = array<i32>} : memref<64x256xf32, #tpu.memory_space<vmem>>, vector<16xf32>,
        tpu.vector_store %arg18[%parallel_loop3A_285, %parallel_loop3A_286], %parallel_loop3A_281 {strides = array<i32>} : memref<64x256xf32, #tpu.memory_space<vmem>>, vector<16xf32>,
        %parallel_loop3A_288 = arith.index_cast %parallel_loop3A_217 : i32 to index
        %parallel_loop3A_289 = arith.constant 16 : index
        %parallel_loop3A_290 = tpu.vector_load %arg15[%parallel_loop3A_288, %parallel_loop3A_289] {strides = array<i32>} : memref<64x128xi32, #tpu.memory_space<vmem>>, vector<16xi32>,
        %parallel_loop3A_291 = vector.bitcast %parallel_loop3A_290 : vector<16xi32> to vector<32xbf16>
        %parallel_loop3A_292 = arith.index_cast %parallel_loop3A_217 : i32 to index
        %parallel_loop3A_293 = arith.constant 16 : index
        %parallel_loop3A_294 = tpu.vector_load %arg16[%parallel_loop3A_292, %parallel_loop3A_293] {strides = array<i32>} : memref<64x128xi32, #tpu.memory_space<vmem>>, vector<16xi32>,
        %parallel_loop3A_295 = vector.bitcast %parallel_loop3A_294 : vector<16xi32> to vector<32xbf16>
        %parallel_loop3A_296 = arith.subf %parallel_loop3A_295, %parallel_loop3A_291 : vector<32xbf16>
        %parallel_loop3A_297 = arith.mulf %parallel_loop3A_268, %parallel_loop3A_296 : vector<32xbf16>
        %parallel_loop3A_298 = arith.addf %parallel_loop3A_291, %parallel_loop3A_297 : vector<32xbf16>
        %parallel_loop3A_299 = tpu.unpack_subelements %parallel_loop3A_298, 0 {pack_format = #tpu.pack_format<interleaved>} : vector<32xbf16> -> vector<16xf32>
        %parallel_loop3A_300 = tpu.unpack_subelements %parallel_loop3A_298, 1 {pack_format = #tpu.pack_format<interleaved>} : vector<32xbf16> -> vector<16xf32>
        %parallel_loop3A_301 = arith.index_cast %parallel_loop3A_217 : i32 to index
        %parallel_loop3A_302 = arith.constant 32 : index
        %parallel_loop3A_303 = tpu.vector_load %arg18[%parallel_loop3A_301, %parallel_loop3A_302] {strides = array<i32>} : memref<64x256xf32, #tpu.memory_space<vmem>>, vector<16xf32>,
        tpu.vector_store %arg18[%parallel_loop3A_301, %parallel_loop3A_302], %parallel_loop3A_299 {strides = array<i32>} : memref<64x256xf32, #tpu.memory_space<vmem>>, vector<16xf32>,
        %parallel_loop3A_304 = arith.index_cast %parallel_loop3A_217 : i32 to index
        %parallel_loop3A_305 = arith.constant 48 : index
        %parallel_loop3A_306 = tpu.vector_load %arg18[%parallel_loop3A_304, %parallel_loop3A_305] {strides = array<i32>} : memref<64x256xf32, #tpu.memory_space<vmem>>, vector<16xf32>,
        tpu.vector_store %arg18[%parallel_loop3A_304, %parallel_loop3A_305], %parallel_loop3A_300 {strides = array<i32>} : memref<64x256xf32, #tpu.memory_space<vmem>>, vector<16xf32>,
        %parallel_loop3A_307 = arith.index_cast %parallel_loop3A_217 : i32 to index
        %parallel_loop3A_308 = arith.constant 32 : index
        %parallel_loop3A_309 = tpu.vector_load %arg15[%parallel_loop3A_307, %parallel_loop3A_308] {strides = array<i32>} : memref<64x128xi32, #tpu.memory_space<vmem>>, vector<16xi32>,
        %parallel_loop3A_310 = vector.bitcast %parallel_loop3A_309 : vector<16xi32> to vector<32xbf16>
        %parallel_loop3A_311 = arith.index_cast %parallel_loop3A_217 : i32 to index
        %parallel_loop3A_312 = arith.constant 32 : index
        %parallel_loop3A_313 = tpu.vector_load %arg16[%parallel_loop3A_311, %parallel_loop3A_312] {strides = array<i32>} : memref<64x128xi32, #tpu.memory_space<vmem>>, vector<16xi32>,
        %parallel_loop3A_314 = vector.bitcast %parallel_loop3A_313 : vector<16xi32> to vector<32xbf16>
        %parallel_loop3A_315 = arith.subf %parallel_loop3A_314, %parallel_loop3A_310 : vector<32xbf16>
        %parallel_loop3A_316 = arith.mulf %parallel_loop3A_268, %parallel_loop3A_315 : vector<32xbf16>
        %parallel_loop3A_317 = arith.addf %parallel_loop3A_310, %parallel_loop3A_316 : vector<32xbf16>
        %parallel_loop3A_318 = tpu.unpack_subelements %parallel_loop3A_317, 0 {pack_format = #tpu.pack_format<interleaved>} : vector<32xbf16> -> vector<16xf32>
        %parallel_loop3A_319 = tpu.unpack_subelements %parallel_loop3A_317, 1 {pack_format = #tpu.pack_format<interleaved>} : vector<32xbf16> -> vector<16xf32>
        %parallel_loop3A_320 = arith.index_cast %parallel_loop3A_217 : i32 to index
        %parallel_loop3A_321 = arith.constant 64 : index
        %parallel_loop3A_322 = tpu.vector_load %arg18[%parallel_loop3A_320, %parallel_loop3A_321] {strides = array<i32>} : memref<64x256xf32, #tpu.memory_space<vmem>>, vector<16xf32>,
        tpu.vector_store %arg18[%parallel_loop3A_320, %parallel_loop3A_321], %parallel_loop3A_318 {strides = array<i32>} : memref<64x256xf32, #tpu.memory_space<vmem>>, vector<16xf32>,
        %parallel_loop3A_323 = arith.index_cast %parallel_loop3A_217 : i32 to index
        %parallel_loop3A_324 = arith.constant 80 : index
        %parallel_loop3A_325 = tpu.vector_load %arg18[%parallel_loop3A_323, %parallel_loop3A_324] {strides = array<i32>} : memref<64x256xf32, #tpu.memory_space<vmem>>, vector<16xf32>,
        tpu.vector_store %arg18[%parallel_loop3A_323, %parallel_loop3A_324], %parallel_loop3A_319 {strides = array<i32>} : memref<64x256xf32, #tpu.memory_space<vmem>>, vector<16xf32>,
        %parallel_loop3A_326 = arith.index_cast %parallel_loop3A_217 : i32 to index
        %parallel_loop3A_327 = arith.constant 48 : index
        %parallel_loop3A_328 = tpu.vector_load %arg15[%parallel_loop3A_326, %parallel_loop3A_327] {strides = array<i32>} : memref<64x128xi32, #tpu.memory_space<vmem>>, vector<16xi32>,
        %parallel_loop3A_329 = vector.bitcast %parallel_loop3A_328 : vector<16xi32> to vector<32xbf16>
        %parallel_loop3A_330 = arith.index_cast %parallel_loop3A_217 : i32 to index
        %parallel_loop3A_331 = arith.constant 48 : index
        %parallel_loop3A_332 = tpu.vector_load %arg16[%parallel_loop3A_330, %parallel_loop3A_331] {strides = array<i32>} : memref<64x128xi32, #tpu.memory_space<vmem>>, vector<16xi32>,
        %parallel_loop3A_333 = vector.bitcast %parallel_loop3A_332 : vector<16xi32> to vector<32xbf16>
        %parallel_loop3A_334 = tpu.unpack_subelements %parallel_loop3A_329, 0 {pack_format = #tpu.pack_format<interleaved>} : vector<32xbf16> -> vector<16xf32>
        %parallel_loop3A_335 = tpu.unpack_subelements %parallel_loop3A_329, 1 {pack_format = #tpu.pack_format<interleaved>} : vector<32xbf16> -> vector<16xf32>
        %parallel_loop3A_336 = tpu.unpack_subelements %parallel_loop3A_333, 0 {pack_format = #tpu.pack_format<interleaved>} : vector<32xbf16> -> vector<16xf32>
        %parallel_loop3A_337 = tpu.unpack_subelements %parallel_loop3A_333, 1 {pack_format = #tpu.pack_format<interleaved>} : vector<32xbf16> -> vector<16xf32>
        %parallel_loop3A_338 = arith.subf %parallel_loop3A_336, %parallel_loop3A_334 : vector<16xf32>
        %parallel_loop3A_339 = arith.mulf %parallel_loop3A_267, %parallel_loop3A_338 : vector<16xf32>
        %parallel_loop3A_340 = arith.addf %parallel_loop3A_334, %parallel_loop3A_339 : vector<16xf32>
        %parallel_loop3A_341 = arith.subf %parallel_loop3A_337, %parallel_loop3A_335 : vector<16xf32>
        %parallel_loop3A_342 = arith.mulf %parallel_loop3A_267, %parallel_loop3A_341 : vector<16xf32>
        %parallel_loop3A_343 = arith.addf %parallel_loop3A_335, %parallel_loop3A_342 : vector<16xf32>
        %parallel_loop3A_344 = arith.index_cast %parallel_loop3A_217 : i32 to index
        %parallel_loop3A_345 = arith.constant 96 : index
        %parallel_loop3A_346 = tpu.vector_load %arg18[%parallel_loop3A_344, %parallel_loop3A_345] {strides = array<i32>} : memref<64x256xf32, #tpu.memory_space<vmem>>, vector<16xf32>,
        tpu.vector_store %arg18[%parallel_loop3A_344, %parallel_loop3A_345], %parallel_loop3A_340 {strides = array<i32>} : memref<64x256xf32, #tpu.memory_space<vmem>>, vector<16xf32>,
        %parallel_loop3A_347 = arith.index_cast %parallel_loop3A_217 : i32 to index
        %parallel_loop3A_348 = arith.constant 112 : index
        %parallel_loop3A_349 = tpu.vector_load %arg18[%parallel_loop3A_347, %parallel_loop3A_348] {strides = array<i32>} : memref<64x256xf32, #tpu.memory_space<vmem>>, vector<16xf32>,
        tpu.vector_store %arg18[%parallel_loop3A_347, %parallel_loop3A_348], %parallel_loop3A_343 {strides = array<i32>} : memref<64x256xf32, #tpu.memory_space<vmem>>, vector<16xf32>,
        %parallel_loop3A_350 = arith.index_cast %parallel_loop3A_217 : i32 to index
        %parallel_loop3A_351 = arith.constant 64 : index
        %parallel_loop3A_352 = tpu.vector_load %arg15[%parallel_loop3A_350, %parallel_loop3A_351] {strides = array<i32>} : memref<64x128xi32, #tpu.memory_space<vmem>>, vector<16xi32>,
        %parallel_loop3A_353 = vector.bitcast %parallel_loop3A_352 : vector<16xi32> to vector<32xbf16>
        %parallel_loop3A_354 = arith.index_cast %parallel_loop3A_217 : i32 to index
        %parallel_loop3A_355 = arith.constant 64 : index
        %parallel_loop3A_356 = tpu.vector_load %arg16[%parallel_loop3A_354, %parallel_loop3A_355] {strides = array<i32>} : memref<64x128xi32, #tpu.memory_space<vmem>>, vector<16xi32>,
        %parallel_loop3A_357 = vector.bitcast %parallel_loop3A_356 : vector<16xi32> to vector<32xbf16>
        %parallel_loop3A_358 = arith.subf %parallel_loop3A_357, %parallel_loop3A_353 : vector<32xbf16>
        %parallel_loop3A_359 = arith.mulf %parallel_loop3A_268, %parallel_loop3A_358 : vector<32xbf16>
        %parallel_loop3A_360 = arith.addf %parallel_loop3A_353, %parallel_loop3A_359 : vector<32xbf16>
        %parallel_loop3A_361 = tpu.unpack_subelements %parallel_loop3A_360, 0 {pack_format = #tpu.pack_format<interleaved>} : vector<32xbf16> -> vector<16xf32>
        %parallel_loop3A_362 = tpu.unpack_subelements %parallel_loop3A_360, 1 {pack_format = #tpu.pack_format<interleaved>} : vector<32xbf16> -> vector<16xf32>
        %parallel_loop3A_363 = arith.index_cast %parallel_loop3A_217 : i32 to index
        %parallel_loop3A_364 = arith.constant 128 : index
        %parallel_loop3A_365 = tpu.vector_load %arg18[%parallel_loop3A_363, %parallel_loop3A_364] {strides = array<i32>} : memref<64x256xf32, #tpu.memory_space<vmem>>, vector<16xf32>,
        tpu.vector_store %arg18[%parallel_loop3A_363, %parallel_loop3A_364], %parallel_loop3A_361 {strides = array<i32>} : memref<64x256xf32, #tpu.memory_space<vmem>>, vector<16xf32>,
        %parallel_loop3A_366 = arith.index_cast %parallel_loop3A_217 : i32 to index
        %parallel_loop3A_367 = arith.constant 144 : index
        %parallel_loop3A_368 = tpu.vector_load %arg18[%parallel_loop3A_366, %parallel_loop3A_367] {strides = array<i32>} : memref<64x256xf32, #tpu.memory_space<vmem>>, vector<16xf32>,
        tpu.vector_store %arg18[%parallel_loop3A_366, %parallel_loop3A_367], %parallel_loop3A_362 {strides = array<i32>} : memref<64x256xf32, #tpu.memory_space<vmem>>, vector<16xf32>,
        %parallel_loop3A_369 = arith.index_cast %parallel_loop3A_217 : i32 to index
        %parallel_loop3A_370 = arith.constant 80 : index
        %parallel_loop3A_371 = tpu.vector_load %arg15[%parallel_loop3A_369, %parallel_loop3A_370] {strides = array<i32>} : memref<64x128xi32, #tpu.memory_space<vmem>>, vector<16xi32>,
        %parallel_loop3A_372 = vector.bitcast %parallel_loop3A_371 : vector<16xi32> to vector<32xbf16>
        %parallel_loop3A_373 = arith.index_cast %parallel_loop3A_217 : i32 to index
        %parallel_loop3A_374 = arith.constant 80 : index
        %parallel_loop3A_375 = tpu.vector_load %arg16[%parallel_loop3A_373, %parallel_loop3A_374] {strides = array<i32>} : memref<64x128xi32, #tpu.memory_space<vmem>>, vector<16xi32>,
        %parallel_loop3A_376 = vector.bitcast %parallel_loop3A_375 : vector<16xi32> to vector<32xbf16>
        %parallel_loop3A_377 = arith.subf %parallel_loop3A_376, %parallel_loop3A_372 : vector<32xbf16>
        %parallel_loop3A_378 = arith.mulf %parallel_loop3A_268, %parallel_loop3A_377 : vector<32xbf16>
        %parallel_loop3A_379 = arith.addf %parallel_loop3A_372, %parallel_loop3A_378 : vector<32xbf16>
        %parallel_loop3A_380 = tpu.unpack_subelements %parallel_loop3A_379, 0 {pack_format = #tpu.pack_format<interleaved>} : vector<32xbf16> -> vector<16xf32>
        %parallel_loop3A_381 = tpu.unpack_subelements %parallel_loop3A_379, 1 {pack_format = #tpu.pack_format<interleaved>} : vector<32xbf16> -> vector<16xf32>
        %parallel_loop3A_382 = arith.index_cast %parallel_loop3A_217 : i32 to index
        %parallel_loop3A_383 = arith.constant 160 : index
        %parallel_loop3A_384 = tpu.vector_load %arg18[%parallel_loop3A_382, %parallel_loop3A_383] {strides = array<i32>} : memref<64x256xf32, #tpu.memory_space<vmem>>, vector<16xf32>,
        tpu.vector_store %arg18[%parallel_loop3A_382, %parallel_loop3A_383], %parallel_loop3A_380 {strides = array<i32>} : memref<64x256xf32, #tpu.memory_space<vmem>>, vector<16xf32>,
        %parallel_loop3A_385 = arith.index_cast %parallel_loop3A_217 : i32 to index
        %parallel_loop3A_386 = arith.constant 176 : index
        %parallel_loop3A_387 = tpu.vector_load %arg18[%parallel_loop3A_385, %parallel_loop3A_386] {strides = array<i32>} : memref<64x256xf32, #tpu.memory_space<vmem>>, vector<16xf32>,
        tpu.vector_store %arg18[%parallel_loop3A_385, %parallel_loop3A_386], %parallel_loop3A_381 {strides = array<i32>} : memref<64x256xf32, #tpu.memory_space<vmem>>, vector<16xf32>,
        %parallel_loop3A_388 = arith.index_cast %parallel_loop3A_217 : i32 to index
        %parallel_loop3A_389 = arith.constant 96 : index
        %parallel_loop3A_390 = tpu.vector_load %arg15[%parallel_loop3A_388, %parallel_loop3A_389] {strides = array<i32>} : memref<64x128xi32, #tpu.memory_space<vmem>>, vector<16xi32>,
        %parallel_loop3A_391 = vector.bitcast %parallel_loop3A_390 : vector<16xi32> to vector<32xbf16>
        %parallel_loop3A_392 = arith.index_cast %parallel_loop3A_217 : i32 to index
        %parallel_loop3A_393 = arith.constant 96 : index
        %parallel_loop3A_394 = tpu.vector_load %arg16[%parallel_loop3A_392, %parallel_loop3A_393] {strides = array<i32>} : memref<64x128xi32, #tpu.memory_space<vmem>>, vector<16xi32>,
        %parallel_loop3A_395 = vector.bitcast %parallel_loop3A_394 : vector<16xi32> to vector<32xbf16>
        %parallel_loop3A_396 = arith.subf %parallel_loop3A_395, %parallel_loop3A_391 : vector<32xbf16>
        %parallel_loop3A_397 = arith.mulf %parallel_loop3A_268, %parallel_loop3A_396 : vector<32xbf16>
        %parallel_loop3A_398 = arith.addf %parallel_loop3A_391, %parallel_loop3A_397 : vector<32xbf16>
        %parallel_loop3A_399 = tpu.unpack_subelements %parallel_loop3A_398, 0 {pack_format = #tpu.pack_format<interleaved>} : vector<32xbf16> -> vector<16xf32>
        %parallel_loop3A_400 = tpu.unpack_subelements %parallel_loop3A_398, 1 {pack_format = #tpu.pack_format<interleaved>} : vector<32xbf16> -> vector<16xf32>
        %parallel_loop3A_401 = arith.index_cast %parallel_loop3A_217 : i32 to index
        %parallel_loop3A_402 = arith.constant 192 : index
        %parallel_loop3A_403 = tpu.vector_load %arg18[%parallel_loop3A_401, %parallel_loop3A_402] {strides = array<i32>} : memref<64x256xf32, #tpu.memory_space<vmem>>, vector<16xf32>,
        tpu.vector_store %arg18[%parallel_loop3A_401, %parallel_loop3A_402], %parallel_loop3A_399 {strides = array<i32>} : memref<64x256xf32, #tpu.memory_space<vmem>>, vector<16xf32>,
        %parallel_loop3A_404 = arith.index_cast %parallel_loop3A_217 : i32 to index
        %parallel_loop3A_405 = arith.constant 208 : index
        %parallel_loop3A_406 = tpu.vector_load %arg18[%parallel_loop3A_404, %parallel_loop3A_405] {strides = array<i32>} : memref<64x256xf32, #tpu.memory_space<vmem>>, vector<16xf32>,
        tpu.vector_store %arg18[%parallel_loop3A_404, %parallel_loop3A_405], %parallel_loop3A_400 {strides = array<i32>} : memref<64x256xf32, #tpu.memory_space<vmem>>, vector<16xf32>,
        %parallel_loop3A_407 = arith.index_cast %parallel_loop3A_217 : i32 to index
        %parallel_loop3A_408 = arith.constant 112 : index
        %parallel_loop3A_409 = tpu.vector_load %arg15[%parallel_loop3A_407, %parallel_loop3A_408] {strides = array<i32>} : memref<64x128xi32, #tpu.memory_space<vmem>>, vector<16xi32>,
        %parallel_loop3A_410 = vector.bitcast %parallel_loop3A_409 : vector<16xi32> to vector<32xbf16>
        %parallel_loop3A_411 = arith.index_cast %parallel_loop3A_217 : i32 to index
        %parallel_loop3A_412 = arith.constant 112 : index
        %parallel_loop3A_413 = tpu.vector_load %arg16[%parallel_loop3A_411, %parallel_loop3A_412] {strides = array<i32>} : memref<64x128xi32, #tpu.memory_space<vmem>>, vector<16xi32>,
        %parallel_loop3A_414 = vector.bitcast %parallel_loop3A_413 : vector<16xi32> to vector<32xbf16>
        %parallel_loop3A_415 = tpu.unpack_subelements %parallel_loop3A_410, 0 {pack_format = #tpu.pack_format<interleaved>} : vector<32xbf16> -> vector<16xf32>
        %parallel_loop3A_416 = tpu.unpack_subelements %parallel_loop3A_410, 1 {pack_format = #tpu.pack_format<interleaved>} : vector<32xbf16> -> vector<16xf32>
        %parallel_loop3A_417 = tpu.unpack_subelements %parallel_loop3A_414, 0 {pack_format = #tpu.pack_format<interleaved>} : vector<32xbf16> -> vector<16xf32>
        %parallel_loop3A_418 = tpu.unpack_subelements %parallel_loop3A_414, 1 {pack_format = #tpu.pack_format<interleaved>} : vector<32xbf16> -> vector<16xf32>
        %parallel_loop3A_419 = arith.subf %parallel_loop3A_417, %parallel_loop3A_415 : vector<16xf32>
        %parallel_loop3A_420 = arith.mulf %parallel_loop3A_267, %parallel_loop3A_419 : vector<16xf32>
        %parallel_loop3A_421 = arith.addf %parallel_loop3A_415, %parallel_loop3A_420 : vector<16xf32>
        %parallel_loop3A_422 = arith.subf %parallel_loop3A_418, %parallel_loop3A_416 : vector<16xf32>
        %parallel_loop3A_423 = arith.mulf %parallel_loop3A_267, %parallel_loop3A_422 : vector<16xf32>
        %parallel_loop3A_424 = arith.addf %parallel_loop3A_416, %parallel_loop3A_423 : vector<16xf32>
        %parallel_loop3A_425 = arith.index_cast %parallel_loop3A_217 : i32 to index
        %parallel_loop3A_426 = arith.constant 224 : index
        %parallel_loop3A_427 = tpu.vector_load %arg18[%parallel_loop3A_425, %parallel_loop3A_426] {strides = array<i32>} : memref<64x256xf32, #tpu.memory_space<vmem>>, vector<16xf32>,
        tpu.vector_store %arg18[%parallel_loop3A_425, %parallel_loop3A_426], %parallel_loop3A_421 {strides = array<i32>} : memref<64x256xf32, #tpu.memory_space<vmem>>, vector<16xf32>,
        %parallel_loop3A_428 = arith.index_cast %parallel_loop3A_217 : i32 to index
        %parallel_loop3A_429 = arith.constant 240 : index
        %parallel_loop3A_430 = tpu.vector_load %arg18[%parallel_loop3A_428, %parallel_loop3A_429] {strides = array<i32>} : memref<64x256xf32, #tpu.memory_space<vmem>>, vector<16xf32>,
        tpu.vector_store %arg18[%parallel_loop3A_428, %parallel_loop3A_429], %parallel_loop3A_424 {strides = array<i32>} : memref<64x256xf32, #tpu.memory_space<vmem>>, vector<16xf32>,
      } {sc.loop_unroll_factor = 8 : i64, sc.parallel_access}
      %mul3A_203 = arith.constant 64 : i32
      %mul3A_204 = arith.muli %add3A_178, %mul3A_203 : i32
      %add3A_205 = arith.addi %mul3A_2, %mul3A_204 : i32
      %dma_start3A_206 = arith.constant 0 : i32
      %dma_start3A_207 = tpu.memref_slice %arg4[%add3A_205, %dma_start3A_206] : memref<65536x256xf32, #tpu.memory_space<hbm>> -> memref<64x256xf32, #tpu.memory_space<hbm>>
      %dma_start3A_208 = arith.constant 0 : i32
      %dma_start3A_209 = tpu.memref_slice %arg4[%add3A_205, %dma_start3A_208] : memref<65536x256xf32, #tpu.memory_space<hbm>> -> memref<64x256xf32, #tpu.memory_space<hbm>>
      tpu.enqueue_dma source(%arg18 : memref<64x256xf32, #tpu.memory_space<vmem>>) target(%dma_start3A_209 : memref<64x256xf32, #tpu.memory_space<hbm>>) target_semaphore(%arg29 : memref<!tpu.dma_semaphore, #tpu.memory_space<semaphore_mem>>)
      %add3A_210 = arith.constant 1 : i32
      %add3A_211 = arith.addi %scan3A_68, %add3A_210 : i32
      %lt3A_212 = arith.constant 8 : i32
      %lt3A_213 = arith.cmpi slt, %add3A_211, %lt3A_212 : i32
      %convert_element_type3A_214 = arith.extui %lt3A_213 : i1 to i32
      %cond3A_215 = arith.constant 0 : i32
      %cond3A_216 = arith.cmpi ne, %convert_element_type3A_214, %cond3A_215 : i32
      scf.if %cond3A_216 {
        %add3A_217 = arith.constant 4 : i32
        %add3A_218 = arith.addi %add3A_178, %add3A_217 : i32
        %mul3A_219 = arith.constant 64 : i32
        %mul3A_220 = arith.muli %add3A_218, %mul3A_219 : i32
        %mul3A_221 = arith.constant 64 : i32
        %mul3A_222 = arith.muli %add3A_218, %mul3A_221 : i32
        %dma_start3A_223 = tpu.memref_slice %arg6[%mul3A_220] : memref<2048xi32, #tpu.memory_space<vmem>> -> memref<64xi32, #tpu.memory_space<vmem>>
        %dma_start3A_224 = arith.constant 0 : i32
        %dma_start3A_225 = arith.constant 0 : i32
        %dma_start3A_226 = tpu.memref_slice %arg19[%dma_start3A_224, %dma_start3A_225] : memref<1024x128xi32, #tpu.memory_space<vmem_shared>> -> memref<1024x128xi32, #tpu.memory_space<vmem_shared>>
        tpu.enqueue_indirect_dma source(%dma_start3A_226 : memref<1024x128xi32, #tpu.memory_space<vmem_shared>>) target(%arg15 : memref<64x128xi32, #tpu.memory_space<vmem>>) offsets(%dma_start3A_223 : memref<64xi32, #tpu.memory_space<vmem>>) semaphore(%arg26 : memref<!tpu.dma_semaphore, #tpu.memory_space<semaphore_mem>>)
        %dma_start3A_227 = tpu.memref_slice %arg7[%mul3A_222] : memref<2048xi32, #tpu.memory_space<vmem>> -> memref<64xi32, #tpu.memory_space<vmem>>
        %dma_start3A_228 = arith.constant 0 : i32
        %dma_start3A_229 = arith.constant 0 : i32
        %dma_start3A_230 = tpu.memref_slice %arg19[%dma_start3A_228, %dma_start3A_229] : memref<1024x128xi32, #tpu.memory_space<vmem_shared>> -> memref<1024x128xi32, #tpu.memory_space<vmem_shared>>
        tpu.enqueue_indirect_dma source(%dma_start3A_230 : memref<1024x128xi32, #tpu.memory_space<vmem_shared>>) target(%arg16 : memref<64x128xi32, #tpu.memory_space<vmem>>) offsets(%dma_start3A_227 : memref<64xi32, #tpu.memory_space<vmem>>) semaphore(%arg27 : memref<!tpu.dma_semaphore, #tpu.memory_space<semaphore_mem>>)
      } else {
      }
    }
    %scan3A_56 = arith.constant 8 : i32
    %add3A_57 = arith.constant 1920 : i32
    %add3A_58 = arith.addi %mul3A_2, %add3A_57 : i32
    %dma_wait3A = arith.constant 0 : i32
    %dma_wait3A_59 = tpu.memref_slice %arg4[%add3A_58, %dma_wait3A] : memref<65536x256xf32, #tpu.memory_space<hbm>> -> memref<64x256xf32, #tpu.memory_space<hbm>>
    %dma_wait3A_60 = arith.constant 0 : i32
    %dma_wait3A_61 = tpu.memref_slice %arg4[%add3A_58, %dma_wait3A_60] : memref<65536x256xf32, #tpu.memory_space<hbm>> -> memref<64x256xf32, #tpu.memory_space<hbm>>
    tpu.wait_dma2 semaphore(%arg28 : memref<!tpu.dma_semaphore, #tpu.memory_space<semaphore_mem>>) src(%arg17 : memref<64x256xf32, #tpu.memory_space<vmem>>) dst(%dma_wait3A_61 : memref<64x256xf32, #tpu.memory_space<hbm>>)
    %add3A_62 = arith.constant 1984 : i32
    %add3A_63 = arith.addi %mul3A_2, %add3A_62 : i32
    %dma_wait3A_64 = arith.constant 0 : i32
    %dma_wait3A_65 = tpu.memref_slice %arg4[%add3A_63, %dma_wait3A_64] : memref<65536x256xf32, #tpu.memory_space<hbm>> -> memref<64x256xf32, #tpu.memory_space<hbm>>
    %dma_wait3A_66 = arith.constant 0 : i32
    %dma_wait3A_67 = tpu.memref_slice %arg4[%add3A_63, %dma_wait3A_66] : memref<65536x256xf32, #tpu.memory_space<hbm>> -> memref<64x256xf32, #tpu.memory_space<hbm>>
    tpu.wait_dma2 semaphore(%arg29 : memref<!tpu.dma_semaphore, #tpu.memory_space<semaphore_mem>>) src(%arg18 : memref<64x256xf32, #tpu.memory_space<vmem>>) dst(%dma_wait3A_67 : memref<64x256xf32, #tpu.memory_space<hbm>>)
    return
  }
}

</mosaic_0001>

<sc_bundles>
// kernel: kernel.3.cloned.1.call-start
scs
__scs_entry_jumppad:
0x0: {  	(pc) =	sbr.rel $0x88, $3  }
0x1: {  	(tag) =	ssettag $0x0;
	lr =	simm.s32 $0x1  }
0x2: {  	[smem:$0x3F9F] =	sst lr;
	_ =	strace $0xD0000000  }
0x3: {  	_ = 	snop  }
0x4: {  	_ = 	snop  }
0x5: {  	_ = 	snop  }
0x6: {  	_ = 	snop  }
0x7: {  	_ = 	snop  }
__scs_overlays_trampoline_lowered:
0x8: {  	[smem:$0x3FAE] =	sst s0  }
0x9: {  	[smem:$0x3FAF] =	sst s1  }
0xa: {  	[smem:$0x3FB0] =	sst s2  }
0xb: {  	[smem:$0x3FB1] =	sst s3  }
0xc: {  	[smem:$0x3FB2] =	sst s4  }
0xd: {  	[smem:$0x3FB3] =	sst s5  }
0xe: {  	[smem:$0x3FB4] =	sst s6  }
0xf: {  	[smem:$0x3FB5] =	sst s7  }
0x10: {  	[smem:$0x3FB6] =	sst s8  }
0x11: {  	[smem:$0x3FB7] =	sst s9;
	s0 =	simm.s32 @!p0 $0x0  }
0x12: {  	s1 =	sld [smem:$0x3F9D];
	s0 =	simm.s32 @p0 $0x1  }
0x13: {  	[smem:$0x3FB8] =	sst s0;
	s0 =	simm.s32 @!p1 $0x0  }
0x14: {  	s2 =	sld [smem:$0x3F9C];
	s0 =	simm.s32 @p1 $0x1  }
0x15: {  	[smem:$0x3FB9] =	sst s0;
	s0 =	simm.s32 @!p2 $0x0  }
0x16: {  	s3 =	sld [smem:$0x3FDB];
	s0 =	simm.s32 @p2 $0x1  }
0x17: {  	s4 =	simm.s32 $0x1BF5;
	[smem:$0x3FBB] =	sst s0  }
0x18: {  	s0 =	sld [smem:$0x3F9E];
	_ =	swait.ge [sflag:s4], $0x0  }
0x19: {  	s7 =	sld [smem:$0x3F9F]  }
0x1a: {  	s8 =	sadd.s32 $0xFFFFE003, lr  }
0x1b: {  	s9 =	sadd.s32 $0xFFFFFEF7, lr;
	s5 =	simm.s32 $0xFFFFFFFF;
	p2 =	slt.u32 s8, $0xFFFFF086  }
0x1c: {  	p1 =	slt.u32 s9, $0xF7A;
	s5 =	simm.s32 @!p2 $0x0  }
0x1d: {  	s5 =	simm.s32 @p1 $0x1;
	p0 =	seq.s32 s7, s2  }
0x1e: {  	s7 =	smul.u32 @!p0 $0xF7A, s2;
	p2 =	seq.s32 @!p0 s5, $0x0  }
0x1f: {  	s9 =	smul.u32 $0xF7A, s1;
	s8 =	simm.s32 @!p0 $0x1BF5;
	p2 =	por !p2, p0  }
0x20: {  	[sflag:s8] =	ssyncset.s32 @!p0 $0xFFFFF086;
	s6 =	sadd.s32 @!p0 s3, s7;
	s7 =	simm.s32 @!p0 $0x108  }
0x21: {  	s3 =	sadd.s32 s3, s9;
	s6 =	sadd.s32 @!p0 $0x88, s6;
	s7 =	simm.s32 @p2 $0x1082  }
0x22: {  	[simem:s7], [sflag:s8] =	dma.local @!p0 [hbm:s6], $0xF7A  }
0x23: {  	s9 =	sor.u32 $0xD0000000, s2;
	s6 =	simm.s32 $0x108;
	_ =	swait.ge @!p0 [sflag:s8], $0x0  }
0x24: {  	s3 =	sadd.s32 $0x88, s3;
	s6 =	simm.s32 @!p1 $0x1082;
	[sflag:s4] =	ssyncset.s32 $0xFFFFF086  }
0x25: {  	[simem:s6], [sflag:s4] =	dma.local [hbm:s3], $0xF7A  }
0x26: {  	[smem:$0x3F9F] =	sst s1;
	(tag) =	ssettag s2;
	_ =	strace s9  }
0x27: {  	s1 =	sld [smem:$0x3FAF]  }
0x28: {  	s2 =	sld [smem:$0x3FB0]  }
0x29: {  	s4 =	sld [smem:$0x3FB2]  }
0x2a: {  	p0 =	seq.s32 s5, $0x0;
	s5 =	sld [smem:$0x3FB3]  }
0x2b: {  	s6 =	sld [smem:$0x3FB4]  }
0x2c: {  	s7 =	sld [smem:$0x3FB5]  }
0x2d: {  	s3 =	simm.s32 $0x108;
	s8 =	sld [smem:$0x3FB6]  }
0x2e: {  	s3 =	simm.s32 @!p0 $0x1082;
	s9 =	sld [smem:$0x3FB7]  }
0x2f: {  	lr =	sadd.s32 s0, s3;
	s0 =	sld [smem:$0x3FAE]  }
0x30: {  	s3 =	sld [smem:$0x3FB1]  }
0x31: {  	[smem:$0x3FBA] =	sst s10  }
0x32: {  	s10 =	sld [smem:$0x3FB8];
	_ =	sdelay $0x3  }
0x33: {  	p0 =	seq.s32 s10, $0x1;
	s10 =	sld [smem:$0x3FBA];
	_ =	sdelay $0x3  }
0x34: {  	[smem:$0x3FBA] =	sst s10  }
0x35: {  	s10 =	sld [smem:$0x3FB9];
	_ =	sdelay $0x3  }
0x36: {  	p1 =	seq.s32 s10, $0x1;
	s10 =	sld [smem:$0x3FBA];
	_ =	sdelay $0x3  }
0x37: {  	[smem:$0x3FBA] =	sst s10  }
0x38: {  	s10 =	sld [smem:$0x3FBB]  }
0x39: {  	_ = 	snop;
	(pc) =	sbr.ind lr, $3  }
0x3a: {  	_ = 	snop  }
0x3b: {  	_ = 	snop  }
0x3c: {  	p2 =	seq.s32 s10, $0x1;
	s10 =	sld [smem:$0x3FBA]  }
0x3d: {  	_ =	shalt  }
0x3e: {  	_ =	shalt  }
0x3f: {  	_ =	shalt  }
0x40: {  	_ =	shalt  }
0x41: {  	_ =	shalt  }
0x42: {  	_ =	shalt  }
0x43: {  	_ =	shalt  }
0x44: {  	_ =	shalt  }
0x45: {  	_ =	shalt  }
0x46: {  	_ =	shalt  }
0x47: {  	_ =	shalt  }
0x48: {  	_ =	shalt  }
0x49: {  	_ =	shalt  }
0x4a: {  	_ =	shalt  }
0x4b: {  	_ =	shalt  }
0x4c: {  	_ =	shalt  }
0x4d: {  	_ =	shalt  }
0x4e: {  	_ =	shalt  }
0x4f: {  	_ =	shalt  }
0x50: {  	_ =	shalt  }
0x51: {  	_ =	shalt  }
0x52: {  	_ =	shalt  }
0x53: {  	_ =	shalt  }
0x54: {  	_ =	shalt  }
0x55: {  	_ =	shalt  }
0x56: {  	_ =	shalt  }
0x57: {  	_ =	shalt  }
0x58: {  	_ =	shalt  }
0x59: {  	_ =	shalt  }
0x5a: {  	_ =	shalt  }
0x5b: {  	_ =	shalt  }
0x5c: {  	_ =	shalt  }
0x5d: {  	_ =	shalt  }
0x5e: {  	_ =	shalt  }
0x5f: {  	_ =	shalt  }
0x60: {  	_ =	shalt  }
0x61: {  	_ =	shalt  }
0x62: {  	_ =	shalt  }
0x63: {  	_ =	shalt  }
0x64: {  	_ =	shalt  }
0x65: {  	_ =	shalt  }
0x66: {  	_ =	shalt  }
0x67: {  	_ =	shalt  }
0x68: {  	_ =	shalt  }
0x69: {  	_ =	shalt  }
0x6a: {  	_ =	shalt  }
0x6b: {  	_ =	shalt  }
0x6c: {  	_ =	shalt  }
0x6d: {  	_ =	shalt  }
0x6e: {  	_ =	shalt  }
0x6f: {  	_ =	shalt  }
0x70: {  	_ =	shalt  }
0x71: {  	_ =	shalt  }
0x72: {  	_ =	shalt  }
0x73: {  	_ =	shalt  }
0x74: {  	_ =	shalt  }
0x75: {  	_ =	shalt  }
0x76: {  	_ =	shalt  }
0x77: {  	_ =	shalt  }
0x78: {  	_ =	shalt  }
0x79: {  	_ =	shalt  }
0x7a: {  	_ =	shalt  }
0x7b: {  	_ =	shalt  }
0x7c: {  	_ =	shalt  }
0x7d: {  	_ =	shalt  }
0x7e: {  	_ =	shalt  }
0x7f: {  	_ =	shalt  }
0x80: {  	_ =	shalt  }
0x81: {  	_ =	shalt  }
0x82: {  	_ =	shalt  }
0x83: {  	_ =	shalt  }
0x84: {  	_ =	shalt  }
0x85: {  	_ =	shalt  }
0x86: {  	_ =	shalt  }
0x87: {  	_ =	shalt  }
.Lfunc_end0:
.L_simem_size_0:
called_computation_lowered:
.L_overlay_start_0:
0x88: {  	s2 =	sld [smem:$0x3FD9]  }
0x89: {  	s3 =	sld [smem:$0x3FFE];
	_ =	sdelay $0x1  }
0x8a: {  	s1 =	srdreg.scid  }
0x8b: {  	s0 =	sand.u32 $0x1, s1  }
0x8c: {  	s17 =	sshll.u32 s0, $0xA;
	s2 =	sadd.s32 s3, s2  }
0x8d: {  	s2 =	sadd.s32 s2, s17  }
0x8e: {  	[smem:$0x3FC6] =	sst s2  }
0x8f: {  	_ = 	snop  }
0x90: {  	s2 =	sld [smem:$0x3FC9]  }
0x91: {  	s18 =	sld [smem:$0x3FD0];
	(tm) =	ssettm $0x1  }
0x92: {  	s4 =	sld [smem:$0x3FFB];
	_ =	sdelay $0x3  }
0x93: {  	_ =	strace s4  }
0x94: {  	s4 =	sld [smem:$0x3FFC];
	_ =	sdelay $0x3  }
0x95: {  	_ =	strace s4  }
0x96: {  	s4 =	sld [smem:$0x3FFD];
	_ =	sdelay $0x3  }
0x97: {  	_ =	strace s4  }
0x98: {  	_ =	strace $0x8FFFFFFF  }
0x99: {  	s19 =	sld [smem:$0x3FDB];
	_ =	sdelay $0x1  }
0x9a: {  	s5 =	simm.s32 $_scs_section_size  }
0x9b: {  	s6 =	simm.s32 $_size__tile_overlayer_lowered;
	s7 =	simm.s32 $_tile_overlayer_lowered  }
0x9c: {  	s22 =	simm.s32 $0x1BFF;
	s21 =	sshll.u32 s7, $0x1;
	s4 =	sadd.s32 s5, s19  }
0x9d: {  	s8 =	simm.s32 $0x0;
	s20 =	sshll.u32 s6, $0x1;
	s6 =	sadd.s32 s21, s4  }
0x9e: {  	[timem:s8], [sflag:s22] =	dma.local [hbm:s6], s20  }
0x9f: {  	_ =	swait.ge [sflag:s22], s20  }
0xa0: {  	s5 =	ssub.s32 $0x0, s20;
	[sflag:s22] =	ssyncset.done $0x0  }
0xa1: {  	[sflag:s22] =	ssyncadd.s32 s5;
	_ =	sdelay $0x1  }
0xa2: {  	s23 =	simm.s32 $0x1B8B  }
0xa3: {  	_ =	swait.ge [sflag:s23], $0x1  }
0xa4: {  	[sflag:s23] =	ssyncset.done $0x0  }
0xa5: {  	s25 =	simm.s32 $0x1B8E;
	s24 =	sld [smem:$0x3FFE];
	[sflag:s23] =	ssyncadd.s32 $0xFFFFFFFF  }
0xa6: {  	s26 =	simm.s32 $execute0_lowered;
	[smem:$0x3FD2] =	sst s25  }
0xa7: {  	s6 =	sshll.u32 s26, $0x1;
	_ =	strace $0x80000046;
	[dreg:$0x1] =	wrdreg $0xFFFFFFFF  }
0xa8: {  	s28 =	simm.s32 $_size_execute0_lowered;
	s4 =	sadd.s32 s4, s6;
	[dreg:$0x0] =	wrdreg $0x0  }
0xa9: {  	s6 =	sshll.u32 s28, $0x1;
	[dreg:$0x2] =	wrdreg s4  }
0xaa: {  	[dreg:$0x3] =	wrdreg s6  }
0xab: {  	[dreg:$0x4] =	wrdreg $0xC0  }
0xac: {  	_ =	task [dreg:s8], $0x5FFFF  }
0xad: {  	[dreg:$0x1] =	wrdreg $0xFFFFFFFF  }
0xae: {  	[dreg:$0x0] =	wrdreg $0x60  }
0xaf: {  	[dreg:$0x2] =	wrdreg s2  }
0xb0: {  	[dreg:$0x3] =	wrdreg s24  }
0xb1: {  	[dreg:$0x4] =	wrdreg s18  }
0xb2: {  	[dreg:$0x5] =	wrdreg $0x1A0000  }
0xb3: {  	[dreg:$0x6] =	wrdreg $0x9  }
0xb4: {  	_ =	task.clear_ibuf [dreg:s8], $0x7FFFF;
	_ =	strace $0x90000046  }
0xb5: {  	s29 =	simm.s32 $0x9;
	_ =	strace $0x80000048  }
0xb6: {  	_ =	swait.ge [sflag:s29], $0x1  }
0xb7: {  	[sflag:s29] =	ssyncadd.s32 $0xFFFFFFFF  }
0xb8: {  	_ =	strace $0x90000048  }
0xb9: {  	_ =	sfence  }
0xba: {  	s30 =	sld [smem:$0x0];
	_ =	sdelay $0x2  }
0xbb: {  	s31 =	sshll.u32 s1, $0xD;
	s1 =	sshrl.u32 s1, $0x2  }
0xbc: {  	s3 =	sand.u32 $0x4000, s31;
	s1 =	sadd.s32 s1, s30  }
0xbd: {  	s0 =	sor.u32 s3, s0;
	s1 =	sshll.u32 s1, $0x11  }
0xbe: {  	s0 =	sor.u32 s1, s0  }
0xbf: {  	s0 =	sadd.s32 $0x8F2B, s0  }
0xc0: {  	[sflag:s0] =	ssyncadd.remote.s32 $0x1  }
0xc1: {  	_ =	sfence.sel $0xFFFF  }
0xc2: {  	[dreg:$0x0] =	wrdreg $0xFFFFFFFF;
	(pc) =	sbr.abs _section_cstart, $3  }
0xc3: {  	[dreg:$0x1] =	wrdreg $0xFFFFFFFF  }
0xc4: {  	_ =	task.clear_ibuf [dreg:s8], $0x2FFFF;
	_ =	strace $0x9FFFFFFF  }
0xc5: {  	(tm) =	ssettm $0x7FFFFFFF  }
tec
execute0_lowered:
.L_overlay_start_1:
0x0: {  	(tag) =	ssettag $0x1  }
0x1: {  	s0 =	rddreg [dreg:$0x0]  }
0x2: {  	s2 =	rddreg [dreg:$0x1]  }
0x3: {  	s4 =	rddreg [dreg:$0x2];
	s3 =	srdreg.scid  }
0x4: {  	s1 =	rddreg [dreg:$0x3];
	s10 =	stileid.u32;
	s29 =	simm.s32 $0x1  }
0x5: {  	s30 =	simm.s32 $0x2;
	s31 =	simm.s32 $0x12000;
	s12 =	simm.s32 $0x16000  }
0x6: {  	s13 =	simm.s32 $0x5;
	s14 =	simm.s32 $0x6;
	s15 =	simm.s32 $0x9  }
0x7: {  	s16 =	simm.s32 $0x7;
	s17 =	simm.s32 $0x8;
	s18 =	simm.s32 $0xA  }
0x8: {  	s19 =	simm.s32 $0x0;
	s5 =	sand.u32 $0x1, s3;
	s3 =	simm.s32 $0x0  }
0x9: {  	s24 =	sshll.u32 s10, $0xC;
	s8 =	sshll.u32 s10, $0xD;
	s9 =	sshll.u32 s10, $0xA  }
0xa: {  	s25 =	sshll.u32 s10, $0x6;
	s6 =	ssub.s32 $0x2, s5;
	[smem:$0x7FF] =	sst s3  }
0xb: {  	s5 =	sshll.u32 s5, $0xB;
	s8 =	sadd.s32 s8, s1;
	s2 =	sadd.s32 s2, s9  }
0xc: {  	s7 =	sshrl.u32 s6, $0x1;
	_ =	strace $0x80000047;
	s5 =	sor.u32 s5, s24  }
0xd: {  	[dreg:$0x5] =	wrdreg s2;
	s2 =	sor.u32 $0x1C0B, s25;
	s28 =	sshrl.u32 s8, $0x3  }
0xe: {  	s6 =	ssub.s32 s6, s7;
	s7 =	sshrl.u32 s5, $0x3;
	[dreg:$0x6] =	wrdreg s2  }
0xf: {  	s5 =	sshll.u32 s5, $0x5;
	[dreg:$0x9] =	wrdreg s28;
	s0 =	sadd.s32 s0, s7  }
0x10: {  	s2 =	simm.s32 $0x4;
	s26 =	smax.u32 s6, $0x1;
	[dreg:$0x7] =	wrdreg s0  }
0x11: {  	s7 =	sadd.s32 s4, s5;
	[dreg:$0x8] =	wrdreg s26;
	s0 =	simm.s32 $0x3  }
.LBB2_1:
0x12: {  	s4 =	rddreg [dreg:$0x5]  }
0x13: {  	s5 =	rddreg [dreg:$0x6]  }
0x14: {  	s6 =	rddreg [dreg:$0x9];
	s26 =	simm.s32 $0xB  }
0x15: {  	[spmem:s6], [sflag:s5] =	dma.local [hbm:s4], $0x400  }
0x16: {  	_ =	swait.ge [sflag:s26], $0x400  }
0x17: {  	[sflag:s26] =	ssyncset.done $0x0  }
0x18: {  	s28 =	rddreg [dreg:$0x7];
	[sflag:s26] =	ssyncadd.s32 $0xFFFFFC00  }
0x19: {  	[tilespmem:s3], [sflag:$0xB] =	stream.linear.gather [hbm4b:s28+s3], $0x800, $0x38;
	[tilespmem:$0x1C000] =	vst v63  }
0x1a: {  	_ =	swait.ge [sflag:s26], $0x800  }
0x1b: {  	[sflag:s26] =	ssyncset.done $0x0  }
0x1c: {  	s6 =	simm.s32 $0x0;
	[sflag:s26] =	ssyncadd.s32 $0xFFFFF800  }
0x1d: {  	v0 =	vld [tilespmem:s6+$0x0];
	_ =	sdelay $0x4  }
0x1e: {  	s4 =	simm.s32 $0x10;
	v3 =	vmul.f32 $1.023000000e+03, v0  }
0x1f: {  	v0 =	vld [tilespmem:s4+$0x0]  }
0x20: {  	v1 =	vtrunc.f32 v3  }
0x21: {  	v1 =	vcvt.f32.s32 v1;
	_ =	sdelay $0x1  }
0x22: {  	vm0 =	vgt.s32 v1, $0x0  }
0x23: {  	s5 =	simm.s32 $0x20;
	v0 =	vmul.f32 $1.023000000e+03, v0;
	v1 =	vnsel vm0, $0x0, v1  }
0x24: {  	v4 =	vmin.u32 v1, $0x3FE;
	v1 =	vld [tilespmem:s5+$0x0]  }
0x25: {  	v2 =	vtrunc.f32 v0;
	v5 =	vcvt.s32.f32 v4  }
0x26: {  	v2 =	vcvt.f32.s32 v2  }
0x27: {  	[tilespmem:s6+$0x800] =	vst v4;
	v4 =	vadd.s32 $0x1, v4;
	v3 =	vsub.f32 v3, v5  }
0x28: {  	s8 =	simm.s32 $0xC0;
	[tilespmem:s6+$0x1000] =	vst v4;
	vm0 =	vgt.s32 v2, $0x0  }
.LBB2_2:
0x29: {  	s9 =	sshra.s32 s8, $0x2;
	p0 =	sne.s32 s8, $0x1FC0;
	s8 =	sadd.s32 $0x40, s8;
	v4 =	vmul.f32 $1.023000000e+03, v1;
	v2 =	vnsel vm0, $0x0, v2;
	[tilespmem:s6+$0x1800] =	vst v3  }
.Ltmp0:
0x2a: {  	s6 =	smov.u32 s4;
	s4 =	smov.u32 s5;
	v1 =	vld [tilespmem:s9+$0x0];
	v2 =	vmin.u32 v2, $0x3FE;
	(pc) =	sbr.rel @p0 .LBB2_2-.Ltmp0, $4  }
0x2b: {  	s5 =	smov.u32 s9;
	v3 =	vtrunc.f32 v4;
	v5 =	vcvt.s32.f32 v2;
	[tilespmem:s6+$0x800] =	vst v2;
	v6 =	vadd.s32 $0x1, v2  }
0x2c: {  	v2 =	vcvt.f32.s32 v3;
	[tilespmem:s6+$0x1000] =	vst v6  }
0x2d: {  	v3 =	vsub.f32 v0, v5;
	v0 =	vmov v4  }
0x2e: {  	vm0 =	vgt.s32 v2, $0x0  }
0x2f: {  	v1 =	vmul.f32 $1.023000000e+03, v1;
	_ =	sdelay $0x1  }
0x30: {  	v4 =	vtrunc.f32 v1  }
0x31: {  	v2 =	vnsel vm0, $0x0, v2;
	v4 =	vcvt.f32.s32 v4  }
0x32: {  	v2 =	vmin.u32 v2, $0x3FE  }
0x33: {  	v5 =	vcvt.s32.f32 v2;
	vm15 =	vgt.s32 v4, $0x0  }
0x34: {  	[tilespmem:s6+$0x1800] =	vst v3;
	v61 =	vnsel vm15, $0x0, v4  }
0x35: {  	[tilespmem:s4+$0x800] =	vst v2;
	v2 =	vadd.s32 $0x1, v2;
	v0 =	vsub.f32 v0, v5;
	v3 =	vmin.u32 v61, $0x3FE  }
0x36: {  	[tilespmem:s4+$0x1000] =	vst v2;
	v62 =	vcvt.s32.f32 v3  }
0x37: {  	[tilespmem:s4+$0x1800] =	vst v0  }
0x38: {  	[tilespmem:s5+$0x800] =	vst v3;
	v63 =	vadd.s32 $0x1, v3;
	v1 =	vsub.f32 v1, v62  }
0x39: {  	[tilespmem:s5+$0x1000] =	vst v63  }
0x3a: {  	s24 =	simm.s32 $0x800;
	[tilespmem:s5+$0x1800] =	vst v1  }
0x3b: {  	s25 =	simm.s32 $0x2000;
	s4 =	simm.s32 $0x40;
	[bflag:$0x0] =	sbarrier.arrive $0xFFFF  }
0x3c: {  	[tilespmem:s25], [sflag:$0x1] =	stream.indirect.gather [spmem:s1], $0x80, s24, s4, $0xb8;
	[tilespmem:$0x1C000] =	vst v63  }
0x3d: {  	s26 =	simm.s32 $0x1000;
	s28 =	simm.s32 $0x4000  }
0x3e: {  	[tilespmem:s28], [sflag:$0x2] =	stream.indirect.gather [spmem:s1], $0x80, s26, s4, $0xb8;
	[tilespmem:$0x1C000] =	vst v63  }
0x3f: {  	s8 =	simm.s32 $0x840;
	s9 =	simm.s32 $0x6000  }
0x40: {  	[tilespmem:s9], [sflag:$0x3] =	stream.indirect.gather [spmem:s1], $0x80, s8, s4, $0xb8;
	[tilespmem:$0x1C000] =	vst v63  }
0x41: {  	s10 =	simm.s32 $0x1040;
	s11 =	simm.s32 $0x8000  }
0x42: {  	[tilespmem:s11], [sflag:$0x4] =	stream.indirect.gather [spmem:s1], $0x80, s10, s4, $0xb8;
	[tilespmem:$0x1C000] =	vst v63  }
0x43: {  	s20 =	simm.s32 $0x880;
	s21 =	simm.s32 $0xA000  }
0x44: {  	[tilespmem:s21], [sflag:$0x5] =	stream.indirect.gather [spmem:s1], $0x80, s20, s4, $0xb8;
	[tilespmem:$0x1C000] =	vst v63  }
0x45: {  	s22 =	simm.s32 $0x1080;
	s23 =	simm.s32 $0xC000  }
0x46: {  	[tilespmem:s23], [sflag:$0x6] =	stream.indirect.gather [spmem:s1], $0x80, s22, s4, $0xb8;
	[tilespmem:$0x1C000] =	vst v63  }
0x47: {  	s24 =	simm.s32 $0x8C0;
	s25 =	simm.s32 $0xE000  }
0x48: {  	[tilespmem:s25], [sflag:$0x7] =	stream.indirect.gather [spmem:s1], $0x80, s24, s4, $0xb8;
	[tilespmem:$0x1C000] =	vst v63  }
0x49: {  	s26 =	simm.s32 $0x10C0;
	s28 =	simm.s32 $0x10000;
	s22 =	simm.s32 $0x0  }
0x4a: {  	[tilespmem:s28], [sflag:$0x8] =	stream.indirect.gather [spmem:s1], $0x80, s26, s4, $0xb8;
	[tilespmem:$0x1C000] =	vst v63  }
.LBB2_4:
0x4b: {  	_ =	swait.ge [sflag:s29], $0x2000  }
0x4c: {  	[sflag:s29] =	ssyncset.done $0x0  }
0x4d: {  	s5 =	sshll.u32 s22, $0x8;
	[sflag:s29] =	ssyncadd.s32 $0xFFFFE000  }
0x4e: {  	s5 =	sand.u32 $0x3FFFFF00, s5;
	_ =	swait.ge [sflag:s30], $0x2000  }
0x4f: {  	p1 =	seq.s32 s22, $0x0;
	s5 =	sadd.s32 $0x1800, s5;
	[sflag:s30] =	ssyncset.done $0x0  }
0x50: {  	s4 =	simm.s32 @!p1 $0x9;
	v0 =	vmov s5;
	[sflag:s30] =	ssyncadd.s32 $0xFFFFE000  }
0x51: {  	_ =	swait.ge @!p1 [sflag:s4], $0x4000  }
0x52: {  	[sflag:s4] =	ssyncset.done @!p1 $0x0  }
0x53: {  	s21 =	sshll.u32 s22, $0x2;
	s20 =	simm.s32 $0x0;
	[sflag:s4] =	ssyncadd.s32 @!p1 $0xFFFFC000  }
.LBB2_5:
0x54: {  	s9 =	sand.u32 $0x30, s20  }
0x55: {  	s5 =	sshll.u32 s20, $0x7;
	v7 =	vld.idx.msk [tilespmem:v0+s9+$0x0 ss:$0x1], $0xffff  }
0x56: {  	v1 =	vld [tilespmem:s5+$0x2000]  }
0x57: {  	v2 =	vld [tilespmem:s5+$0x4000];
	_ =	sdelay $0x1  }
0x58: {  	s4 =	sand.u32 $0x8, s20  }
0x59: {  	v3 =	vmov s4  }
0x5a: {  	v3 =	vperm.xlane v7, v3  }
0x5b: {  	v2 =	vsub.bf16 v2, v1  }
0x5c: {  	v12 =	vpack.i.f32.bf16 v3, v3  }
0x5d: {  	v2 =	vmul.bf16 v2, v12;
	_ =	sdelay $0x1  }
0x5e: {  	v1 =	vadd.bf16 v2, v1  }
0x5f: {  	s26 =	sshll.u32 s20, $0x8;
	s6 =	sor.u32 $0x1, s20  }
0x60: {  	s23 =	sand.u32 $0x3FFFFF00, s26;
	s4 =	sshll.u32 s6, $0x7;
	v2 =	vunpack.i.l.bf16.f32 v1  }
0x61: {  	v4 =	vld [tilespmem:s4+$0x2000];
	v1 =	vunpack.i.u.bf16.f32 v1;
	[tilespmem:s23+$0x12000] =	vst v2  }
0x62: {  	[tilespmem:s23+$0x12010] =	vst v1;
	v1 =	vld [tilespmem:s4+$0x4000]  }
0x63: {  	v5 =	vld [tilespmem:s5+$0x2010]  }
0x64: {  	s6 =	sand.u32 $0x9, s6;
	v6 =	vld [tilespmem:s5+$0x4010]  }
0x65: {  	v2 =	vmov s6  }
0x66: {  	v2 =	vperm.xlane v7, v2  }
0x67: {  	s28 =	sor.u32 $0x2, s20;
	v1 =	vsub.bf16 v1, v4  }
0x68: {  	s24 =	sshll.u32 s28, $0x7;
	v10 =	vpack.i.f32.bf16 v2, v2  }
0x69: {  	v8 =	vld [tilespmem:s24+$0x2000];
	v6 =	vsub.bf16 v6, v5;
	v1 =	vmul.bf16 v1, v10  }
0x6a: {  	v9 =	vld [tilespmem:s24+$0x4000]  }
0x6b: {  	v6 =	vmul.bf16 v6, v12;
	v1 =	vadd.bf16 v1, v4  }
0x6c: {  	s6 =	sand.u32 $0xA, s28  }
0x6d: {  	v27 =	vmov s6;
	v25 =	vadd.bf16 v6, v5;
	v26 =	vunpack.i.l.bf16.f32 v1  }
0x6e: {  	v11 =	vunpack.i.u.bf16.f32 v1;
	v1 =	vperm.xlane v7, v27;
	[tilespmem:s23+$0x12080] =	vst v26  }
0x6f: {  	v29 =	vsub.bf16 v9, v8;
	v28 =	vunpack.i.l.bf16.f32 v25;
	[tilespmem:s23+$0x12090] =	vst v11  }
0x70: {  	v4 =	vunpack.i.u.bf16.f32 v25;
	[tilespmem:s23+$0x12020] =	vst v28;
	v30 =	vld [tilespmem:s4+$0x2010];
	v9 =	vpack.i.f32.bf16 v1, v1  }
0x71: {  	[tilespmem:s23+$0x12030] =	vst v4;
	v31 =	vld [tilespmem:s4+$0x4010];
	v6 =	vmul.bf16 v29, v9  }
0x72: {  	v32 =	vld [tilespmem:s5+$0x2020]  }
0x73: {  	v13 =	vld [tilespmem:s5+$0x4020];
	v6 =	vadd.bf16 v6, v8;
	_ =	sdelay $0x1  }
0x74: {  	v8 =	vunpack.i.l.bf16.f32 v6  }
0x75: {  	v4 =	vsub.bf16 v31, v30;
	v6 =	vunpack.i.u.bf16.f32 v6;
	[tilespmem:s23+$0x12100] =	vst v8  }
0x76: {  	[tilespmem:s23+$0x12110] =	vst v6  }
0x77: {  	v33 =	vsub.bf16 v13, v32;
	v4 =	vmul.bf16 v4, v10;
	v8 =	vld [tilespmem:s24+$0x2010]  }
0x78: {  	v34 =	vld [tilespmem:s24+$0x4010]  }
0x79: {  	v6 =	vmul.bf16 v33, v12;
	v4 =	vadd.bf16 v4, v30;
	_ =	sdelay $0x1  }
0x7a: {  	v35 =	vadd.bf16 v6, v32;
	v36 =	vunpack.i.l.bf16.f32 v4  }
0x7b: {  	v4 =	vunpack.i.u.bf16.f32 v4;
	[tilespmem:s23+$0x120A0] =	vst v36  }
0x7c: {  	v37 =	vunpack.i.l.bf16.f32 v35;
	[tilespmem:s23+$0x120B0] =	vst v4;
	v38 =	vsub.bf16 v34, v8  }
0x7d: {  	v5 =	vunpack.i.u.bf16.f32 v35;
	[tilespmem:s23+$0x12040] =	vst v37;
	v39 =	vld [tilespmem:s4+$0x2020]  }
0x7e: {  	[tilespmem:s23+$0x12050] =	vst v5;
	v40 =	vld [tilespmem:s4+$0x4020];
	v4 =	vmul.bf16 v38, v9  }
0x7f: {  	v41 =	vld [tilespmem:s5+$0x2030]  }
0x80: {  	v42 =	vld [tilespmem:s5+$0x4030];
	v4 =	vadd.bf16 v4, v8;
	_ =	sdelay $0x1  }
0x81: {  	v8 =	vunpack.i.l.bf16.f32 v4  }
0x82: {  	v5 =	vsub.bf16 v40, v39;
	v4 =	vunpack.i.u.bf16.f32 v4;
	[tilespmem:s23+$0x12120] =	vst v8  }
0x83: {  	[tilespmem:s23+$0x12130] =	vst v4  }
0x84: {  	v43 =	vunpack.i.l.bf16.f32 v41;
	v44 =	vunpack.i.l.bf16.f32 v42;
	v5 =	vmul.bf16 v5, v10;
	v14 =	vld [tilespmem:s24+$0x2020]  }
0x85: {  	s8 =	sor.u32 $0x3, s20;
	v11 =	vunpack.i.u.bf16.f32 v41;
	v13 =	vunpack.i.u.bf16.f32 v42;
	v8 =	vsub.f32 v44, v43;
	v15 =	vld [tilespmem:s24+$0x4020]  }
0x86: {  	s25 =	sshll.u32 s8, $0x7;
	v13 =	vsub.f32 v13, v11;
	v5 =	vadd.bf16 v5, v39  }
0x87: {  	v45 =	vld [tilespmem:s25+$0x2000];
	v8 =	vmul.f32 v8, v3  }
0x88: {  	s10 =	sor.u32 $0x4, s20;
	v16 =	vld [tilespmem:s25+$0x4000];
	v13 =	vmul.f32 v13, v3;
	v17 =	vunpack.i.l.bf16.f32 v5  }
0x89: {  	s26 =	sshll.u32 s10, $0x7;
	v4 =	vadd.f32 v8, v43;
	v5 =	vunpack.i.u.bf16.f32 v5;
	[tilespmem:s23+$0x120C0] =	vst v17  }
0x8a: {  	v55 =	vld [tilespmem:s26+$0x2000];
	s6 =	sand.u32 $0xB, s8;
	v46 =	vadd.f32 v13, v11;
	[tilespmem:s23+$0x120D0] =	vst v5;
	v47 =	vsub.bf16 v15, v14  }
0x8b: {  	v48 =	vmov s6;
	[tilespmem:s23+$0x12060] =	vst v4;
	v49 =	vld [tilespmem:s4+$0x2030]  }
0x8c: {  	v4 =	vperm.xlane v7, v48;
	[tilespmem:s23+$0x12070] =	vst v46;
	v50 =	vld [tilespmem:s4+$0x4030];
	v5 =	vmul.bf16 v47, v9  }
0x8d: {  	v51 =	vsub.bf16 v16, v45;
	v52 =	vld [tilespmem:s5+$0x2040]  }
0x8e: {  	s11 =	sor.u32 $0x5, s20;
	s6 =	sand.u32 $0xC, s10;
	v53 =	vld [tilespmem:s5+$0x4040];
	v11 =	vpack.i.f32.bf16 v4, v4;
	v5 =	vadd.bf16 v5, v14  }
0x8f: {  	v56 =	vld [tilespmem:s26+$0x4000];
	s8 =	sshll.u32 s11, $0x7;
	v60 =	vmov s6;
	s6 =	sand.u32 $0xD, s11;
	v54 =	vmul.bf16 v51, v11  }
0x90: {  	v63 =	vld [tilespmem:s8+$0x2000];
	s10 =	sor.u32 $0x6, s20;
	v35 =	vmov s6;
	v18 =	vunpack.i.u.bf16.f32 v49;
	v19 =	vunpack.i.l.bf16.f32 v5  }
0x91: {  	v32 =	vld [tilespmem:s8+$0x4000];
	s6 =	sshll.u32 s10, $0x7;
	v6 =	vadd.bf16 v54, v45;
	v13 =	vunpack.i.l.bf16.f32 v49;
	v8 =	vunpack.i.u.bf16.f32 v50  }
0x92: {  	v25 =	vld [tilespmem:s6+$0x2000];
	v20 =	vunpack.i.l.bf16.f32 v50;
	v5 =	vunpack.i.u.bf16.f32 v5;
	[tilespmem:s23+$0x12140] =	vst v19;
	v8 =	vsub.f32 v8, v18  }
0x93: {  	v36 =	vld [tilespmem:s6+$0x4000];
	v57 =	vsub.f32 v20, v13;
	[tilespmem:s23+$0x12150] =	vst v5;
	v17 =	vsub.bf16 v53, v52  }
0x94: {  	v5 =	vperm.xlane v7, v60;
	v58 =	vunpack.i.l.bf16.f32 v6;
	v59 =	vld [tilespmem:s24+$0x2030];
	v61 =	vmul.f32 v8, v2  }
0x95: {  	s10 =	sand.u32 $0xE, s10;
	v6 =	vunpack.i.u.bf16.f32 v6;
	[tilespmem:s23+$0x12180] =	vst v58;
	v19 =	vmul.f32 v57, v2;
	v17 =	vmul.bf16 v17, v12  }
0x96: {  	v40 =	vmov s10;
	v14 =	vsub.bf16 v56, v55;
	v21 =	vld [tilespmem:s24+$0x4030];
	[tilespmem:s23+$0x12190] =	vst v6;
	v6 =	vadd.f32 v61, v18  }
0x97: {  	v62 =	vld [tilespmem:s25+$0x2010];
	v19 =	vadd.f32 v19, v13;
	v13 =	vpack.i.f32.bf16 v5, v5;
	v16 =	vadd.bf16 v17, v52  }
0x98: {  	v43 =	vsub.bf16 v36, v25;
	v22 =	vld [tilespmem:s25+$0x4010];
	v14 =	vmul.bf16 v14, v13;
	[tilespmem:s23+$0x120F0] =	vst v6;
	v6 =	vperm.xlane v7, v35  }
0x99: {  	s28 =	sor.u32 $0x7, s20;
	v17 =	vsub.bf16 v32, v63;
	v34 =	vunpack.i.u.bf16.f32 v16;
	v23 =	vunpack.i.u.bf16.f32 v59  }
0x9a: {  	s11 =	sshll.u32 s28, $0x7;
	v20 =	vunpack.i.l.bf16.f32 v59;
	v33 =	vadd.bf16 v14, v55;
	v14 =	vpack.i.f32.bf16 v6, v6  }
0x9b: {  	v29 =	vld [tilespmem:s11+$0x4000];
	[tilespmem:s23+$0x120E0] =	vst v19;
	v37 =	vunpack.i.l.bf16.f32 v21;
	v21 =	vunpack.i.u.bf16.f32 v21;
	v17 =	vmul.bf16 v17, v14  }
0x9c: {  	v19 =	vld [tilespmem:s4+$0x2040];
	v38 =	vsub.f32 v37, v20;
	v21 =	vsub.f32 v21, v23;
	v24 =	vunpack.i.l.bf16.f32 v33  }
0x9d: {  	v27 =	vld [tilespmem:s4+$0x4040];
	v22 =	vsub.bf16 v22, v62;
	v26 =	vunpack.i.u.bf16.f32 v33;
	[tilespmem:s23+$0x12200] =	vst v24;
	v17 =	vadd.bf16 v17, v63  }
0x9e: {  	v41 =	vld.idx.msk [tilespmem:v0+s9+$0x0 ss:$0x1], $0xffff;
	v16 =	vunpack.i.l.bf16.f32 v16;
	v7 =	vperm.xlane v7, v40;
	v21 =	vmul.f32 v21, v1;
	[tilespmem:s23+$0x12210] =	vst v26  }
0x9f: {  	[tilespmem:s23+$0x12400] =	vst v16;
	v22 =	vmul.bf16 v22, v11;
	v26 =	vmul.f32 v38, v1;
	v28 =	vld [tilespmem:s26+$0x2010];
	v45 =	vunpack.i.l.bf16.f32 v17  }
0xa0: {  	v15 =	vpack.i.f32.bf16 v7, v7;
	v39 =	vld [tilespmem:s26+$0x4010];
	v21 =	vadd.f32 v21, v23;
	v17 =	vunpack.i.u.bf16.f32 v17;
	[tilespmem:s23+$0x12280] =	vst v45  }
0xa1: {  	v44 =	vld [tilespmem:s11+$0x2000];
	v18 =	vmul.bf16 v43, v15;
	v8 =	vadd.bf16 v22, v62;
	v20 =	vadd.f32 v26, v20;
	[tilespmem:s23+$0x12290] =	vst v17  }
0xa2: {  	v27 =	vsub.bf16 v27, v19;
	[tilespmem:s23+$0x12170] =	vst v21;
	v51 =	vld [tilespmem:s8+$0x2010]  }
0xa3: {  	v49 =	vadd.bf16 v18, v25;
	v42 =	vunpack.i.l.bf16.f32 v8;
	[tilespmem:s23+$0x12160] =	vst v20;
	v53 =	vld [tilespmem:s8+$0x4010]  }
0xa4: {  	v8 =	vunpack.i.u.bf16.f32 v8;
	v50 =	vmul.bf16 v27, v10;
	[tilespmem:s23+$0x121A0] =	vst v42;
	v56 =	vld [tilespmem:s24+$0x2040]  }
0xa5: {  	v47 =	vmov s28;
	v54 =	vunpack.i.l.bf16.f32 v49;
	[tilespmem:s23+$0x121B0] =	vst v8;
	v62 =	vld [tilespmem:s24+$0x4040];
	v16 =	vsub.bf16 v39, v28  }
0xa6: {  	v17 =	vunpack.i.u.bf16.f32 v49;
	[tilespmem:s23+$0x12300] =	vst v54;
	v8 =	vperm.xlane v41, v47;
	v46 =	vld [tilespmem:s25+$0x2020];
	v18 =	vadd.bf16 v50, v19  }
0xa7: {  	v55 =	vsub.bf16 v29, v44;
	[tilespmem:s23+$0x12310] =	vst v17;
	v48 =	vld [tilespmem:s25+$0x4020];
	v52 =	vmul.bf16 v16, v13  }
0xa8: {  	v59 =	vld [tilespmem:s6+$0x2010];
	v16 =	vpack.i.f32.bf16 v8, v8;
	v58 =	vunpack.i.l.bf16.f32 v18  }
0xa9: {  	[tilespmem:s23+$0x12410] =	vst v34;
	v61 =	vld [tilespmem:s6+$0x4010];
	v57 =	vmul.bf16 v55, v16;
	v21 =	vadd.bf16 v52, v28;
	v22 =	vsub.bf16 v53, v51  }
0xaa: {  	v63 =	vld [tilespmem:s5+$0x4050];
	v18 =	vunpack.i.u.bf16.f32 v18;
	[tilespmem:s23+$0x12480] =	vst v58;
	v24 =	vsub.bf16 v62, v56  }
0xab: {  	v27 =	vld [tilespmem:s5+$0x2050];
	[tilespmem:s23+$0x12490] =	vst v18;
	v17 =	vadd.bf16 v57, v44;
	v60 =	vunpack.i.l.bf16.f32 v21;
	v22 =	vmul.bf16 v22, v14  }
0xac: {  	v41 =	vld [tilespmem:s4+$0x2050];
	v26 =	vsub.bf16 v48, v46;
	v21 =	vunpack.i.u.bf16.f32 v21;
	[tilespmem:s23+$0x12220] =	vst v60  }
0xad: {  	v30 =	vld [tilespmem:s4+$0x4050];
	v24 =	vmul.bf16 v24, v9;
	[tilespmem:s23+$0x12230] =	vst v21;
	v33 =	vunpack.i.l.bf16.f32 v17;
	v37 =	vadd.bf16 v22, v51  }
0xae: {  	v38 =	vsub.bf16 v61, v59;
	v17 =	vunpack.i.u.bf16.f32 v17;
	v34 =	vld [tilespmem:s26+$0x2020];
	[tilespmem:s23+$0x12380] =	vst v33  }
0xaf: {  	v26 =	vmul.bf16 v26, v11;
	v35 =	vld [tilespmem:s26+$0x4020];
	[tilespmem:s23+$0x12390] =	vst v17;
	v19 =	vadd.bf16 v24, v56;
	v42 =	vunpack.i.l.bf16.f32 v37  }
0xb0: {  	v39 =	vld [tilespmem:s11+$0x2010];
	v18 =	vunpack.i.u.bf16.f32 v37;
	[tilespmem:s23+$0x122A0] =	vst v42  }
0xb1: {  	v20 =	vmul.bf16 v38, v15;
	v23 =	vadd.bf16 v26, v46;
	v40 =	vld [tilespmem:s11+$0x4010];
	v47 =	vunpack.i.l.bf16.f32 v19;
	[tilespmem:s23+$0x122B0] =	vst v18  }
0xb2: {  	v19 =	vunpack.i.u.bf16.f32 v19;
	[tilespmem:s23+$0x12500] =	vst v47;
	v45 =	vld [tilespmem:s8+$0x2020]  }
0xb3: {  	v44 =	vadd.bf16 v20, v59;
	v36 =	vunpack.i.l.bf16.f32 v23;
	[tilespmem:s23+$0x12510] =	vst v19;
	v46 =	vld [tilespmem:s8+$0x4020]  }
0xb4: {  	v23 =	vunpack.i.u.bf16.f32 v23;
	[tilespmem:s23+$0x121C0] =	vst v36;
	v55 =	vld [tilespmem:s24+$0x2050];
	v21 =	vsub.bf16 v35, v34  }
0xb5: {  	v48 =	vsub.bf16 v63, v27;
	v28 =	vunpack.i.l.bf16.f32 v44;
	[tilespmem:s23+$0x121D0] =	vst v23;
	v32 =	vld [tilespmem:s24+$0x4050]  }
0xb6: {  	v18 =	vunpack.i.u.bf16.f32 v44;
	[tilespmem:s23+$0x12320] =	vst v28;
	v43 =	vld [tilespmem:s25+$0x2030];
	v17 =	vsub.bf16 v40, v39;
	v21 =	vmul.bf16 v21, v13  }
0xb7: {  	v50 =	vsub.bf16 v30, v41;
	[tilespmem:s23+$0x12330] =	vst v18;
	v31 =	vld [tilespmem:s25+$0x4030]  }
0xb8: {  	v18 =	vmul.bf16 v48, v12;
	v49 =	vld [tilespmem:s6+$0x2020];
	v17 =	vmul.bf16 v17, v16;
	v21 =	vadd.bf16 v21, v34  }
0xb9: {  	v26 =	vmul.bf16 v50, v10;
	v52 =	vld [tilespmem:s6+$0x4020]  }
0xba: {  	v18 =	vadd.bf16 v18, v27;
	v17 =	vadd.bf16 v17, v39;
	v51 =	vunpack.i.l.bf16.f32 v21  }
0xbb: {  	v54 =	vsub.bf16 v46, v45;
	v32 =	vsub.bf16 v32, v55;
	v21 =	vunpack.i.u.bf16.f32 v21;
	[tilespmem:s23+$0x12240] =	vst v51  }
0xbc: {  	v23 =	vunpack.i.l.bf16.f32 v43;
	v56 =	vunpack.i.u.bf16.f32 v31;
	[tilespmem:s23+$0x12250] =	vst v21;
	v57 =	vunpack.i.l.bf16.f32 v17  }
0xbd: {  	v31 =	vunpack.i.l.bf16.f32 v31;
	v19 =	vmul.bf16 v54, v14;
	v17 =	vunpack.i.u.bf16.f32 v17;
	[tilespmem:s23+$0x123A0] =	vst v57;
	v59 =	vld [tilespmem:s26+$0x2030]  }
0xbe: {  	v53 =	vunpack.i.u.bf16.f32 v43;
	v61 =	vsub.bf16 v52, v49;
	v58 =	vsub.f32 v31, v23;
	[tilespmem:s23+$0x123B0] =	vst v17;
	v37 =	vld [tilespmem:s26+$0x4030]  }
0xbf: {  	v30 =	vsub.f32 v56, v53;
	v60 =	vadd.bf16 v19, v45;
	v62 =	vld [tilespmem:s11+$0x2020]  }
0xc0: {  	v40 =	vadd.bf16 v26, v41;
	v21 =	vmul.f32 v58, v4;
	v19 =	vmul.bf16 v61, v15;
	v63 =	vld [tilespmem:s11+$0x4020]  }
0xc1: {  	v41 =	vmul.bf16 v32, v9;
	v36 =	vmul.f32 v30, v4;
	v33 =	vunpack.i.l.bf16.f32 v60  }
0xc2: {  	v21 =	vadd.f32 v21, v23;
	v17 =	vunpack.i.u.bf16.f32 v60;
	v38 =	vadd.bf16 v19, v49;
	[tilespmem:s23+$0x122C0] =	vst v33  }
0xc3: {  	v50 =	vunpack.i.l.bf16.f32 v40;
	v39 =	vunpack.i.l.bf16.f32 v18;
	v22 =	vadd.f32 v36, v53;
	[tilespmem:s23+$0x122D0] =	vst v17  }
0xc4: {  	v53 =	vadd.bf16 v41, v55;
	[tilespmem:s23+$0x121E0] =	vst v21;
	v42 =	vld [tilespmem:s8+$0x2030];
	v45 =	vunpack.i.l.bf16.f32 v38;
	v17 =	vunpack.i.u.bf16.f32 v38  }
0xc5: {  	[tilespmem:s23+$0x121F0] =	vst v22;
	v44 =	vld [tilespmem:s8+$0x4030];
	v31 =	vunpack.i.l.bf16.f32 v59;
	v47 =	vunpack.i.l.bf16.f32 v37;
	v27 =	vsub.bf16 v63, v62  }
0xc6: {  	v43 =	vunpack.i.u.bf16.f32 v59;
	v46 =	vld [tilespmem:s25+$0x2040];
	[tilespmem:s23+$0x12340] =	vst v45;
	v30 =	vunpack.i.u.bf16.f32 v37;
	v32 =	vsub.f32 v47, v31  }
0xc7: {  	v18 =	vunpack.i.u.bf16.f32 v18;
	v48 =	vld [tilespmem:s25+$0x4040];
	[tilespmem:s23+$0x12350] =	vst v17;
	v51 =	vsub.f32 v30, v43;
	v49 =	vmul.bf16 v27, v16  }
0xc8: {  	[tilespmem:s23+$0x12430] =	vst v18;
	v36 =	vunpack.i.u.bf16.f32 v40;
	v18 =	vunpack.i.l.bf16.f32 v53;
	v52 =	vld [tilespmem:s6+$0x2030];
	v54 =	vmul.f32 v32, v5  }
0xc9: {  	[tilespmem:s23+$0x12420] =	vst v39;
	v55 =	vld [tilespmem:s6+$0x4030];
	v27 =	vmul.f32 v51, v5;
	v56 =	vunpack.i.l.bf16.f32 v42;
	v17 =	vadd.bf16 v49, v62  }
0xca: {  	v20 =	vld [tilespmem:s5+$0x2060];
	v57 =	vunpack.i.l.bf16.f32 v44;
	v21 =	vunpack.i.u.bf16.f32 v42;
	v26 =	vunpack.i.u.bf16.f32 v44  }
0xcb: {  	[tilespmem:s23+$0x124A0] =	vst v50;
	v34 =	vld [tilespmem:s5+$0x4060];
	v24 =	vadd.f32 v54, v31;
	v58 =	vsub.f32 v57, v56;
	v59 =	vunpack.i.l.bf16.f32 v17  }
0xcc: {  	v28 =	vsub.bf16 v48, v46;
	v22 =	vadd.f32 v27, v43;
	v17 =	vunpack.i.u.bf16.f32 v17;
	[tilespmem:s23+$0x123C0] =	vst v59  }
0xcd: {  	v61 =	vsub.f32 v26, v21;
	v43 =	vunpack.i.u.bf16.f32 v53;
	v62 =	vunpack.i.l.bf16.f32 v52;
	[tilespmem:s23+$0x123D0] =	vst v17  }
0xce: {  	[tilespmem:s23+$0x124B0] =	vst v36;
	v63 =	vunpack.i.l.bf16.f32 v55;
	v41 =	vunpack.i.u.bf16.f32 v52;
	v25 =	vunpack.i.u.bf16.f32 v55;
	v33 =	vld [tilespmem:s11+$0x2030]  }
0xcf: {  	[tilespmem:s23+$0x12520] =	vst v18;
	v60 =	vmul.f32 v58, v6;
	v38 =	vsub.f32 v63, v62;
	v28 =	vmul.bf16 v28, v11;
	v39 =	vld [tilespmem:s11+$0x4030]  }
0xd0: {  	v40 =	vsub.bf16 v34, v20;
	[tilespmem:s23+$0x12530] =	vst v43;
	v25 =	vsub.f32 v25, v41;
	v17 =	vmul.f32 v61, v6  }
0xd1: {  	v42 =	vld [tilespmem:s4+$0x2060];
	[tilespmem:s23+$0x12260] =	vst v24;
	v37 =	vadd.f32 v60, v56;
	v27 =	vmul.f32 v38, v7;
	v28 =	vadd.bf16 v28, v46  }
0xd2: {  	v54 =	vld [tilespmem:s4+$0x4060];
	[tilespmem:s23+$0x12270] =	vst v22;
	v47 =	vmul.f32 v25, v7;
	v17 =	vadd.f32 v17, v21  }
0xd3: {  	v12 =	vmul.bf16 v40, v12;
	v44 =	vld [tilespmem:s26+$0x2040];
	[tilespmem:s23+$0x122E0] =	vst v37;
	v45 =	vadd.f32 v27, v62;
	v56 =	vunpack.i.l.bf16.f32 v28  }
0xd4: {  	v46 =	vld [tilespmem:s26+$0x4040];
	[tilespmem:s23+$0x122F0] =	vst v17;
	v17 =	vadd.f32 v47, v41;
	v48 =	vunpack.i.l.bf16.f32 v33;
	v49 =	vunpack.i.l.bf16.f32 v39  }
0xd5: {  	v55 =	vld [tilespmem:s24+$0x2060];
	[tilespmem:s23+$0x12580] =	vst v56;
	v51 =	vunpack.i.u.bf16.f32 v33;
	v31 =	vunpack.i.u.bf16.f32 v39;
	v27 =	vsub.f32 v49, v48  }
0xd6: {  	v12 =	vadd.bf16 v12, v20;
	v50 =	vld [tilespmem:s8+$0x2040];
	[tilespmem:s23+$0x12360] =	vst v45;
	v53 =	vsub.f32 v31, v51  }
0xd7: {  	v23 =	vsub.bf16 v54, v42;
	v57 =	vunpack.i.u.bf16.f32 v28;
	v52 =	vld [tilespmem:s8+$0x4040];
	[tilespmem:s23+$0x12370] =	vst v17;
	v27 =	vmul.f32 v27, v8  }
0xd8: {  	v62 =	vunpack.i.l.bf16.f32 v12;
	v12 =	vunpack.i.u.bf16.f32 v12;
	[tilespmem:s23+$0x12590] =	vst v57;
	v58 =	vld [tilespmem:s6+$0x2040];
	v24 =	vmul.f32 v53, v8  }
0xd9: {  	[tilespmem:s23+$0x12440] =	vst v62;
	v10 =	vmul.bf16 v23, v10;
	v26 =	vsub.bf16 v46, v44;
	v59 =	vld [tilespmem:s6+$0x4040];
	v25 =	vadd.f32 v27, v48  }
0xda: {  	[tilespmem:s23+$0x12450] =	vst v12;
	v60 =	vld [tilespmem:s25+$0x2050];
	v24 =	vadd.f32 v24, v51  }
0xdb: {  	v61 =	vld [tilespmem:s25+$0x4050];
	v10 =	vadd.bf16 v10, v42;
	v26 =	vmul.bf16 v26, v13;
	[tilespmem:s23+$0x123E0] =	vst v25  }
0xdc: {  	v35 =	vld [tilespmem:s5+$0x2070];
	v21 =	vsub.bf16 v52, v50;
	[tilespmem:s23+$0x123F0] =	vst v24  }
0xdd: {  	v39 =	vunpack.i.l.bf16.f32 v10;
	v26 =	vadd.bf16 v26, v44;
	v63 =	vld [tilespmem:s11+$0x2040]  }
0xde: {  	v10 =	vunpack.i.u.bf16.f32 v10;
	[tilespmem:s23+$0x124C0] =	vst v39;
	v21 =	vmul.bf16 v21, v14;
	v17 =	vsub.bf16 v59, v58;
	v32 =	vld [tilespmem:s11+$0x4040]  }
0xdf: {  	v33 =	vld [tilespmem:s24+$0x4060];
	[tilespmem:s23+$0x124D0] =	vst v10;
	v34 =	vunpack.i.l.bf16.f32 v26;
	v36 =	vunpack.i.u.bf16.f32 v26  }
0xe0: {  	v37 =	vld [tilespmem:s5+$0x4070];
	[tilespmem:s23+$0x12600] =	vst v34;
	v25 =	vsub.bf16 v61, v60;
	v18 =	vadd.bf16 v21, v50;
	v17 =	vmul.bf16 v17, v15  }
0xe1: {  	v48 =	vld [tilespmem:s4+$0x4070];
	[tilespmem:s23+$0x12610] =	vst v36  }
0xe2: {  	v40 =	vld [tilespmem:s26+$0x2050];
	v41 =	vmul.bf16 v25, v11;
	v38 =	vunpack.i.l.bf16.f32 v18;
	v17 =	vadd.bf16 v17, v58  }
0xe3: {  	v42 =	vld [tilespmem:s26+$0x4050];
	v18 =	vunpack.i.u.bf16.f32 v18;
	[tilespmem:s23+$0x12680] =	vst v38;
	v43 =	vsub.bf16 v32, v63  }
0xe4: {  	v12 =	vsub.bf16 v33, v55;
	v26 =	vld [tilespmem:s4+$0x2070];
	[tilespmem:s23+$0x12690] =	vst v18;
	v45 =	vadd.bf16 v41, v60;
	v47 =	vunpack.i.l.bf16.f32 v17  }
0xe5: {  	v44 =	vld [tilespmem:s8+$0x2050];
	v17 =	vunpack.i.u.bf16.f32 v17;
	[tilespmem:s23+$0x12700] =	vst v47;
	v18 =	vmul.bf16 v43, v16  }
0xe6: {  	v9 =	vmul.bf16 v12, v9;
	v46 =	vld [tilespmem:s8+$0x4050];
	v49 =	vunpack.i.l.bf16.f32 v45;
	[tilespmem:s23+$0x12710] =	vst v17  }
0xe7: {  	v10 =	vunpack.i.u.bf16.f32 v45;
	[tilespmem:s23+$0x125A0] =	vst v49;
	v53 =	vld [tilespmem:s6+$0x2050];
	v50 =	vadd.bf16 v18, v63  }
0xe8: {  	v9 =	vadd.bf16 v9, v55;
	v52 =	vsub.bf16 v42, v40;
	[tilespmem:s23+$0x125B0] =	vst v10;
	v55 =	vld [tilespmem:s6+$0x4050]  }
0xe9: {  	v54 =	vunpack.i.l.bf16.f32 v37;
	v57 =	vld [tilespmem:s25+$0x2060];
	v56 =	vunpack.i.l.bf16.f32 v50  }
0xea: {  	v51 =	vunpack.i.l.bf16.f32 v35;
	v12 =	vmul.bf16 v52, v13;
	v61 =	vld [tilespmem:s25+$0x4060];
	v17 =	vunpack.i.u.bf16.f32 v50;
	[tilespmem:s23+$0x12780] =	vst v56  }
0xeb: {  	v59 =	vunpack.i.u.bf16.f32 v37;
	v58 =	vunpack.i.u.bf16.f32 v35;
	v60 =	vsub.f32 v54, v51;
	[tilespmem:s23+$0x12790] =	vst v17  }
0xec: {  	v22 =	vunpack.i.u.bf16.f32 v48;
	v20 =	vsub.bf16 v46, v44;
	v12 =	vadd.bf16 v12, v40;
	v63 =	vld [tilespmem:s11+$0x2050]  }
0xed: {  	v62 =	vunpack.i.l.bf16.f32 v9;
	v21 =	vsub.f32 v59, v58;
	v9 =	vunpack.i.u.bf16.f32 v9;
	v31 =	vld [tilespmem:s11+$0x4050]  }
0xee: {  	v20 =	vmul.bf16 v20, v14;
	v32 =	vunpack.i.l.bf16.f32 v12;
	v10 =	vsub.bf16 v55, v53  }
0xef: {  	v37 =	vunpack.i.l.bf16.f32 v26;
	v12 =	vunpack.i.u.bf16.f32 v12;
	[tilespmem:s23+$0x12620] =	vst v32;
	v35 =	vsub.bf16 v61, v57  }
0xf0: {  	v38 =	vunpack.i.l.bf16.f32 v48;
	[tilespmem:s23+$0x12630] =	vst v12;
	v20 =	vadd.bf16 v20, v44;
	v10 =	vmul.bf16 v10, v15  }
0xf1: {  	[tilespmem:s23+$0x12540] =	vst v62;
	v41 =	vsub.f32 v38, v37;
	v24 =	vmul.f32 v60, v3;
	v39 =	vld [tilespmem:s26+$0x2060];
	v11 =	vmul.bf16 v35, v11  }
0xf2: {  	[tilespmem:s23+$0x12550] =	vst v9;
	v40 =	vld [tilespmem:s26+$0x4060];
	v36 =	vunpack.i.l.bf16.f32 v20;
	v10 =	vadd.bf16 v10, v53;
	v17 =	vsub.bf16 v31, v63  }
0xf3: {  	v3 =	vmul.f32 v21, v3;
	v33 =	vld [tilespmem:s24+$0x2070];
	v19 =	vmul.f32 v41, v2;
	v20 =	vunpack.i.u.bf16.f32 v20;
	[tilespmem:s23+$0x126A0] =	vst v36  }
0xf4: {  	v34 =	vld [tilespmem:s24+$0x4070];
	[tilespmem:s23+$0x126B0] =	vst v20;
	v11 =	vadd.bf16 v11, v57;
	v43 =	vunpack.i.l.bf16.f32 v10;
	v17 =	vmul.bf16 v17, v16  }
0xf5: {  	v26 =	vunpack.i.u.bf16.f32 v26;
	v3 =	vadd.f32 v3, v58;
	v20 =	vld [tilespmem:s8+$0x2060];
	v10 =	vunpack.i.u.bf16.f32 v10;
	[tilespmem:s23+$0x12720] =	vst v43  }
0xf6: {  	v19 =	vadd.f32 v19, v37;
	v42 =	vld [tilespmem:s8+$0x4060];
	v44 =	vunpack.i.l.bf16.f32 v11;
	[tilespmem:s23+$0x12730] =	vst v10;
	v45 =	vadd.bf16 v17, v63  }
0xf7: {  	v18 =	vadd.f32 v24, v51;
	v11 =	vunpack.i.u.bf16.f32 v11;
	v47 =	vsub.bf16 v40, v39;
	[tilespmem:s23+$0x125C0] =	vst v44;
	v48 =	vld [tilespmem:s6+$0x2060]  }
0xf8: {  	v46 =	vsub.f32 v22, v26;
	v49 =	vunpack.i.l.bf16.f32 v33;
	[tilespmem:s23+$0x125D0] =	vst v11;
	v51 =	vld [tilespmem:s6+$0x4060];
	v29 =	vunpack.i.l.bf16.f32 v45  }
0xf9: {  	v50 =	vunpack.i.l.bf16.f32 v34;
	v13 =	vmul.bf16 v47, v13;
	v52 =	vld [tilespmem:s25+$0x2070];
	v10 =	vunpack.i.u.bf16.f32 v45;
	[tilespmem:s23+$0x127A0] =	vst v29  }
0xfa: {  	v9 =	vunpack.i.u.bf16.f32 v34;
	v2 =	vmul.f32 v46, v2;
	v54 =	vsub.f32 v50, v49;
	v53 =	vld [tilespmem:s25+$0x4070];
	[tilespmem:s23+$0x127B0] =	vst v10  }
0xfb: {  	v57 =	vunpack.i.u.bf16.f32 v33;
	v25 =	vsub.bf16 v42, v20;
	v12 =	vadd.bf16 v13, v39;
	v56 =	vld [tilespmem:s11+$0x2060]  }
0xfc: {  	v2 =	vadd.f32 v2, v26;
	v9 =	vsub.f32 v9, v57;
	v58 =	vld [tilespmem:s11+$0x4060]  }
0xfd: {  	v55 =	vmul.bf16 v25, v14;
	v59 =	vunpack.i.l.bf16.f32 v12;
	v11 =	vsub.bf16 v51, v48  }
0xfe: {  	v12 =	vunpack.i.u.bf16.f32 v12;
	v10 =	vmul.f32 v54, v1;
	[tilespmem:s23+$0x12640] =	vst v59;
	v1 =	vmul.f32 v9, v1  }
0xff: {  	[tilespmem:s23+$0x12650] =	vst v12;
	v61 =	vunpack.i.l.bf16.f32 v52;
	v28 =	vunpack.i.l.bf16.f32 v53;
	v13 =	vadd.bf16 v55, v20  }
0x100: {  	v31 =	vunpack.i.u.bf16.f32 v52;
	v32 =	vunpack.i.u.bf16.f32 v53;
	v11 =	vmul.bf16 v11, v15;
	v62 =	vld [tilespmem:s26+$0x2070]  }
0x101: {  	v63 =	vld [tilespmem:s26+$0x4070];
	v20 =	vsub.f32 v28, v61;
	v60 =	vunpack.i.l.bf16.f32 v13;
	v30 =	vsub.bf16 v58, v56  }
0x102: {  	v22 =	vsub.f32 v32, v31;
	v13 =	vunpack.i.u.bf16.f32 v13;
	v11 =	vadd.bf16 v11, v48;
	[tilespmem:s23+$0x126C0] =	vst v60  }
0x103: {  	v10 =	vadd.f32 v10, v49;
	v1 =	vadd.f32 v1, v57;
	[tilespmem:s23+$0x126D0] =	vst v13;
	v13 =	vmul.bf16 v30, v16  }
0x104: {  	v36 =	vmul.f32 v20, v4;
	v4 =	vmul.f32 v22, v4;
	v33 =	vld [tilespmem:s8+$0x2070];
	v35 =	vunpack.i.l.bf16.f32 v11  }
0x105: {  	v34 =	vld [tilespmem:s8+$0x4070];
	v11 =	vunpack.i.u.bf16.f32 v11;
	[tilespmem:s23+$0x12740] =	vst v35;
	v37 =	vunpack.i.u.bf16.f32 v62;
	v38 =	vadd.bf16 v13, v56  }
0x106: {  	[tilespmem:s23+$0x12750] =	vst v11;
	v39 =	vunpack.i.l.bf16.f32 v62;
	v40 =	vunpack.i.u.bf16.f32 v63;
	v12 =	vunpack.i.l.bf16.f32 v63  }
0x107: {  	[tilespmem:s23+$0x12470] =	vst v3;
	v41 =	vld [tilespmem:s6+$0x2070];
	v12 =	vsub.f32 v12, v39;
	v14 =	vsub.f32 v40, v37;
	v43 =	vunpack.i.l.bf16.f32 v38  }
0x108: {  	v9 =	vadd.f32 v36, v61;
	v3 =	vadd.f32 v4, v31;
	v42 =	vld [tilespmem:s6+$0x4070];
	v11 =	vunpack.i.u.bf16.f32 v38;
	[tilespmem:s23+$0x127C0] =	vst v43  }
0x109: {  	v47 =	vmul.f32 v12, v5;
	v5 =	vmul.f32 v14, v5;
	v44 =	vunpack.i.l.bf16.f32 v33;
	[tilespmem:s23+$0x127D0] =	vst v11  }
0x10a: {  	[tilespmem:s23+$0x124E0] =	vst v19;
	v45 =	vunpack.i.l.bf16.f32 v34;
	v49 =	vunpack.i.u.bf16.f32 v33;
	v50 =	vunpack.i.u.bf16.f32 v34;
	v48 =	vld [tilespmem:s11+$0x2070]  }
0x10b: {  	[tilespmem:s23+$0x124F0] =	vst v2;
	v46 =	vsub.f32 v45, v44;
	v2 =	vsub.f32 v50, v49;
	v51 =	vld [tilespmem:s11+$0x4070]  }
0x10c: {  	[tilespmem:s23+$0x12570] =	vst v1;
	v4 =	vadd.f32 v47, v39;
	v1 =	vadd.f32 v5, v37  }
0x10d: {  	[tilespmem:s23+$0x12460] =	vst v18;
	v52 =	vunpack.i.l.bf16.f32 v41;
	v53 =	vunpack.i.l.bf16.f32 v42;
	v11 =	vmul.f32 v46, v6  }
0x10e: {  	[tilespmem:s23+$0x12560] =	vst v10;
	v56 =	vunpack.i.u.bf16.f32 v41;
	v57 =	vunpack.i.u.bf16.f32 v42;
	v54 =	vsub.f32 v53, v52  }
0x10f: {  	[tilespmem:s23+$0x125F0] =	vst v3;
	v2 =	vmul.f32 v2, v6;
	v3 =	vsub.f32 v57, v56;
	v55 =	vadd.f32 v11, v44  }
0x110: {  	[tilespmem:s23+$0x125E0] =	vst v9;
	v10 =	vmul.f32 v54, v7;
	v58 =	vunpack.i.l.bf16.f32 v48;
	v59 =	vunpack.i.l.bf16.f32 v51  }
0x111: {  	[tilespmem:s23+$0x12660] =	vst v4;
	v60 =	vunpack.i.u.bf16.f32 v48;
	v61 =	vunpack.i.u.bf16.f32 v51;
	v11 =	vsub.f32 v59, v58  }
0x112: {  	[tilespmem:s23+$0x12670] =	vst v1;
	v1 =	vadd.f32 v2, v49;
	v2 =	vmul.f32 v3, v7;
	v3 =	vsub.f32 v61, v60  }
0x113: {  	p0 =	slt.u32 s20, $0x38;
	[tilespmem:s23+$0x126E0] =	vst v55;
	v62 =	vadd.f32 v10, v52;
	v63 =	vmul.f32 v11, v8  }
.Ltmp1:
0x114: {  	[tilespmem:s23+$0x126F0] =	vst v1;
	v1 =	vadd.f32 v2, v56;
	v2 =	vmul.f32 v3, v8;
	(pc) =	sbr.rel @p0 .LBB2_5-.Ltmp1, $4  }
0x115: {  	[tilespmem:s23+$0x12760] =	vst v62;
	v3 =	vadd.f32 v63, v58  }
0x116: {  	[tilespmem:s23+$0x12770] =	vst v1;
	v1 =	vadd.f32 v2, v60  }
0x117: {  	s28 =	sadd.s32 $0x8, s20;
	[tilespmem:s23+$0x127E0] =	vst v3  }
0x118: {  	s20 =	smov.u32 s28;
	[tilespmem:s23+$0x127F0] =	vst v1  }
0x119: {  	s4 =	sshll.u32 s22, $0xD;
	p0 =	seq.s32 s22, $0x7  }
0x11a: {  	s4 =	sadd.s32 s4, s7;
	s20 =	sshll.u32 @!p0 s22, $0x8  }
0x11b: {  	[hbm4b:s4+s3] =	stream.linear.scatter [tilespmem:s31], [sflag:$0x9], $0x4000, $0x38;
	[tilespmem:$0x1C000] =	vst v63  }
0x11c: {  	s5 =	simm.s32 @!p0 $0x40;
	s6 =	simm.s32 @!p0 $0x2000;
	s4 =	sadd.s32 @!p0 $0x900, s20  }
0x11d: {  	[tilespmem:s6], [sflag:$0x1] =	stream.indirect.gather @!p0 [spmem:s1], $0x80, s4, s5, $0xb8;
	[tilespmem:$0x1C000] =	vst v63  }
0x11e: {  	s4 =	sadd.s32 @!p0 $0x1100, s20;
	s6 =	simm.s32 @!p0 $0x4000  }
0x11f: {  	[tilespmem:s6], [sflag:$0x2] =	stream.indirect.gather @!p0 [spmem:s1], $0x80, s4, s5, $0xb8;
	[tilespmem:$0x1C000] =	vst v63  }
0x120: {  	_ =	swait.ge [sflag:s0], $0x2000  }
0x121: {  	s23 =	sor.u32 $0x1, s21;
	[sflag:s0] =	ssyncset.done $0x0  }
0x122: {  	s28 =	sshll.u32 s23, $0x6;
	[sflag:s0] =	ssyncadd.s32 $0xFFFFE000  }
0x123: {  	s5 =	sand.u32 $0x3FFFFFC0, s28;
	_ =	swait.ge [sflag:s2], $0x2000  }
0x124: {  	s5 =	sadd.s32 $0x1800, s5;
	[sflag:s2] =	ssyncset.done $0x0  }
0x125: {  	s4 =	simm.s32 @!p1 $0xA;
	v0 =	vmov s5;
	[sflag:s2] =	ssyncadd.s32 $0xFFFFE000  }
0x126: {  	_ =	swait.ge @!p1 [sflag:s4], $0x4000  }
0x127: {  	[sflag:s4] =	ssyncset.done @!p1 $0x0  }
0x128: {  	s24 =	simm.s32 $0x0;
	s22 =	sadd.s32 $0x1, s22;
	[sflag:s4] =	ssyncadd.s32 @!p1 $0xFFFFC000  }
.LBB2_7:
0x129: {  	s10 =	sand.u32 $0x30, s24  }
0x12a: {  	s6 =	sshll.u32 s24, $0x7;
	v7 =	vld.idx.msk [tilespmem:v0+s10+$0x0 ss:$0x1], $0xffff  }
0x12b: {  	v1 =	vld [tilespmem:s6+$0x6000]  }
0x12c: {  	v2 =	vld [tilespmem:s6+$0x8000];
	_ =	sdelay $0x1  }
0x12d: {  	s4 =	sand.u32 $0x8, s24  }
0x12e: {  	v3 =	vmov s4  }
0x12f: {  	v3 =	vperm.xlane v7, v3  }
0x130: {  	v2 =	vsub.bf16 v2, v1  }
0x131: {  	v12 =	vpack.i.f32.bf16 v3, v3  }
0x132: {  	v2 =	vmul.bf16 v2, v12;
	_ =	sdelay $0x1  }
0x133: {  	v1 =	vadd.bf16 v2, v1  }
0x134: {  	s25 =	sshll.u32 s24, $0x8;
	s8 =	sor.u32 $0x1, s24  }
0x135: {  	s25 =	sand.u32 $0x3FFFFF00, s25;
	s5 =	sshll.u32 s8, $0x7;
	v2 =	vunpack.i.l.bf16.f32 v1  }
0x136: {  	v4 =	vld [tilespmem:s5+$0x6000];
	v1 =	vunpack.i.u.bf16.f32 v1;
	[tilespmem:s25+$0x16000] =	vst v2  }
0x137: {  	[tilespmem:s25+$0x16010] =	vst v1;
	v1 =	vld [tilespmem:s5+$0x8000]  }
0x138: {  	v5 =	vld [tilespmem:s6+$0x6010]  }
0x139: {  	s26 =	sand.u32 $0x9, s8;
	v6 =	vld [tilespmem:s6+$0x8010]  }
0x13a: {  	v2 =	vmov s26  }
0x13b: {  	v2 =	vperm.xlane v7, v2  }
0x13c: {  	s28 =	sor.u32 $0x2, s24;
	v1 =	vsub.bf16 v1, v4  }
0x13d: {  	s26 =	sshll.u32 s28, $0x7;
	v10 =	vpack.i.f32.bf16 v2, v2  }
0x13e: {  	v8 =	vld [tilespmem:s26+$0x6000];
	v6 =	vsub.bf16 v6, v5;
	v1 =	vmul.bf16 v1, v10  }
0x13f: {  	v9 =	vld [tilespmem:s26+$0x8000]  }
0x140: {  	v6 =	vmul.bf16 v6, v12;
	v1 =	vadd.bf16 v1, v4  }
0x141: {  	s4 =	sand.u32 $0xA, s28  }
0x142: {  	v27 =	vmov s4;
	v25 =	vadd.bf16 v6, v5;
	v26 =	vunpack.i.l.bf16.f32 v1  }
0x143: {  	v11 =	vunpack.i.u.bf16.f32 v1;
	v1 =	vperm.xlane v7, v27;
	[tilespmem:s25+$0x16080] =	vst v26  }
0x144: {  	v29 =	vsub.bf16 v9, v8;
	v28 =	vunpack.i.l.bf16.f32 v25;
	[tilespmem:s25+$0x16090] =	vst v11  }
0x145: {  	v4 =	vunpack.i.u.bf16.f32 v25;
	[tilespmem:s25+$0x16020] =	vst v28;
	v30 =	vld [tilespmem:s5+$0x6010];
	v9 =	vpack.i.f32.bf16 v1, v1  }
0x146: {  	[tilespmem:s25+$0x16030] =	vst v4;
	v31 =	vld [tilespmem:s5+$0x8010];
	v6 =	vmul.bf16 v29, v9  }
0x147: {  	v32 =	vld [tilespmem:s6+$0x6020]  }
0x148: {  	v13 =	vld [tilespmem:s6+$0x8020];
	v6 =	vadd.bf16 v6, v8;
	_ =	sdelay $0x1  }
0x149: {  	v8 =	vunpack.i.l.bf16.f32 v6  }
0x14a: {  	v4 =	vsub.bf16 v31, v30;
	v6 =	vunpack.i.u.bf16.f32 v6;
	[tilespmem:s25+$0x16100] =	vst v8  }
0x14b: {  	[tilespmem:s25+$0x16110] =	vst v6  }
0x14c: {  	v33 =	vsub.bf16 v13, v32;
	v4 =	vmul.bf16 v4, v10;
	v8 =	vld [tilespmem:s26+$0x6010]  }
0x14d: {  	v34 =	vld [tilespmem:s26+$0x8010]  }
0x14e: {  	v6 =	vmul.bf16 v33, v12;
	v4 =	vadd.bf16 v4, v30;
	_ =	sdelay $0x1  }
0x14f: {  	v35 =	vadd.bf16 v6, v32;
	v36 =	vunpack.i.l.bf16.f32 v4  }
0x150: {  	v4 =	vunpack.i.u.bf16.f32 v4;
	[tilespmem:s25+$0x160A0] =	vst v36  }
0x151: {  	v37 =	vunpack.i.l.bf16.f32 v35;
	[tilespmem:s25+$0x160B0] =	vst v4;
	v38 =	vsub.bf16 v34, v8  }
0x152: {  	v5 =	vunpack.i.u.bf16.f32 v35;
	[tilespmem:s25+$0x16040] =	vst v37;
	v39 =	vld [tilespmem:s5+$0x6020]  }
0x153: {  	[tilespmem:s25+$0x16050] =	vst v5;
	v40 =	vld [tilespmem:s5+$0x8020];
	v4 =	vmul.bf16 v38, v9  }
0x154: {  	v41 =	vld [tilespmem:s6+$0x6030]  }
0x155: {  	v42 =	vld [tilespmem:s6+$0x8030];
	v4 =	vadd.bf16 v4, v8;
	_ =	sdelay $0x1  }
0x156: {  	v8 =	vunpack.i.l.bf16.f32 v4  }
0x157: {  	v5 =	vsub.bf16 v40, v39;
	v4 =	vunpack.i.u.bf16.f32 v4;
	[tilespmem:s25+$0x16120] =	vst v8  }
0x158: {  	[tilespmem:s25+$0x16130] =	vst v4  }
0x159: {  	v43 =	vunpack.i.l.bf16.f32 v41;
	v44 =	vunpack.i.l.bf16.f32 v42;
	v5 =	vmul.bf16 v5, v10;
	v14 =	vld [tilespmem:s26+$0x6020]  }
0x15a: {  	s8 =	sor.u32 $0x3, s24;
	v11 =	vunpack.i.u.bf16.f32 v41;
	v13 =	vunpack.i.u.bf16.f32 v42;
	v8 =	vsub.f32 v44, v43;
	v15 =	vld [tilespmem:s26+$0x8020]  }
0x15b: {  	s28 =	sshll.u32 s8, $0x7;
	v13 =	vsub.f32 v13, v11;
	v5 =	vadd.bf16 v5, v39  }
0x15c: {  	v45 =	vld [tilespmem:s28+$0x6000];
	v8 =	vmul.f32 v8, v3  }
0x15d: {  	s9 =	sor.u32 $0x4, s24;
	s4 =	sand.u32 $0xB, s8;
	v16 =	vld [tilespmem:s28+$0x8000];
	v13 =	vmul.f32 v13, v3;
	v17 =	vunpack.i.l.bf16.f32 v5  }
0x15e: {  	v48 =	vmov s4;
	s4 =	sshll.u32 s9, $0x7;
	v4 =	vadd.f32 v8, v43;
	v5 =	vunpack.i.u.bf16.f32 v5;
	[tilespmem:s25+$0x160C0] =	vst v17  }
0x15f: {  	v55 =	vld [tilespmem:s4+$0x6000];
	v46 =	vadd.f32 v13, v11;
	[tilespmem:s25+$0x160D0] =	vst v5;
	v47 =	vsub.bf16 v15, v14  }
0x160: {  	[tilespmem:s25+$0x16060] =	vst v4;
	v49 =	vld [tilespmem:s5+$0x6030]  }
0x161: {  	v4 =	vperm.xlane v7, v48;
	[tilespmem:s25+$0x16070] =	vst v46;
	v50 =	vld [tilespmem:s5+$0x8030];
	v5 =	vmul.bf16 v47, v9  }
0x162: {  	v51 =	vsub.bf16 v16, v45;
	v52 =	vld [tilespmem:s6+$0x6040]  }
0x163: {  	s11 =	sor.u32 $0x5, s24;
	s8 =	sand.u32 $0xC, s9;
	v53 =	vld [tilespmem:s6+$0x8040];
	v11 =	vpack.i.f32.bf16 v4, v4;
	v5 =	vadd.bf16 v5, v14  }
0x164: {  	v56 =	vld [tilespmem:s4+$0x8000];
	s9 =	sshll.u32 s11, $0x7;
	v60 =	vmov s8;
	s8 =	sand.u32 $0xD, s11;
	v54 =	vmul.bf16 v51, v11  }
0x165: {  	v63 =	vld [tilespmem:s9+$0x6000];
	s11 =	sor.u32 $0x6, s24;
	v35 =	vmov s8;
	v18 =	vunpack.i.u.bf16.f32 v49;
	v19 =	vunpack.i.l.bf16.f32 v5  }
0x166: {  	v32 =	vld [tilespmem:s9+$0x8000];
	s8 =	sshll.u32 s11, $0x7;
	v6 =	vadd.bf16 v54, v45;
	v13 =	vunpack.i.l.bf16.f32 v49;
	v8 =	vunpack.i.u.bf16.f32 v50  }
0x167: {  	v25 =	vld [tilespmem:s8+$0x6000];
	v20 =	vunpack.i.l.bf16.f32 v50;
	v5 =	vunpack.i.u.bf16.f32 v5;
	[tilespmem:s25+$0x16140] =	vst v19;
	v8 =	vsub.f32 v8, v18  }
0x168: {  	v36 =	vld [tilespmem:s8+$0x8000];
	v57 =	vsub.f32 v20, v13;
	[tilespmem:s25+$0x16150] =	vst v5;
	v17 =	vsub.bf16 v53, v52  }
0x169: {  	v5 =	vperm.xlane v7, v60;
	v58 =	vunpack.i.l.bf16.f32 v6;
	v59 =	vld [tilespmem:s26+$0x6030];
	v61 =	vmul.f32 v8, v2  }
0x16a: {  	s11 =	sand.u32 $0xE, s11;
	v6 =	vunpack.i.u.bf16.f32 v6;
	[tilespmem:s25+$0x16180] =	vst v58;
	v19 =	vmul.f32 v57, v2;
	v17 =	vmul.bf16 v17, v12  }
0x16b: {  	v40 =	vmov s11;
	v14 =	vsub.bf16 v56, v55;
	v21 =	vld [tilespmem:s26+$0x8030];
	[tilespmem:s25+$0x16190] =	vst v6;
	v6 =	vadd.f32 v61, v18  }
0x16c: {  	v62 =	vld [tilespmem:s28+$0x6010];
	v19 =	vadd.f32 v19, v13;
	v13 =	vpack.i.f32.bf16 v5, v5;
	v16 =	vadd.bf16 v17, v52  }
0x16d: {  	v43 =	vsub.bf16 v36, v25;
	v22 =	vld [tilespmem:s28+$0x8010];
	v14 =	vmul.bf16 v14, v13;
	[tilespmem:s25+$0x160F0] =	vst v6;
	v6 =	vperm.xlane v7, v35  }
0x16e: {  	v17 =	vsub.bf16 v32, v63;
	v34 =	vunpack.i.u.bf16.f32 v16;
	v23 =	vunpack.i.u.bf16.f32 v59  }
0x16f: {  	v20 =	vunpack.i.l.bf16.f32 v59;
	v33 =	vadd.bf16 v14, v55;
	v14 =	vpack.i.f32.bf16 v6, v6  }
0x170: {  	v41 =	vld.idx.msk [tilespmem:v0+s10+$0x0 ss:$0x1], $0xffff;
	[tilespmem:s25+$0x160E0] =	vst v19;
	v37 =	vunpack.i.l.bf16.f32 v21;
	v21 =	vunpack.i.u.bf16.f32 v21;
	v17 =	vmul.bf16 v17, v14  }
0x171: {  	s11 =	sor.u32 $0x7, s24;
	v19 =	vld [tilespmem:s5+$0x6040];
	v38 =	vsub.f32 v37, v20;
	v21 =	vsub.f32 v21, v23;
	v24 =	vunpack.i.l.bf16.f32 v33  }
0x172: {  	s10 =	sshll.u32 s11, $0x7;
	v27 =	vld [tilespmem:s5+$0x8040];
	v22 =	vsub.bf16 v22, v62;
	v26 =	vunpack.i.u.bf16.f32 v33;
	[tilespmem:s25+$0x16200] =	vst v24;
	v17 =	vadd.bf16 v17, v63  }
0x173: {  	v44 =	vld [tilespmem:s10+$0x6000];
	v16 =	vunpack.i.l.bf16.f32 v16;
	v7 =	vperm.xlane v7, v40;
	v21 =	vmul.f32 v21, v1;
	[tilespmem:s25+$0x16210] =	vst v26  }
0x174: {  	[tilespmem:s25+$0x16400] =	vst v16;
	v22 =	vmul.bf16 v22, v11;
	v26 =	vmul.f32 v38, v1;
	v28 =	vld [tilespmem:s4+$0x6010];
	v45 =	vunpack.i.l.bf16.f32 v17  }
0x175: {  	v15 =	vpack.i.f32.bf16 v7, v7;
	v39 =	vld [tilespmem:s4+$0x8010];
	v21 =	vadd.f32 v21, v23;
	v17 =	vunpack.i.u.bf16.f32 v17;
	[tilespmem:s25+$0x16280] =	vst v45  }
0x176: {  	v29 =	vld [tilespmem:s10+$0x8000];
	v18 =	vmul.bf16 v43, v15;
	v8 =	vadd.bf16 v22, v62;
	v20 =	vadd.f32 v26, v20;
	[tilespmem:s25+$0x16290] =	vst v17  }
0x177: {  	v27 =	vsub.bf16 v27, v19;
	[tilespmem:s25+$0x16170] =	vst v21;
	v51 =	vld [tilespmem:s9+$0x6010]  }
0x178: {  	v49 =	vadd.bf16 v18, v25;
	v42 =	vunpack.i.l.bf16.f32 v8;
	[tilespmem:s25+$0x16160] =	vst v20;
	v53 =	vld [tilespmem:s9+$0x8010]  }
0x179: {  	v8 =	vunpack.i.u.bf16.f32 v8;
	v50 =	vmul.bf16 v27, v10;
	[tilespmem:s25+$0x161A0] =	vst v42;
	v56 =	vld [tilespmem:s26+$0x6040]  }
0x17a: {  	v47 =	vmov s11;
	v54 =	vunpack.i.l.bf16.f32 v49;
	[tilespmem:s25+$0x161B0] =	vst v8;
	v62 =	vld [tilespmem:s26+$0x8040];
	v16 =	vsub.bf16 v39, v28  }
0x17b: {  	v17 =	vunpack.i.u.bf16.f32 v49;
	[tilespmem:s25+$0x16300] =	vst v54;
	v8 =	vperm.xlane v41, v47;
	v46 =	vld [tilespmem:s28+$0x6020];
	v18 =	vadd.bf16 v50, v19  }
0x17c: {  	v55 =	vsub.bf16 v29, v44;
	[tilespmem:s25+$0x16310] =	vst v17;
	v48 =	vld [tilespmem:s28+$0x8020];
	v52 =	vmul.bf16 v16, v13  }
0x17d: {  	v59 =	vld [tilespmem:s8+$0x6010];
	v16 =	vpack.i.f32.bf16 v8, v8;
	v58 =	vunpack.i.l.bf16.f32 v18  }
0x17e: {  	[tilespmem:s25+$0x16410] =	vst v34;
	v61 =	vld [tilespmem:s8+$0x8010];
	v57 =	vmul.bf16 v55, v16;
	v21 =	vadd.bf16 v52, v28;
	v22 =	vsub.bf16 v53, v51  }
0x17f: {  	v63 =	vld [tilespmem:s6+$0x8050];
	v18 =	vunpack.i.u.bf16.f32 v18;
	[tilespmem:s25+$0x16480] =	vst v58;
	v24 =	vsub.bf16 v62, v56  }
0x180: {  	v27 =	vld [tilespmem:s6+$0x6050];
	[tilespmem:s25+$0x16490] =	vst v18;
	v17 =	vadd.bf16 v57, v44;
	v60 =	vunpack.i.l.bf16.f32 v21;
	v22 =	vmul.bf16 v22, v14  }
0x181: {  	v41 =	vld [tilespmem:s5+$0x6050];
	v26 =	vsub.bf16 v48, v46;
	v21 =	vunpack.i.u.bf16.f32 v21;
	[tilespmem:s25+$0x16220] =	vst v60  }
0x182: {  	v30 =	vld [tilespmem:s5+$0x8050];
	v24 =	vmul.bf16 v24, v9;
	[tilespmem:s25+$0x16230] =	vst v21;
	v33 =	vunpack.i.l.bf16.f32 v17;
	v37 =	vadd.bf16 v22, v51  }
0x183: {  	v38 =	vsub.bf16 v61, v59;
	v17 =	vunpack.i.u.bf16.f32 v17;
	v34 =	vld [tilespmem:s4+$0x6020];
	[tilespmem:s25+$0x16380] =	vst v33  }
0x184: {  	v26 =	vmul.bf16 v26, v11;
	v35 =	vld [tilespmem:s4+$0x8020];
	[tilespmem:s25+$0x16390] =	vst v17;
	v19 =	vadd.bf16 v24, v56;
	v42 =	vunpack.i.l.bf16.f32 v37  }
0x185: {  	v39 =	vld [tilespmem:s10+$0x6010];
	v18 =	vunpack.i.u.bf16.f32 v37;
	[tilespmem:s25+$0x162A0] =	vst v42  }
0x186: {  	v20 =	vmul.bf16 v38, v15;
	v23 =	vadd.bf16 v26, v46;
	v40 =	vld [tilespmem:s10+$0x8010];
	v47 =	vunpack.i.l.bf16.f32 v19;
	[tilespmem:s25+$0x162B0] =	vst v18  }
0x187: {  	v19 =	vunpack.i.u.bf16.f32 v19;
	[tilespmem:s25+$0x16500] =	vst v47;
	v45 =	vld [tilespmem:s9+$0x6020]  }
0x188: {  	v44 =	vadd.bf16 v20, v59;
	v36 =	vunpack.i.l.bf16.f32 v23;
	[tilespmem:s25+$0x16510] =	vst v19;
	v46 =	vld [tilespmem:s9+$0x8020]  }
0x189: {  	v23 =	vunpack.i.u.bf16.f32 v23;
	[tilespmem:s25+$0x161C0] =	vst v36;
	v55 =	vld [tilespmem:s26+$0x6050];
	v21 =	vsub.bf16 v35, v34  }
0x18a: {  	v48 =	vsub.bf16 v63, v27;
	v28 =	vunpack.i.l.bf16.f32 v44;
	[tilespmem:s25+$0x161D0] =	vst v23;
	v32 =	vld [tilespmem:s26+$0x8050]  }
0x18b: {  	v18 =	vunpack.i.u.bf16.f32 v44;
	[tilespmem:s25+$0x16320] =	vst v28;
	v43 =	vld [tilespmem:s28+$0x6030];
	v17 =	vsub.bf16 v40, v39;
	v21 =	vmul.bf16 v21, v13  }
0x18c: {  	v50 =	vsub.bf16 v30, v41;
	[tilespmem:s25+$0x16330] =	vst v18;
	v31 =	vld [tilespmem:s28+$0x8030]  }
0x18d: {  	v18 =	vmul.bf16 v48, v12;
	v49 =	vld [tilespmem:s8+$0x6020];
	v17 =	vmul.bf16 v17, v16;
	v21 =	vadd.bf16 v21, v34  }
0x18e: {  	v26 =	vmul.bf16 v50, v10;
	v52 =	vld [tilespmem:s8+$0x8020]  }
0x18f: {  	v18 =	vadd.bf16 v18, v27;
	v17 =	vadd.bf16 v17, v39;
	v51 =	vunpack.i.l.bf16.f32 v21  }
0x190: {  	v54 =	vsub.bf16 v46, v45;
	v32 =	vsub.bf16 v32, v55;
	v21 =	vunpack.i.u.bf16.f32 v21;
	[tilespmem:s25+$0x16240] =	vst v51  }
0x191: {  	v23 =	vunpack.i.l.bf16.f32 v43;
	v56 =	vunpack.i.u.bf16.f32 v31;
	[tilespmem:s25+$0x16250] =	vst v21;
	v57 =	vunpack.i.l.bf16.f32 v17  }
0x192: {  	v31 =	vunpack.i.l.bf16.f32 v31;
	v19 =	vmul.bf16 v54, v14;
	v17 =	vunpack.i.u.bf16.f32 v17;
	[tilespmem:s25+$0x163A0] =	vst v57;
	v59 =	vld [tilespmem:s4+$0x6030]  }
0x193: {  	v53 =	vunpack.i.u.bf16.f32 v43;
	v61 =	vsub.bf16 v52, v49;
	v58 =	vsub.f32 v31, v23;
	[tilespmem:s25+$0x163B0] =	vst v17;
	v37 =	vld [tilespmem:s4+$0x8030]  }
0x194: {  	v30 =	vsub.f32 v56, v53;
	v60 =	vadd.bf16 v19, v45;
	v62 =	vld [tilespmem:s10+$0x6020]  }
0x195: {  	v40 =	vadd.bf16 v26, v41;
	v21 =	vmul.f32 v58, v4;
	v19 =	vmul.bf16 v61, v15;
	v63 =	vld [tilespmem:s10+$0x8020]  }
0x196: {  	v41 =	vmul.bf16 v32, v9;
	v36 =	vmul.f32 v30, v4;
	v33 =	vunpack.i.l.bf16.f32 v60  }
0x197: {  	v21 =	vadd.f32 v21, v23;
	v17 =	vunpack.i.u.bf16.f32 v60;
	v38 =	vadd.bf16 v19, v49;
	[tilespmem:s25+$0x162C0] =	vst v33  }
0x198: {  	v50 =	vunpack.i.l.bf16.f32 v40;
	v39 =	vunpack.i.l.bf16.f32 v18;
	v22 =	vadd.f32 v36, v53;
	[tilespmem:s25+$0x162D0] =	vst v17  }
0x199: {  	v53 =	vadd.bf16 v41, v55;
	[tilespmem:s25+$0x161E0] =	vst v21;
	v42 =	vld [tilespmem:s9+$0x6030];
	v45 =	vunpack.i.l.bf16.f32 v38;
	v17 =	vunpack.i.u.bf16.f32 v38  }
0x19a: {  	[tilespmem:s25+$0x161F0] =	vst v22;
	v44 =	vld [tilespmem:s9+$0x8030];
	v31 =	vunpack.i.l.bf16.f32 v59;
	v47 =	vunpack.i.l.bf16.f32 v37;
	v27 =	vsub.bf16 v63, v62  }
0x19b: {  	v43 =	vunpack.i.u.bf16.f32 v59;
	v46 =	vld [tilespmem:s28+$0x6040];
	[tilespmem:s25+$0x16340] =	vst v45;
	v30 =	vunpack.i.u.bf16.f32 v37;
	v32 =	vsub.f32 v47, v31  }
0x19c: {  	v18 =	vunpack.i.u.bf16.f32 v18;
	v48 =	vld [tilespmem:s28+$0x8040];
	[tilespmem:s25+$0x16350] =	vst v17;
	v51 =	vsub.f32 v30, v43;
	v49 =	vmul.bf16 v27, v16  }
0x19d: {  	[tilespmem:s25+$0x16430] =	vst v18;
	v36 =	vunpack.i.u.bf16.f32 v40;
	v18 =	vunpack.i.l.bf16.f32 v53;
	v52 =	vld [tilespmem:s8+$0x6030];
	v54 =	vmul.f32 v32, v5  }
0x19e: {  	[tilespmem:s25+$0x16420] =	vst v39;
	v55 =	vld [tilespmem:s8+$0x8030];
	v27 =	vmul.f32 v51, v5;
	v56 =	vunpack.i.l.bf16.f32 v42;
	v17 =	vadd.bf16 v49, v62  }
0x19f: {  	v20 =	vld [tilespmem:s6+$0x6060];
	v57 =	vunpack.i.l.bf16.f32 v44;
	v21 =	vunpack.i.u.bf16.f32 v42;
	v26 =	vunpack.i.u.bf16.f32 v44  }
0x1a0: {  	[tilespmem:s25+$0x164A0] =	vst v50;
	v34 =	vld [tilespmem:s6+$0x8060];
	v24 =	vadd.f32 v54, v31;
	v58 =	vsub.f32 v57, v56;
	v59 =	vunpack.i.l.bf16.f32 v17  }
0x1a1: {  	v28 =	vsub.bf16 v48, v46;
	v22 =	vadd.f32 v27, v43;
	v17 =	vunpack.i.u.bf16.f32 v17;
	[tilespmem:s25+$0x163C0] =	vst v59  }
0x1a2: {  	v61 =	vsub.f32 v26, v21;
	v43 =	vunpack.i.u.bf16.f32 v53;
	v62 =	vunpack.i.l.bf16.f32 v52;
	[tilespmem:s25+$0x163D0] =	vst v17  }
0x1a3: {  	[tilespmem:s25+$0x164B0] =	vst v36;
	v63 =	vunpack.i.l.bf16.f32 v55;
	v41 =	vunpack.i.u.bf16.f32 v52;
	v25 =	vunpack.i.u.bf16.f32 v55;
	v33 =	vld [tilespmem:s10+$0x6030]  }
0x1a4: {  	[tilespmem:s25+$0x16520] =	vst v18;
	v60 =	vmul.f32 v58, v6;
	v38 =	vsub.f32 v63, v62;
	v28 =	vmul.bf16 v28, v11;
	v39 =	vld [tilespmem:s10+$0x8030]  }
0x1a5: {  	v40 =	vsub.bf16 v34, v20;
	[tilespmem:s25+$0x16530] =	vst v43;
	v25 =	vsub.f32 v25, v41;
	v17 =	vmul.f32 v61, v6  }
0x1a6: {  	v42 =	vld [tilespmem:s5+$0x6060];
	[tilespmem:s25+$0x16260] =	vst v24;
	v37 =	vadd.f32 v60, v56;
	v27 =	vmul.f32 v38, v7;
	v28 =	vadd.bf16 v28, v46  }
0x1a7: {  	v54 =	vld [tilespmem:s5+$0x8060];
	[tilespmem:s25+$0x16270] =	vst v22;
	v47 =	vmul.f32 v25, v7;
	v17 =	vadd.f32 v17, v21  }
0x1a8: {  	v12 =	vmul.bf16 v40, v12;
	v44 =	vld [tilespmem:s4+$0x6040];
	[tilespmem:s25+$0x162E0] =	vst v37;
	v45 =	vadd.f32 v27, v62;
	v56 =	vunpack.i.l.bf16.f32 v28  }
0x1a9: {  	v46 =	vld [tilespmem:s4+$0x8040];
	[tilespmem:s25+$0x162F0] =	vst v17;
	v17 =	vadd.f32 v47, v41;
	v48 =	vunpack.i.l.bf16.f32 v33;
	v49 =	vunpack.i.l.bf16.f32 v39  }
0x1aa: {  	v55 =	vld [tilespmem:s26+$0x6060];
	[tilespmem:s25+$0x16580] =	vst v56;
	v51 =	vunpack.i.u.bf16.f32 v33;
	v31 =	vunpack.i.u.bf16.f32 v39;
	v27 =	vsub.f32 v49, v48  }
0x1ab: {  	v12 =	vadd.bf16 v12, v20;
	v50 =	vld [tilespmem:s9+$0x6040];
	[tilespmem:s25+$0x16360] =	vst v45;
	v53 =	vsub.f32 v31, v51  }
0x1ac: {  	v23 =	vsub.bf16 v54, v42;
	v57 =	vunpack.i.u.bf16.f32 v28;
	v52 =	vld [tilespmem:s9+$0x8040];
	[tilespmem:s25+$0x16370] =	vst v17;
	v27 =	vmul.f32 v27, v8  }
0x1ad: {  	v62 =	vunpack.i.l.bf16.f32 v12;
	v12 =	vunpack.i.u.bf16.f32 v12;
	[tilespmem:s25+$0x16590] =	vst v57;
	v58 =	vld [tilespmem:s8+$0x6040];
	v24 =	vmul.f32 v53, v8  }
0x1ae: {  	[tilespmem:s25+$0x16440] =	vst v62;
	v10 =	vmul.bf16 v23, v10;
	v26 =	vsub.bf16 v46, v44;
	v59 =	vld [tilespmem:s8+$0x8040];
	v25 =	vadd.f32 v27, v48  }
0x1af: {  	[tilespmem:s25+$0x16450] =	vst v12;
	v60 =	vld [tilespmem:s28+$0x6050];
	v24 =	vadd.f32 v24, v51  }
0x1b0: {  	v61 =	vld [tilespmem:s28+$0x8050];
	v10 =	vadd.bf16 v10, v42;
	v26 =	vmul.bf16 v26, v13;
	[tilespmem:s25+$0x163E0] =	vst v25  }
0x1b1: {  	v35 =	vld [tilespmem:s6+$0x6070];
	v21 =	vsub.bf16 v52, v50;
	[tilespmem:s25+$0x163F0] =	vst v24  }
0x1b2: {  	v39 =	vunpack.i.l.bf16.f32 v10;
	v26 =	vadd.bf16 v26, v44;
	v63 =	vld [tilespmem:s10+$0x6040]  }
0x1b3: {  	v10 =	vunpack.i.u.bf16.f32 v10;
	[tilespmem:s25+$0x164C0] =	vst v39;
	v21 =	vmul.bf16 v21, v14;
	v17 =	vsub.bf16 v59, v58;
	v32 =	vld [tilespmem:s10+$0x8040]  }
0x1b4: {  	v33 =	vld [tilespmem:s26+$0x8060];
	[tilespmem:s25+$0x164D0] =	vst v10;
	v34 =	vunpack.i.l.bf16.f32 v26;
	v36 =	vunpack.i.u.bf16.f32 v26  }
0x1b5: {  	v37 =	vld [tilespmem:s6+$0x8070];
	[tilespmem:s25+$0x16600] =	vst v34;
	v25 =	vsub.bf16 v61, v60;
	v18 =	vadd.bf16 v21, v50;
	v17 =	vmul.bf16 v17, v15  }
0x1b6: {  	v48 =	vld [tilespmem:s5+$0x8070];
	[tilespmem:s25+$0x16610] =	vst v36  }
0x1b7: {  	v40 =	vld [tilespmem:s4+$0x6050];
	v41 =	vmul.bf16 v25, v11;
	v38 =	vunpack.i.l.bf16.f32 v18;
	v17 =	vadd.bf16 v17, v58  }
0x1b8: {  	v42 =	vld [tilespmem:s4+$0x8050];
	v18 =	vunpack.i.u.bf16.f32 v18;
	[tilespmem:s25+$0x16680] =	vst v38;
	v43 =	vsub.bf16 v32, v63  }
0x1b9: {  	v12 =	vsub.bf16 v33, v55;
	v26 =	vld [tilespmem:s5+$0x6070];
	[tilespmem:s25+$0x16690] =	vst v18;
	v45 =	vadd.bf16 v41, v60;
	v47 =	vunpack.i.l.bf16.f32 v17  }
0x1ba: {  	v44 =	vld [tilespmem:s9+$0x6050];
	v17 =	vunpack.i.u.bf16.f32 v17;
	[tilespmem:s25+$0x16700] =	vst v47;
	v18 =	vmul.bf16 v43, v16  }
0x1bb: {  	v9 =	vmul.bf16 v12, v9;
	v46 =	vld [tilespmem:s9+$0x8050];
	v49 =	vunpack.i.l.bf16.f32 v45;
	[tilespmem:s25+$0x16710] =	vst v17  }
0x1bc: {  	v10 =	vunpack.i.u.bf16.f32 v45;
	[tilespmem:s25+$0x165A0] =	vst v49;
	v53 =	vld [tilespmem:s8+$0x6050];
	v50 =	vadd.bf16 v18, v63  }
0x1bd: {  	v9 =	vadd.bf16 v9, v55;
	v52 =	vsub.bf16 v42, v40;
	[tilespmem:s25+$0x165B0] =	vst v10;
	v55 =	vld [tilespmem:s8+$0x8050]  }
0x1be: {  	v54 =	vunpack.i.l.bf16.f32 v37;
	v57 =	vld [tilespmem:s28+$0x6060];
	v56 =	vunpack.i.l.bf16.f32 v50  }
0x1bf: {  	v51 =	vunpack.i.l.bf16.f32 v35;
	v12 =	vmul.bf16 v52, v13;
	v61 =	vld [tilespmem:s28+$0x8060];
	v17 =	vunpack.i.u.bf16.f32 v50;
	[tilespmem:s25+$0x16780] =	vst v56  }
0x1c0: {  	v59 =	vunpack.i.u.bf16.f32 v37;
	v58 =	vunpack.i.u.bf16.f32 v35;
	v60 =	vsub.f32 v54, v51;
	[tilespmem:s25+$0x16790] =	vst v17  }
0x1c1: {  	v22 =	vunpack.i.u.bf16.f32 v48;
	v20 =	vsub.bf16 v46, v44;
	v12 =	vadd.bf16 v12, v40;
	v63 =	vld [tilespmem:s10+$0x6050]  }
0x1c2: {  	v62 =	vunpack.i.l.bf16.f32 v9;
	v21 =	vsub.f32 v59, v58;
	v9 =	vunpack.i.u.bf16.f32 v9;
	v31 =	vld [tilespmem:s10+$0x8050]  }
0x1c3: {  	v20 =	vmul.bf16 v20, v14;
	v32 =	vunpack.i.l.bf16.f32 v12;
	v10 =	vsub.bf16 v55, v53  }
0x1c4: {  	v37 =	vunpack.i.l.bf16.f32 v26;
	v12 =	vunpack.i.u.bf16.f32 v12;
	[tilespmem:s25+$0x16620] =	vst v32;
	v35 =	vsub.bf16 v61, v57  }
0x1c5: {  	v38 =	vunpack.i.l.bf16.f32 v48;
	[tilespmem:s25+$0x16630] =	vst v12;
	v20 =	vadd.bf16 v20, v44;
	v10 =	vmul.bf16 v10, v15  }
0x1c6: {  	[tilespmem:s25+$0x16540] =	vst v62;
	v41 =	vsub.f32 v38, v37;
	v24 =	vmul.f32 v60, v3;
	v39 =	vld [tilespmem:s4+$0x6060];
	v11 =	vmul.bf16 v35, v11  }
0x1c7: {  	[tilespmem:s25+$0x16550] =	vst v9;
	v40 =	vld [tilespmem:s4+$0x8060];
	v36 =	vunpack.i.l.bf16.f32 v20;
	v10 =	vadd.bf16 v10, v53;
	v17 =	vsub.bf16 v31, v63  }
0x1c8: {  	v3 =	vmul.f32 v21, v3;
	v33 =	vld [tilespmem:s26+$0x6070];
	v19 =	vmul.f32 v41, v2;
	v20 =	vunpack.i.u.bf16.f32 v20;
	[tilespmem:s25+$0x166A0] =	vst v36  }
0x1c9: {  	v34 =	vld [tilespmem:s26+$0x8070];
	[tilespmem:s25+$0x166B0] =	vst v20;
	v11 =	vadd.bf16 v11, v57;
	v43 =	vunpack.i.l.bf16.f32 v10;
	v17 =	vmul.bf16 v17, v16  }
0x1ca: {  	v26 =	vunpack.i.u.bf16.f32 v26;
	v3 =	vadd.f32 v3, v58;
	v20 =	vld [tilespmem:s9+$0x6060];
	v10 =	vunpack.i.u.bf16.f32 v10;
	[tilespmem:s25+$0x16720] =	vst v43  }
0x1cb: {  	v19 =	vadd.f32 v19, v37;
	v42 =	vld [tilespmem:s9+$0x8060];
	v44 =	vunpack.i.l.bf16.f32 v11;
	[tilespmem:s25+$0x16730] =	vst v10;
	v45 =	vadd.bf16 v17, v63  }
0x1cc: {  	v18 =	vadd.f32 v24, v51;
	v11 =	vunpack.i.u.bf16.f32 v11;
	v47 =	vsub.bf16 v40, v39;
	[tilespmem:s25+$0x165C0] =	vst v44;
	v48 =	vld [tilespmem:s8+$0x6060]  }
0x1cd: {  	v46 =	vsub.f32 v22, v26;
	v49 =	vunpack.i.l.bf16.f32 v33;
	[tilespmem:s25+$0x165D0] =	vst v11;
	v51 =	vld [tilespmem:s8+$0x8060];
	v29 =	vunpack.i.l.bf16.f32 v45  }
0x1ce: {  	v50 =	vunpack.i.l.bf16.f32 v34;
	v13 =	vmul.bf16 v47, v13;
	v52 =	vld [tilespmem:s28+$0x6070];
	v10 =	vunpack.i.u.bf16.f32 v45;
	[tilespmem:s25+$0x167A0] =	vst v29  }
0x1cf: {  	v9 =	vunpack.i.u.bf16.f32 v34;
	v2 =	vmul.f32 v46, v2;
	v54 =	vsub.f32 v50, v49;
	v53 =	vld [tilespmem:s28+$0x8070];
	[tilespmem:s25+$0x167B0] =	vst v10  }
0x1d0: {  	v57 =	vunpack.i.u.bf16.f32 v33;
	v25 =	vsub.bf16 v42, v20;
	v12 =	vadd.bf16 v13, v39;
	v56 =	vld [tilespmem:s10+$0x6060]  }
0x1d1: {  	v2 =	vadd.f32 v2, v26;
	v9 =	vsub.f32 v9, v57;
	v58 =	vld [tilespmem:s10+$0x8060]  }
0x1d2: {  	v55 =	vmul.bf16 v25, v14;
	v59 =	vunpack.i.l.bf16.f32 v12;
	v11 =	vsub.bf16 v51, v48  }
0x1d3: {  	v12 =	vunpack.i.u.bf16.f32 v12;
	v10 =	vmul.f32 v54, v1;
	[tilespmem:s25+$0x16640] =	vst v59;
	v1 =	vmul.f32 v9, v1  }
0x1d4: {  	[tilespmem:s25+$0x16650] =	vst v12;
	v61 =	vunpack.i.l.bf16.f32 v52;
	v28 =	vunpack.i.l.bf16.f32 v53;
	v13 =	vadd.bf16 v55, v20  }
0x1d5: {  	v31 =	vunpack.i.u.bf16.f32 v52;
	v32 =	vunpack.i.u.bf16.f32 v53;
	v11 =	vmul.bf16 v11, v15;
	v62 =	vld [tilespmem:s4+$0x6070]  }
0x1d6: {  	v63 =	vld [tilespmem:s4+$0x8070];
	v20 =	vsub.f32 v28, v61;
	v60 =	vunpack.i.l.bf16.f32 v13;
	v30 =	vsub.bf16 v58, v56  }
0x1d7: {  	v22 =	vsub.f32 v32, v31;
	v13 =	vunpack.i.u.bf16.f32 v13;
	v11 =	vadd.bf16 v11, v48;
	[tilespmem:s25+$0x166C0] =	vst v60  }
0x1d8: {  	v10 =	vadd.f32 v10, v49;
	v1 =	vadd.f32 v1, v57;
	[tilespmem:s25+$0x166D0] =	vst v13;
	v13 =	vmul.bf16 v30, v16  }
0x1d9: {  	v36 =	vmul.f32 v20, v4;
	v4 =	vmul.f32 v22, v4;
	v33 =	vld [tilespmem:s9+$0x6070];
	v35 =	vunpack.i.l.bf16.f32 v11  }
0x1da: {  	v34 =	vld [tilespmem:s9+$0x8070];
	v11 =	vunpack.i.u.bf16.f32 v11;
	[tilespmem:s25+$0x16740] =	vst v35;
	v37 =	vunpack.i.u.bf16.f32 v62;
	v38 =	vadd.bf16 v13, v56  }
0x1db: {  	[tilespmem:s25+$0x16750] =	vst v11;
	v39 =	vunpack.i.l.bf16.f32 v62;
	v40 =	vunpack.i.u.bf16.f32 v63;
	v12 =	vunpack.i.l.bf16.f32 v63  }
0x1dc: {  	[tilespmem:s25+$0x16470] =	vst v3;
	v41 =	vld [tilespmem:s8+$0x6070];
	v12 =	vsub.f32 v12, v39;
	v14 =	vsub.f32 v40, v37;
	v43 =	vunpack.i.l.bf16.f32 v38  }
0x1dd: {  	v9 =	vadd.f32 v36, v61;
	v3 =	vadd.f32 v4, v31;
	v42 =	vld [tilespmem:s8+$0x8070];
	v11 =	vunpack.i.u.bf16.f32 v38;
	[tilespmem:s25+$0x167C0] =	vst v43  }
0x1de: {  	v47 =	vmul.f32 v12, v5;
	v5 =	vmul.f32 v14, v5;
	v44 =	vunpack.i.l.bf16.f32 v33;
	[tilespmem:s25+$0x167D0] =	vst v11  }
0x1df: {  	[tilespmem:s25+$0x164E0] =	vst v19;
	v45 =	vunpack.i.l.bf16.f32 v34;
	v49 =	vunpack.i.u.bf16.f32 v33;
	v50 =	vunpack.i.u.bf16.f32 v34;
	v48 =	vld [tilespmem:s10+$0x6070]  }
0x1e0: {  	[tilespmem:s25+$0x164F0] =	vst v2;
	v46 =	vsub.f32 v45, v44;
	v2 =	vsub.f32 v50, v49;
	v51 =	vld [tilespmem:s10+$0x8070]  }
0x1e1: {  	[tilespmem:s25+$0x16570] =	vst v1;
	v4 =	vadd.f32 v47, v39;
	v1 =	vadd.f32 v5, v37  }
0x1e2: {  	[tilespmem:s25+$0x16460] =	vst v18;
	v52 =	vunpack.i.l.bf16.f32 v41;
	v53 =	vunpack.i.l.bf16.f32 v42;
	v11 =	vmul.f32 v46, v6  }
0x1e3: {  	[tilespmem:s25+$0x16560] =	vst v10;
	v56 =	vunpack.i.u.bf16.f32 v41;
	v57 =	vunpack.i.u.bf16.f32 v42;
	v54 =	vsub.f32 v53, v52  }
0x1e4: {  	[tilespmem:s25+$0x165F0] =	vst v3;
	v2 =	vmul.f32 v2, v6;
	v3 =	vsub.f32 v57, v56;
	v55 =	vadd.f32 v11, v44  }
0x1e5: {  	[tilespmem:s25+$0x165E0] =	vst v9;
	v10 =	vmul.f32 v54, v7;
	v58 =	vunpack.i.l.bf16.f32 v48;
	v59 =	vunpack.i.l.bf16.f32 v51  }
0x1e6: {  	[tilespmem:s25+$0x16660] =	vst v4;
	v60 =	vunpack.i.u.bf16.f32 v48;
	v61 =	vunpack.i.u.bf16.f32 v51;
	v11 =	vsub.f32 v59, v58  }
0x1e7: {  	[tilespmem:s25+$0x16670] =	vst v1;
	v1 =	vadd.f32 v2, v49;
	v2 =	vmul.f32 v3, v7;
	v3 =	vsub.f32 v61, v60  }
0x1e8: {  	p1 =	slt.u32 s24, $0x38;
	[tilespmem:s25+$0x166E0] =	vst v55;
	v62 =	vadd.f32 v10, v52;
	v63 =	vmul.f32 v11, v8  }
.Ltmp2:
0x1e9: {  	[tilespmem:s25+$0x166F0] =	vst v1;
	v1 =	vadd.f32 v2, v56;
	v2 =	vmul.f32 v3, v8;
	(pc) =	sbr.rel @p1 .LBB2_7-.Ltmp2, $4  }
0x1ea: {  	[tilespmem:s25+$0x16760] =	vst v62;
	v3 =	vadd.f32 v63, v58  }
0x1eb: {  	[tilespmem:s25+$0x16770] =	vst v1;
	v1 =	vadd.f32 v2, v60  }
0x1ec: {  	s28 =	sadd.s32 $0x8, s24;
	[tilespmem:s25+$0x167E0] =	vst v3  }
0x1ed: {  	s24 =	smov.u32 s28;
	[tilespmem:s25+$0x167F0] =	vst v1  }
0x1ee: {  	s4 =	sshll.u32 s23, $0xB  }
0x1ef: {  	s4 =	sadd.s32 s4, s7  }
0x1f0: {  	[hbm4b:s4+s3] =	stream.linear.scatter [tilespmem:s12], [sflag:$0xA], $0x4000, $0x38;
	[tilespmem:$0x1C000] =	vst v63  }
0x1f1: {  	s5 =	simm.s32 @!p0 $0x40;
	s6 =	simm.s32 @!p0 $0x6000;
	s4 =	sadd.s32 @!p0 $0x940, s20  }
0x1f2: {  	[tilespmem:s6], [sflag:$0x3] =	stream.indirect.gather @!p0 [spmem:s1], $0x80, s4, s5, $0xb8;
	[tilespmem:$0x1C000] =	vst v63  }
0x1f3: {  	s4 =	sadd.s32 @!p0 $0x1140, s20;
	s6 =	simm.s32 @!p0 $0x8000  }
0x1f4: {  	[tilespmem:s6], [sflag:$0x4] =	stream.indirect.gather @!p0 [spmem:s1], $0x80, s4, s5, $0xb8;
	[tilespmem:$0x1C000] =	vst v63  }
0x1f5: {  	_ =	swait.ge [sflag:s13], $0x2000  }
0x1f6: {  	s23 =	sor.u32 $0x2, s21;
	[sflag:s13] =	ssyncset.done $0x0  }
0x1f7: {  	s28 =	sshll.u32 s23, $0x6;
	[sflag:s13] =	ssyncadd.s32 $0xFFFFE000  }
0x1f8: {  	s4 =	sand.u32 $0x3FFFFFC0, s28;
	_ =	swait.ge [sflag:s14], $0x2000  }
0x1f9: {  	s4 =	sadd.s32 $0x1800, s4;
	[sflag:s14] =	ssyncset.done $0x0  }
0x1fa: {  	v0 =	vmov s4;
	[sflag:s14] =	ssyncadd.s32 $0xFFFFE000  }
0x1fb: {  	_ =	swait.ge [sflag:s15], $0x4000  }
0x1fc: {  	[sflag:s15] =	ssyncset.done $0x0  }
0x1fd: {  	s24 =	simm.s32 $0x0;
	[sflag:s15] =	ssyncadd.s32 $0xFFFFC000  }
.LBB2_9:
0x1fe: {  	s10 =	sand.u32 $0x30, s24  }
0x1ff: {  	s6 =	sshll.u32 s24, $0x7;
	v7 =	vld.idx.msk [tilespmem:v0+s10+$0x0 ss:$0x1], $0xffff  }
0x200: {  	v1 =	vld [tilespmem:s6+$0xA000]  }
0x201: {  	v2 =	vld [tilespmem:s6+$0xC000];
	_ =	sdelay $0x1  }
0x202: {  	s4 =	sand.u32 $0x8, s24  }
0x203: {  	v3 =	vmov s4  }
0x204: {  	v3 =	vperm.xlane v7, v3  }
0x205: {  	v2 =	vsub.bf16 v2, v1  }
0x206: {  	v12 =	vpack.i.f32.bf16 v3, v3  }
0x207: {  	v2 =	vmul.bf16 v2, v12;
	_ =	sdelay $0x1  }
0x208: {  	v1 =	vadd.bf16 v2, v1  }
0x209: {  	s25 =	sshll.u32 s24, $0x8;
	s8 =	sor.u32 $0x1, s24  }
0x20a: {  	s25 =	sand.u32 $0x3FFFFF00, s25;
	s5 =	sshll.u32 s8, $0x7;
	v2 =	vunpack.i.l.bf16.f32 v1  }
0x20b: {  	v4 =	vld [tilespmem:s5+$0xA000];
	v1 =	vunpack.i.u.bf16.f32 v1;
	[tilespmem:s25+$0x12000] =	vst v2  }
0x20c: {  	[tilespmem:s25+$0x12010] =	vst v1;
	v1 =	vld [tilespmem:s5+$0xC000]  }
0x20d: {  	v5 =	vld [tilespmem:s6+$0xA010]  }
0x20e: {  	s26 =	sand.u32 $0x9, s8;
	v6 =	vld [tilespmem:s6+$0xC010]  }
0x20f: {  	v2 =	vmov s26  }
0x210: {  	v2 =	vperm.xlane v7, v2  }
0x211: {  	s28 =	sor.u32 $0x2, s24;
	v1 =	vsub.bf16 v1, v4  }
0x212: {  	s26 =	sshll.u32 s28, $0x7;
	v10 =	vpack.i.f32.bf16 v2, v2  }
0x213: {  	v8 =	vld [tilespmem:s26+$0xA000];
	v6 =	vsub.bf16 v6, v5;
	v1 =	vmul.bf16 v1, v10  }
0x214: {  	v9 =	vld [tilespmem:s26+$0xC000]  }
0x215: {  	v6 =	vmul.bf16 v6, v12;
	v1 =	vadd.bf16 v1, v4  }
0x216: {  	s4 =	sand.u32 $0xA, s28  }
0x217: {  	v27 =	vmov s4;
	v25 =	vadd.bf16 v6, v5;
	v26 =	vunpack.i.l.bf16.f32 v1  }
0x218: {  	v11 =	vunpack.i.u.bf16.f32 v1;
	v1 =	vperm.xlane v7, v27;
	[tilespmem:s25+$0x12080] =	vst v26  }
0x219: {  	v29 =	vsub.bf16 v9, v8;
	v28 =	vunpack.i.l.bf16.f32 v25;
	[tilespmem:s25+$0x12090] =	vst v11  }
0x21a: {  	v4 =	vunpack.i.u.bf16.f32 v25;
	[tilespmem:s25+$0x12020] =	vst v28;
	v30 =	vld [tilespmem:s5+$0xA010];
	v9 =	vpack.i.f32.bf16 v1, v1  }
0x21b: {  	[tilespmem:s25+$0x12030] =	vst v4;
	v31 =	vld [tilespmem:s5+$0xC010];
	v6 =	vmul.bf16 v29, v9  }
0x21c: {  	v32 =	vld [tilespmem:s6+$0xA020]  }
0x21d: {  	v13 =	vld [tilespmem:s6+$0xC020];
	v6 =	vadd.bf16 v6, v8;
	_ =	sdelay $0x1  }
0x21e: {  	v8 =	vunpack.i.l.bf16.f32 v6  }
0x21f: {  	v4 =	vsub.bf16 v31, v30;
	v6 =	vunpack.i.u.bf16.f32 v6;
	[tilespmem:s25+$0x12100] =	vst v8  }
0x220: {  	[tilespmem:s25+$0x12110] =	vst v6  }
0x221: {  	v33 =	vsub.bf16 v13, v32;
	v4 =	vmul.bf16 v4, v10;
	v8 =	vld [tilespmem:s26+$0xA010]  }
0x222: {  	v34 =	vld [tilespmem:s26+$0xC010]  }
0x223: {  	v6 =	vmul.bf16 v33, v12;
	v4 =	vadd.bf16 v4, v30;
	_ =	sdelay $0x1  }
0x224: {  	v35 =	vadd.bf16 v6, v32;
	v36 =	vunpack.i.l.bf16.f32 v4  }
0x225: {  	v4 =	vunpack.i.u.bf16.f32 v4;
	[tilespmem:s25+$0x120A0] =	vst v36  }
0x226: {  	v37 =	vunpack.i.l.bf16.f32 v35;
	[tilespmem:s25+$0x120B0] =	vst v4;
	v38 =	vsub.bf16 v34, v8  }
0x227: {  	v5 =	vunpack.i.u.bf16.f32 v35;
	[tilespmem:s25+$0x12040] =	vst v37;
	v39 =	vld [tilespmem:s5+$0xA020]  }
0x228: {  	[tilespmem:s25+$0x12050] =	vst v5;
	v40 =	vld [tilespmem:s5+$0xC020];
	v4 =	vmul.bf16 v38, v9  }
0x229: {  	v41 =	vld [tilespmem:s6+$0xA030]  }
0x22a: {  	v42 =	vld [tilespmem:s6+$0xC030];
	v4 =	vadd.bf16 v4, v8;
	_ =	sdelay $0x1  }
0x22b: {  	v8 =	vunpack.i.l.bf16.f32 v4  }
0x22c: {  	v5 =	vsub.bf16 v40, v39;
	v4 =	vunpack.i.u.bf16.f32 v4;
	[tilespmem:s25+$0x12120] =	vst v8  }
0x22d: {  	[tilespmem:s25+$0x12130] =	vst v4  }
0x22e: {  	v43 =	vunpack.i.l.bf16.f32 v41;
	v44 =	vunpack.i.l.bf16.f32 v42;
	v5 =	vmul.bf16 v5, v10;
	v14 =	vld [tilespmem:s26+$0xA020]  }
0x22f: {  	s8 =	sor.u32 $0x3, s24;
	v11 =	vunpack.i.u.bf16.f32 v41;
	v13 =	vunpack.i.u.bf16.f32 v42;
	v8 =	vsub.f32 v44, v43;
	v15 =	vld [tilespmem:s26+$0xC020]  }
0x230: {  	s28 =	sshll.u32 s8, $0x7;
	v13 =	vsub.f32 v13, v11;
	v5 =	vadd.bf16 v5, v39  }
0x231: {  	v45 =	vld [tilespmem:s28+$0xA000];
	v8 =	vmul.f32 v8, v3  }
0x232: {  	s9 =	sor.u32 $0x4, s24;
	s4 =	sand.u32 $0xB, s8;
	v16 =	vld [tilespmem:s28+$0xC000];
	v13 =	vmul.f32 v13, v3;
	v17 =	vunpack.i.l.bf16.f32 v5  }
0x233: {  	v48 =	vmov s4;
	s4 =	sshll.u32 s9, $0x7;
	v4 =	vadd.f32 v8, v43;
	v5 =	vunpack.i.u.bf16.f32 v5;
	[tilespmem:s25+$0x120C0] =	vst v17  }
0x234: {  	v55 =	vld [tilespmem:s4+$0xA000];
	v46 =	vadd.f32 v13, v11;
	[tilespmem:s25+$0x120D0] =	vst v5;
	v47 =	vsub.bf16 v15, v14  }
0x235: {  	[tilespmem:s25+$0x12060] =	vst v4;
	v49 =	vld [tilespmem:s5+$0xA030]  }
0x236: {  	v4 =	vperm.xlane v7, v48;
	[tilespmem:s25+$0x12070] =	vst v46;
	v50 =	vld [tilespmem:s5+$0xC030];
	v5 =	vmul.bf16 v47, v9  }
0x237: {  	v51 =	vsub.bf16 v16, v45;
	v52 =	vld [tilespmem:s6+$0xA040]  }
0x238: {  	s11 =	sor.u32 $0x5, s24;
	s8 =	sand.u32 $0xC, s9;
	v53 =	vld [tilespmem:s6+$0xC040];
	v11 =	vpack.i.f32.bf16 v4, v4;
	v5 =	vadd.bf16 v5, v14  }
0x239: {  	v56 =	vld [tilespmem:s4+$0xC000];
	s9 =	sshll.u32 s11, $0x7;
	v60 =	vmov s8;
	s8 =	sand.u32 $0xD, s11;
	v54 =	vmul.bf16 v51, v11  }
0x23a: {  	v63 =	vld [tilespmem:s9+$0xA000];
	s11 =	sor.u32 $0x6, s24;
	v35 =	vmov s8;
	v18 =	vunpack.i.u.bf16.f32 v49;
	v19 =	vunpack.i.l.bf16.f32 v5  }
0x23b: {  	v32 =	vld [tilespmem:s9+$0xC000];
	s8 =	sshll.u32 s11, $0x7;
	v6 =	vadd.bf16 v54, v45;
	v13 =	vunpack.i.l.bf16.f32 v49;
	v8 =	vunpack.i.u.bf16.f32 v50  }
0x23c: {  	v25 =	vld [tilespmem:s8+$0xA000];
	v20 =	vunpack.i.l.bf16.f32 v50;
	v5 =	vunpack.i.u.bf16.f32 v5;
	[tilespmem:s25+$0x12140] =	vst v19;
	v8 =	vsub.f32 v8, v18  }
0x23d: {  	v36 =	vld [tilespmem:s8+$0xC000];
	v57 =	vsub.f32 v20, v13;
	[tilespmem:s25+$0x12150] =	vst v5;
	v17 =	vsub.bf16 v53, v52  }
0x23e: {  	v5 =	vperm.xlane v7, v60;
	v58 =	vunpack.i.l.bf16.f32 v6;
	v59 =	vld [tilespmem:s26+$0xA030];
	v61 =	vmul.f32 v8, v2  }
0x23f: {  	s11 =	sand.u32 $0xE, s11;
	v6 =	vunpack.i.u.bf16.f32 v6;
	[tilespmem:s25+$0x12180] =	vst v58;
	v19 =	vmul.f32 v57, v2;
	v17 =	vmul.bf16 v17, v12  }
0x240: {  	v40 =	vmov s11;
	v14 =	vsub.bf16 v56, v55;
	v21 =	vld [tilespmem:s26+$0xC030];
	[tilespmem:s25+$0x12190] =	vst v6;
	v6 =	vadd.f32 v61, v18  }
0x241: {  	v62 =	vld [tilespmem:s28+$0xA010];
	v19 =	vadd.f32 v19, v13;
	v13 =	vpack.i.f32.bf16 v5, v5;
	v16 =	vadd.bf16 v17, v52  }
0x242: {  	v43 =	vsub.bf16 v36, v25;
	v22 =	vld [tilespmem:s28+$0xC010];
	v14 =	vmul.bf16 v14, v13;
	[tilespmem:s25+$0x120F0] =	vst v6;
	v6 =	vperm.xlane v7, v35  }
0x243: {  	v17 =	vsub.bf16 v32, v63;
	v34 =	vunpack.i.u.bf16.f32 v16;
	v23 =	vunpack.i.u.bf16.f32 v59  }
0x244: {  	v20 =	vunpack.i.l.bf16.f32 v59;
	v33 =	vadd.bf16 v14, v55;
	v14 =	vpack.i.f32.bf16 v6, v6  }
0x245: {  	v41 =	vld.idx.msk [tilespmem:v0+s10+$0x0 ss:$0x1], $0xffff;
	[tilespmem:s25+$0x120E0] =	vst v19;
	v37 =	vunpack.i.l.bf16.f32 v21;
	v21 =	vunpack.i.u.bf16.f32 v21;
	v17 =	vmul.bf16 v17, v14  }
0x246: {  	s11 =	sor.u32 $0x7, s24;
	v19 =	vld [tilespmem:s5+$0xA040];
	v38 =	vsub.f32 v37, v20;
	v21 =	vsub.f32 v21, v23;
	v24 =	vunpack.i.l.bf16.f32 v33  }
0x247: {  	s10 =	sshll.u32 s11, $0x7;
	v27 =	vld [tilespmem:s5+$0xC040];
	v22 =	vsub.bf16 v22, v62;
	v26 =	vunpack.i.u.bf16.f32 v33;
	[tilespmem:s25+$0x12200] =	vst v24;
	v17 =	vadd.bf16 v17, v63  }
0x248: {  	v44 =	vld [tilespmem:s10+$0xA000];
	v16 =	vunpack.i.l.bf16.f32 v16;
	v7 =	vperm.xlane v7, v40;
	v21 =	vmul.f32 v21, v1;
	[tilespmem:s25+$0x12210] =	vst v26  }
0x249: {  	[tilespmem:s25+$0x12400] =	vst v16;
	v22 =	vmul.bf16 v22, v11;
	v26 =	vmul.f32 v38, v1;
	v28 =	vld [tilespmem:s4+$0xA010];
	v45 =	vunpack.i.l.bf16.f32 v17  }
0x24a: {  	v15 =	vpack.i.f32.bf16 v7, v7;
	v39 =	vld [tilespmem:s4+$0xC010];
	v21 =	vadd.f32 v21, v23;
	v17 =	vunpack.i.u.bf16.f32 v17;
	[tilespmem:s25+$0x12280] =	vst v45  }
0x24b: {  	v29 =	vld [tilespmem:s10+$0xC000];
	v18 =	vmul.bf16 v43, v15;
	v8 =	vadd.bf16 v22, v62;
	v20 =	vadd.f32 v26, v20;
	[tilespmem:s25+$0x12290] =	vst v17  }
0x24c: {  	v27 =	vsub.bf16 v27, v19;
	[tilespmem:s25+$0x12170] =	vst v21;
	v51 =	vld [tilespmem:s9+$0xA010]  }
0x24d: {  	v49 =	vadd.bf16 v18, v25;
	v42 =	vunpack.i.l.bf16.f32 v8;
	[tilespmem:s25+$0x12160] =	vst v20;
	v53 =	vld [tilespmem:s9+$0xC010]  }
0x24e: {  	v8 =	vunpack.i.u.bf16.f32 v8;
	v50 =	vmul.bf16 v27, v10;
	[tilespmem:s25+$0x121A0] =	vst v42;
	v56 =	vld [tilespmem:s26+$0xA040]  }
0x24f: {  	v47 =	vmov s11;
	v54 =	vunpack.i.l.bf16.f32 v49;
	[tilespmem:s25+$0x121B0] =	vst v8;
	v62 =	vld [tilespmem:s26+$0xC040];
	v16 =	vsub.bf16 v39, v28  }
0x250: {  	v17 =	vunpack.i.u.bf16.f32 v49;
	[tilespmem:s25+$0x12300] =	vst v54;
	v8 =	vperm.xlane v41, v47;
	v46 =	vld [tilespmem:s28+$0xA020];
	v18 =	vadd.bf16 v50, v19  }
0x251: {  	v55 =	vsub.bf16 v29, v44;
	[tilespmem:s25+$0x12310] =	vst v17;
	v48 =	vld [tilespmem:s28+$0xC020];
	v52 =	vmul.bf16 v16, v13  }
0x252: {  	v59 =	vld [tilespmem:s8+$0xA010];
	v16 =	vpack.i.f32.bf16 v8, v8;
	v58 =	vunpack.i.l.bf16.f32 v18  }
0x253: {  	[tilespmem:s25+$0x12410] =	vst v34;
	v61 =	vld [tilespmem:s8+$0xC010];
	v57 =	vmul.bf16 v55, v16;
	v21 =	vadd.bf16 v52, v28;
	v22 =	vsub.bf16 v53, v51  }
0x254: {  	v63 =	vld [tilespmem:s6+$0xC050];
	v18 =	vunpack.i.u.bf16.f32 v18;
	[tilespmem:s25+$0x12480] =	vst v58;
	v24 =	vsub.bf16 v62, v56  }
0x255: {  	v27 =	vld [tilespmem:s6+$0xA050];
	[tilespmem:s25+$0x12490] =	vst v18;
	v17 =	vadd.bf16 v57, v44;
	v60 =	vunpack.i.l.bf16.f32 v21;
	v22 =	vmul.bf16 v22, v14  }
0x256: {  	v41 =	vld [tilespmem:s5+$0xA050];
	v26 =	vsub.bf16 v48, v46;
	v21 =	vunpack.i.u.bf16.f32 v21;
	[tilespmem:s25+$0x12220] =	vst v60  }
0x257: {  	v30 =	vld [tilespmem:s5+$0xC050];
	v24 =	vmul.bf16 v24, v9;
	[tilespmem:s25+$0x12230] =	vst v21;
	v33 =	vunpack.i.l.bf16.f32 v17;
	v37 =	vadd.bf16 v22, v51  }
0x258: {  	v38 =	vsub.bf16 v61, v59;
	v17 =	vunpack.i.u.bf16.f32 v17;
	v34 =	vld [tilespmem:s4+$0xA020];
	[tilespmem:s25+$0x12380] =	vst v33  }
0x259: {  	v26 =	vmul.bf16 v26, v11;
	v35 =	vld [tilespmem:s4+$0xC020];
	[tilespmem:s25+$0x12390] =	vst v17;
	v19 =	vadd.bf16 v24, v56;
	v42 =	vunpack.i.l.bf16.f32 v37  }
0x25a: {  	v39 =	vld [tilespmem:s10+$0xA010];
	v18 =	vunpack.i.u.bf16.f32 v37;
	[tilespmem:s25+$0x122A0] =	vst v42  }
0x25b: {  	v20 =	vmul.bf16 v38, v15;
	v23 =	vadd.bf16 v26, v46;
	v40 =	vld [tilespmem:s10+$0xC010];
	v47 =	vunpack.i.l.bf16.f32 v19;
	[tilespmem:s25+$0x122B0] =	vst v18  }
0x25c: {  	v19 =	vunpack.i.u.bf16.f32 v19;
	[tilespmem:s25+$0x12500] =	vst v47;
	v45 =	vld [tilespmem:s9+$0xA020]  }
0x25d: {  	v44 =	vadd.bf16 v20, v59;
	v36 =	vunpack.i.l.bf16.f32 v23;
	[tilespmem:s25+$0x12510] =	vst v19;
	v46 =	vld [tilespmem:s9+$0xC020]  }
0x25e: {  	v23 =	vunpack.i.u.bf16.f32 v23;
	[tilespmem:s25+$0x121C0] =	vst v36;
	v55 =	vld [tilespmem:s26+$0xA050];
	v21 =	vsub.bf16 v35, v34  }
0x25f: {  	v48 =	vsub.bf16 v63, v27;
	v28 =	vunpack.i.l.bf16.f32 v44;
	[tilespmem:s25+$0x121D0] =	vst v23;
	v32 =	vld [tilespmem:s26+$0xC050]  }
0x260: {  	v18 =	vunpack.i.u.bf16.f32 v44;
	[tilespmem:s25+$0x12320] =	vst v28;
	v43 =	vld [tilespmem:s28+$0xA030];
	v17 =	vsub.bf16 v40, v39;
	v21 =	vmul.bf16 v21, v13  }
0x261: {  	v50 =	vsub.bf16 v30, v41;
	[tilespmem:s25+$0x12330] =	vst v18;
	v31 =	vld [tilespmem:s28+$0xC030]  }
0x262: {  	v18 =	vmul.bf16 v48, v12;
	v49 =	vld [tilespmem:s8+$0xA020];
	v17 =	vmul.bf16 v17, v16;
	v21 =	vadd.bf16 v21, v34  }
0x263: {  	v26 =	vmul.bf16 v50, v10;
	v52 =	vld [tilespmem:s8+$0xC020]  }
0x264: {  	v18 =	vadd.bf16 v18, v27;
	v17 =	vadd.bf16 v17, v39;
	v51 =	vunpack.i.l.bf16.f32 v21  }
0x265: {  	v54 =	vsub.bf16 v46, v45;
	v32 =	vsub.bf16 v32, v55;
	v21 =	vunpack.i.u.bf16.f32 v21;
	[tilespmem:s25+$0x12240] =	vst v51  }
0x266: {  	v23 =	vunpack.i.l.bf16.f32 v43;
	v56 =	vunpack.i.u.bf16.f32 v31;
	[tilespmem:s25+$0x12250] =	vst v21;
	v57 =	vunpack.i.l.bf16.f32 v17  }
0x267: {  	v31 =	vunpack.i.l.bf16.f32 v31;
	v19 =	vmul.bf16 v54, v14;
	v17 =	vunpack.i.u.bf16.f32 v17;
	[tilespmem:s25+$0x123A0] =	vst v57;
	v59 =	vld [tilespmem:s4+$0xA030]  }
0x268: {  	v53 =	vunpack.i.u.bf16.f32 v43;
	v61 =	vsub.bf16 v52, v49;
	v58 =	vsub.f32 v31, v23;
	[tilespmem:s25+$0x123B0] =	vst v17;
	v37 =	vld [tilespmem:s4+$0xC030]  }
0x269: {  	v30 =	vsub.f32 v56, v53;
	v60 =	vadd.bf16 v19, v45;
	v62 =	vld [tilespmem:s10+$0xA020]  }
0x26a: {  	v40 =	vadd.bf16 v26, v41;
	v21 =	vmul.f32 v58, v4;
	v19 =	vmul.bf16 v61, v15;
	v63 =	vld [tilespmem:s10+$0xC020]  }
0x26b: {  	v41 =	vmul.bf16 v32, v9;
	v36 =	vmul.f32 v30, v4;
	v33 =	vunpack.i.l.bf16.f32 v60  }
0x26c: {  	v21 =	vadd.f32 v21, v23;
	v17 =	vunpack.i.u.bf16.f32 v60;
	v38 =	vadd.bf16 v19, v49;
	[tilespmem:s25+$0x122C0] =	vst v33  }
0x26d: {  	v50 =	vunpack.i.l.bf16.f32 v40;
	v39 =	vunpack.i.l.bf16.f32 v18;
	v22 =	vadd.f32 v36, v53;
	[tilespmem:s25+$0x122D0] =	vst v17  }
0x26e: {  	v53 =	vadd.bf16 v41, v55;
	[tilespmem:s25+$0x121E0] =	vst v21;
	v42 =	vld [tilespmem:s9+$0xA030];
	v45 =	vunpack.i.l.bf16.f32 v38;
	v17 =	vunpack.i.u.bf16.f32 v38  }
0x26f: {  	[tilespmem:s25+$0x121F0] =	vst v22;
	v44 =	vld [tilespmem:s9+$0xC030];
	v31 =	vunpack.i.l.bf16.f32 v59;
	v47 =	vunpack.i.l.bf16.f32 v37;
	v27 =	vsub.bf16 v63, v62  }
0x270: {  	v43 =	vunpack.i.u.bf16.f32 v59;
	v46 =	vld [tilespmem:s28+$0xA040];
	[tilespmem:s25+$0x12340] =	vst v45;
	v30 =	vunpack.i.u.bf16.f32 v37;
	v32 =	vsub.f32 v47, v31  }
0x271: {  	v18 =	vunpack.i.u.bf16.f32 v18;
	v48 =	vld [tilespmem:s28+$0xC040];
	[tilespmem:s25+$0x12350] =	vst v17;
	v51 =	vsub.f32 v30, v43;
	v49 =	vmul.bf16 v27, v16  }
0x272: {  	[tilespmem:s25+$0x12430] =	vst v18;
	v36 =	vunpack.i.u.bf16.f32 v40;
	v18 =	vunpack.i.l.bf16.f32 v53;
	v52 =	vld [tilespmem:s8+$0xA030];
	v54 =	vmul.f32 v32, v5  }
0x273: {  	[tilespmem:s25+$0x12420] =	vst v39;
	v55 =	vld [tilespmem:s8+$0xC030];
	v27 =	vmul.f32 v51, v5;
	v56 =	vunpack.i.l.bf16.f32 v42;
	v17 =	vadd.bf16 v49, v62  }
0x274: {  	v20 =	vld [tilespmem:s6+$0xA060];
	v57 =	vunpack.i.l.bf16.f32 v44;
	v21 =	vunpack.i.u.bf16.f32 v42;
	v26 =	vunpack.i.u.bf16.f32 v44  }
0x275: {  	[tilespmem:s25+$0x124A0] =	vst v50;
	v34 =	vld [tilespmem:s6+$0xC060];
	v24 =	vadd.f32 v54, v31;
	v58 =	vsub.f32 v57, v56;
	v59 =	vunpack.i.l.bf16.f32 v17  }
0x276: {  	v28 =	vsub.bf16 v48, v46;
	v22 =	vadd.f32 v27, v43;
	v17 =	vunpack.i.u.bf16.f32 v17;
	[tilespmem:s25+$0x123C0] =	vst v59  }
0x277: {  	v61 =	vsub.f32 v26, v21;
	v43 =	vunpack.i.u.bf16.f32 v53;
	v62 =	vunpack.i.l.bf16.f32 v52;
	[tilespmem:s25+$0x123D0] =	vst v17  }
0x278: {  	[tilespmem:s25+$0x124B0] =	vst v36;
	v63 =	vunpack.i.l.bf16.f32 v55;
	v41 =	vunpack.i.u.bf16.f32 v52;
	v25 =	vunpack.i.u.bf16.f32 v55;
	v33 =	vld [tilespmem:s10+$0xA030]  }
0x279: {  	[tilespmem:s25+$0x12520] =	vst v18;
	v60 =	vmul.f32 v58, v6;
	v38 =	vsub.f32 v63, v62;
	v28 =	vmul.bf16 v28, v11;
	v39 =	vld [tilespmem:s10+$0xC030]  }
0x27a: {  	v40 =	vsub.bf16 v34, v20;
	[tilespmem:s25+$0x12530] =	vst v43;
	v25 =	vsub.f32 v25, v41;
	v17 =	vmul.f32 v61, v6  }
0x27b: {  	v42 =	vld [tilespmem:s5+$0xA060];
	[tilespmem:s25+$0x12260] =	vst v24;
	v37 =	vadd.f32 v60, v56;
	v27 =	vmul.f32 v38, v7;
	v28 =	vadd.bf16 v28, v46  }
0x27c: {  	v54 =	vld [tilespmem:s5+$0xC060];
	[tilespmem:s25+$0x12270] =	vst v22;
	v47 =	vmul.f32 v25, v7;
	v17 =	vadd.f32 v17, v21  }
0x27d: {  	v12 =	vmul.bf16 v40, v12;
	v44 =	vld [tilespmem:s4+$0xA040];
	[tilespmem:s25+$0x122E0] =	vst v37;
	v45 =	vadd.f32 v27, v62;
	v56 =	vunpack.i.l.bf16.f32 v28  }
0x27e: {  	v46 =	vld [tilespmem:s4+$0xC040];
	[tilespmem:s25+$0x122F0] =	vst v17;
	v17 =	vadd.f32 v47, v41;
	v48 =	vunpack.i.l.bf16.f32 v33;
	v49 =	vunpack.i.l.bf16.f32 v39  }
0x27f: {  	v55 =	vld [tilespmem:s26+$0xA060];
	[tilespmem:s25+$0x12580] =	vst v56;
	v51 =	vunpack.i.u.bf16.f32 v33;
	v31 =	vunpack.i.u.bf16.f32 v39;
	v27 =	vsub.f32 v49, v48  }
0x280: {  	v12 =	vadd.bf16 v12, v20;
	v50 =	vld [tilespmem:s9+$0xA040];
	[tilespmem:s25+$0x12360] =	vst v45;
	v53 =	vsub.f32 v31, v51  }
0x281: {  	v23 =	vsub.bf16 v54, v42;
	v57 =	vunpack.i.u.bf16.f32 v28;
	v52 =	vld [tilespmem:s9+$0xC040];
	[tilespmem:s25+$0x12370] =	vst v17;
	v27 =	vmul.f32 v27, v8  }
0x282: {  	v62 =	vunpack.i.l.bf16.f32 v12;
	v12 =	vunpack.i.u.bf16.f32 v12;
	[tilespmem:s25+$0x12590] =	vst v57;
	v58 =	vld [tilespmem:s8+$0xA040];
	v24 =	vmul.f32 v53, v8  }
0x283: {  	[tilespmem:s25+$0x12440] =	vst v62;
	v10 =	vmul.bf16 v23, v10;
	v26 =	vsub.bf16 v46, v44;
	v59 =	vld [tilespmem:s8+$0xC040];
	v25 =	vadd.f32 v27, v48  }
0x284: {  	[tilespmem:s25+$0x12450] =	vst v12;
	v60 =	vld [tilespmem:s28+$0xA050];
	v24 =	vadd.f32 v24, v51  }
0x285: {  	v61 =	vld [tilespmem:s28+$0xC050];
	v10 =	vadd.bf16 v10, v42;
	v26 =	vmul.bf16 v26, v13;
	[tilespmem:s25+$0x123E0] =	vst v25  }
0x286: {  	v35 =	vld [tilespmem:s6+$0xA070];
	v21 =	vsub.bf16 v52, v50;
	[tilespmem:s25+$0x123F0] =	vst v24  }
0x287: {  	v39 =	vunpack.i.l.bf16.f32 v10;
	v26 =	vadd.bf16 v26, v44;
	v63 =	vld [tilespmem:s10+$0xA040]  }
0x288: {  	v10 =	vunpack.i.u.bf16.f32 v10;
	[tilespmem:s25+$0x124C0] =	vst v39;
	v21 =	vmul.bf16 v21, v14;
	v17 =	vsub.bf16 v59, v58;
	v32 =	vld [tilespmem:s10+$0xC040]  }
0x289: {  	v33 =	vld [tilespmem:s26+$0xC060];
	[tilespmem:s25+$0x124D0] =	vst v10;
	v34 =	vunpack.i.l.bf16.f32 v26;
	v36 =	vunpack.i.u.bf16.f32 v26  }
0x28a: {  	v37 =	vld [tilespmem:s6+$0xC070];
	[tilespmem:s25+$0x12600] =	vst v34;
	v25 =	vsub.bf16 v61, v60;
	v18 =	vadd.bf16 v21, v50;
	v17 =	vmul.bf16 v17, v15  }
0x28b: {  	v48 =	vld [tilespmem:s5+$0xC070];
	[tilespmem:s25+$0x12610] =	vst v36  }
0x28c: {  	v40 =	vld [tilespmem:s4+$0xA050];
	v41 =	vmul.bf16 v25, v11;
	v38 =	vunpack.i.l.bf16.f32 v18;
	v17 =	vadd.bf16 v17, v58  }
0x28d: {  	v42 =	vld [tilespmem:s4+$0xC050];
	v18 =	vunpack.i.u.bf16.f32 v18;
	[tilespmem:s25+$0x12680] =	vst v38;
	v43 =	vsub.bf16 v32, v63  }
0x28e: {  	v12 =	vsub.bf16 v33, v55;
	v26 =	vld [tilespmem:s5+$0xA070];
	[tilespmem:s25+$0x12690] =	vst v18;
	v45 =	vadd.bf16 v41, v60;
	v47 =	vunpack.i.l.bf16.f32 v17  }
0x28f: {  	v44 =	vld [tilespmem:s9+$0xA050];
	v17 =	vunpack.i.u.bf16.f32 v17;
	[tilespmem:s25+$0x12700] =	vst v47;
	v18 =	vmul.bf16 v43, v16  }
0x290: {  	v9 =	vmul.bf16 v12, v9;
	v46 =	vld [tilespmem:s9+$0xC050];
	v49 =	vunpack.i.l.bf16.f32 v45;
	[tilespmem:s25+$0x12710] =	vst v17  }
0x291: {  	v10 =	vunpack.i.u.bf16.f32 v45;
	[tilespmem:s25+$0x125A0] =	vst v49;
	v53 =	vld [tilespmem:s8+$0xA050];
	v50 =	vadd.bf16 v18, v63  }
0x292: {  	v9 =	vadd.bf16 v9, v55;
	v52 =	vsub.bf16 v42, v40;
	[tilespmem:s25+$0x125B0] =	vst v10;
	v55 =	vld [tilespmem:s8+$0xC050]  }
0x293: {  	v54 =	vunpack.i.l.bf16.f32 v37;
	v57 =	vld [tilespmem:s28+$0xA060];
	v56 =	vunpack.i.l.bf16.f32 v50  }
0x294: {  	v51 =	vunpack.i.l.bf16.f32 v35;
	v12 =	vmul.bf16 v52, v13;
	v61 =	vld [tilespmem:s28+$0xC060];
	v17 =	vunpack.i.u.bf16.f32 v50;
	[tilespmem:s25+$0x12780] =	vst v56  }
0x295: {  	v59 =	vunpack.i.u.bf16.f32 v37;
	v58 =	vunpack.i.u.bf16.f32 v35;
	v60 =	vsub.f32 v54, v51;
	[tilespmem:s25+$0x12790] =	vst v17  }
0x296: {  	v22 =	vunpack.i.u.bf16.f32 v48;
	v20 =	vsub.bf16 v46, v44;
	v12 =	vadd.bf16 v12, v40;
	v63 =	vld [tilespmem:s10+$0xA050]  }
0x297: {  	v62 =	vunpack.i.l.bf16.f32 v9;
	v21 =	vsub.f32 v59, v58;
	v9 =	vunpack.i.u.bf16.f32 v9;
	v31 =	vld [tilespmem:s10+$0xC050]  }
0x298: {  	v20 =	vmul.bf16 v20, v14;
	v32 =	vunpack.i.l.bf16.f32 v12;
	v10 =	vsub.bf16 v55, v53  }
0x299: {  	v37 =	vunpack.i.l.bf16.f32 v26;
	v12 =	vunpack.i.u.bf16.f32 v12;
	[tilespmem:s25+$0x12620] =	vst v32;
	v35 =	vsub.bf16 v61, v57  }
0x29a: {  	v38 =	vunpack.i.l.bf16.f32 v48;
	[tilespmem:s25+$0x12630] =	vst v12;
	v20 =	vadd.bf16 v20, v44;
	v10 =	vmul.bf16 v10, v15  }
0x29b: {  	[tilespmem:s25+$0x12540] =	vst v62;
	v41 =	vsub.f32 v38, v37;
	v24 =	vmul.f32 v60, v3;
	v39 =	vld [tilespmem:s4+$0xA060];
	v11 =	vmul.bf16 v35, v11  }
0x29c: {  	[tilespmem:s25+$0x12550] =	vst v9;
	v40 =	vld [tilespmem:s4+$0xC060];
	v36 =	vunpack.i.l.bf16.f32 v20;
	v10 =	vadd.bf16 v10, v53;
	v17 =	vsub.bf16 v31, v63  }
0x29d: {  	v3 =	vmul.f32 v21, v3;
	v33 =	vld [tilespmem:s26+$0xA070];
	v19 =	vmul.f32 v41, v2;
	v20 =	vunpack.i.u.bf16.f32 v20;
	[tilespmem:s25+$0x126A0] =	vst v36  }
0x29e: {  	v34 =	vld [tilespmem:s26+$0xC070];
	[tilespmem:s25+$0x126B0] =	vst v20;
	v11 =	vadd.bf16 v11, v57;
	v43 =	vunpack.i.l.bf16.f32 v10;
	v17 =	vmul.bf16 v17, v16  }
0x29f: {  	v26 =	vunpack.i.u.bf16.f32 v26;
	v3 =	vadd.f32 v3, v58;
	v20 =	vld [tilespmem:s9+$0xA060];
	v10 =	vunpack.i.u.bf16.f32 v10;
	[tilespmem:s25+$0x12720] =	vst v43  }
0x2a0: {  	v19 =	vadd.f32 v19, v37;
	v42 =	vld [tilespmem:s9+$0xC060];
	v44 =	vunpack.i.l.bf16.f32 v11;
	[tilespmem:s25+$0x12730] =	vst v10;
	v45 =	vadd.bf16 v17, v63  }
0x2a1: {  	v18 =	vadd.f32 v24, v51;
	v11 =	vunpack.i.u.bf16.f32 v11;
	v47 =	vsub.bf16 v40, v39;
	[tilespmem:s25+$0x125C0] =	vst v44;
	v48 =	vld [tilespmem:s8+$0xA060]  }
0x2a2: {  	v46 =	vsub.f32 v22, v26;
	v49 =	vunpack.i.l.bf16.f32 v33;
	[tilespmem:s25+$0x125D0] =	vst v11;
	v51 =	vld [tilespmem:s8+$0xC060];
	v29 =	vunpack.i.l.bf16.f32 v45  }
0x2a3: {  	v50 =	vunpack.i.l.bf16.f32 v34;
	v13 =	vmul.bf16 v47, v13;
	v52 =	vld [tilespmem:s28+$0xA070];
	v10 =	vunpack.i.u.bf16.f32 v45;
	[tilespmem:s25+$0x127A0] =	vst v29  }
0x2a4: {  	v9 =	vunpack.i.u.bf16.f32 v34;
	v2 =	vmul.f32 v46, v2;
	v54 =	vsub.f32 v50, v49;
	v53 =	vld [tilespmem:s28+$0xC070];
	[tilespmem:s25+$0x127B0] =	vst v10  }
0x2a5: {  	v57 =	vunpack.i.u.bf16.f32 v33;
	v25 =	vsub.bf16 v42, v20;
	v12 =	vadd.bf16 v13, v39;
	v56 =	vld [tilespmem:s10+$0xA060]  }
0x2a6: {  	v2 =	vadd.f32 v2, v26;
	v9 =	vsub.f32 v9, v57;
	v58 =	vld [tilespmem:s10+$0xC060]  }
0x2a7: {  	v55 =	vmul.bf16 v25, v14;
	v59 =	vunpack.i.l.bf16.f32 v12;
	v11 =	vsub.bf16 v51, v48  }
0x2a8: {  	v12 =	vunpack.i.u.bf16.f32 v12;
	v10 =	vmul.f32 v54, v1;
	[tilespmem:s25+$0x12640] =	vst v59;
	v1 =	vmul.f32 v9, v1  }
0x2a9: {  	[tilespmem:s25+$0x12650] =	vst v12;
	v61 =	vunpack.i.l.bf16.f32 v52;
	v28 =	vunpack.i.l.bf16.f32 v53;
	v13 =	vadd.bf16 v55, v20  }
0x2aa: {  	v31 =	vunpack.i.u.bf16.f32 v52;
	v32 =	vunpack.i.u.bf16.f32 v53;
	v11 =	vmul.bf16 v11, v15;
	v62 =	vld [tilespmem:s4+$0xA070]  }
0x2ab: {  	v63 =	vld [tilespmem:s4+$0xC070];
	v20 =	vsub.f32 v28, v61;
	v60 =	vunpack.i.l.bf16.f32 v13;
	v30 =	vsub.bf16 v58, v56  }
0x2ac: {  	v22 =	vsub.f32 v32, v31;
	v13 =	vunpack.i.u.bf16.f32 v13;
	v11 =	vadd.bf16 v11, v48;
	[tilespmem:s25+$0x126C0] =	vst v60  }
0x2ad: {  	v10 =	vadd.f32 v10, v49;
	v1 =	vadd.f32 v1, v57;
	[tilespmem:s25+$0x126D0] =	vst v13;
	v13 =	vmul.bf16 v30, v16  }
0x2ae: {  	v36 =	vmul.f32 v20, v4;
	v4 =	vmul.f32 v22, v4;
	v33 =	vld [tilespmem:s9+$0xA070];
	v35 =	vunpack.i.l.bf16.f32 v11  }
0x2af: {  	v34 =	vld [tilespmem:s9+$0xC070];
	v11 =	vunpack.i.u.bf16.f32 v11;
	[tilespmem:s25+$0x12740] =	vst v35;
	v37 =	vunpack.i.u.bf16.f32 v62;
	v38 =	vadd.bf16 v13, v56  }
0x2b0: {  	[tilespmem:s25+$0x12750] =	vst v11;
	v39 =	vunpack.i.l.bf16.f32 v62;
	v40 =	vunpack.i.u.bf16.f32 v63;
	v12 =	vunpack.i.l.bf16.f32 v63  }
0x2b1: {  	[tilespmem:s25+$0x12470] =	vst v3;
	v41 =	vld [tilespmem:s8+$0xA070];
	v12 =	vsub.f32 v12, v39;
	v14 =	vsub.f32 v40, v37;
	v43 =	vunpack.i.l.bf16.f32 v38  }
0x2b2: {  	v9 =	vadd.f32 v36, v61;
	v3 =	vadd.f32 v4, v31;
	v42 =	vld [tilespmem:s8+$0xC070];
	v11 =	vunpack.i.u.bf16.f32 v38;
	[tilespmem:s25+$0x127C0] =	vst v43  }
0x2b3: {  	v47 =	vmul.f32 v12, v5;
	v5 =	vmul.f32 v14, v5;
	v44 =	vunpack.i.l.bf16.f32 v33;
	[tilespmem:s25+$0x127D0] =	vst v11  }
0x2b4: {  	[tilespmem:s25+$0x124E0] =	vst v19;
	v45 =	vunpack.i.l.bf16.f32 v34;
	v49 =	vunpack.i.u.bf16.f32 v33;
	v50 =	vunpack.i.u.bf16.f32 v34;
	v48 =	vld [tilespmem:s10+$0xA070]  }
0x2b5: {  	[tilespmem:s25+$0x124F0] =	vst v2;
	v46 =	vsub.f32 v45, v44;
	v2 =	vsub.f32 v50, v49;
	v51 =	vld [tilespmem:s10+$0xC070]  }
0x2b6: {  	[tilespmem:s25+$0x12570] =	vst v1;
	v4 =	vadd.f32 v47, v39;
	v1 =	vadd.f32 v5, v37  }
0x2b7: {  	[tilespmem:s25+$0x12460] =	vst v18;
	v52 =	vunpack.i.l.bf16.f32 v41;
	v53 =	vunpack.i.l.bf16.f32 v42;
	v11 =	vmul.f32 v46, v6  }
0x2b8: {  	[tilespmem:s25+$0x12560] =	vst v10;
	v56 =	vunpack.i.u.bf16.f32 v41;
	v57 =	vunpack.i.u.bf16.f32 v42;
	v54 =	vsub.f32 v53, v52  }
0x2b9: {  	[tilespmem:s25+$0x125F0] =	vst v3;
	v2 =	vmul.f32 v2, v6;
	v3 =	vsub.f32 v57, v56;
	v55 =	vadd.f32 v11, v44  }
0x2ba: {  	[tilespmem:s25+$0x125E0] =	vst v9;
	v10 =	vmul.f32 v54, v7;
	v58 =	vunpack.i.l.bf16.f32 v48;
	v59 =	vunpack.i.l.bf16.f32 v51  }
0x2bb: {  	[tilespmem:s25+$0x12660] =	vst v4;
	v60 =	vunpack.i.u.bf16.f32 v48;
	v61 =	vunpack.i.u.bf16.f32 v51;
	v11 =	vsub.f32 v59, v58  }
0x2bc: {  	[tilespmem:s25+$0x12670] =	vst v1;
	v1 =	vadd.f32 v2, v49;
	v2 =	vmul.f32 v3, v7;
	v3 =	vsub.f32 v61, v60  }
0x2bd: {  	p1 =	slt.u32 s24, $0x38;
	[tilespmem:s25+$0x126E0] =	vst v55;
	v62 =	vadd.f32 v10, v52;
	v63 =	vmul.f32 v11, v8  }
.Ltmp3:
0x2be: {  	[tilespmem:s25+$0x126F0] =	vst v1;
	v1 =	vadd.f32 v2, v56;
	v2 =	vmul.f32 v3, v8;
	(pc) =	sbr.rel @p1 .LBB2_9-.Ltmp3, $4  }
0x2bf: {  	[tilespmem:s25+$0x12760] =	vst v62;
	v3 =	vadd.f32 v63, v58  }
0x2c0: {  	[tilespmem:s25+$0x12770] =	vst v1;
	v1 =	vadd.f32 v2, v60  }
0x2c1: {  	s28 =	sadd.s32 $0x8, s24;
	[tilespmem:s25+$0x127E0] =	vst v3  }
0x2c2: {  	s24 =	smov.u32 s28;
	[tilespmem:s25+$0x127F0] =	vst v1  }
0x2c3: {  	s4 =	sshll.u32 s23, $0xB  }
0x2c4: {  	s4 =	sadd.s32 s4, s7  }
0x2c5: {  	[hbm4b:s4+s3] =	stream.linear.scatter [tilespmem:s31], [sflag:$0x9], $0x4000, $0x38;
	[tilespmem:$0x1C000] =	vst v63  }
0x2c6: {  	s5 =	simm.s32 @!p0 $0x40;
	s6 =	simm.s32 @!p0 $0xA000;
	s4 =	sadd.s32 @!p0 $0x980, s20  }
0x2c7: {  	[tilespmem:s6], [sflag:$0x5] =	stream.indirect.gather @!p0 [spmem:s1], $0x80, s4, s5, $0xb8;
	[tilespmem:$0x1C000] =	vst v63  }
0x2c8: {  	s4 =	sadd.s32 @!p0 $0x1180, s20;
	s6 =	simm.s32 @!p0 $0xC000  }
0x2c9: {  	[tilespmem:s6], [sflag:$0x6] =	stream.indirect.gather @!p0 [spmem:s1], $0x80, s4, s5, $0xb8;
	[tilespmem:$0x1C000] =	vst v63  }
0x2ca: {  	_ =	swait.ge [sflag:s16], $0x2000  }
0x2cb: {  	s21 =	sor.u32 $0x3, s21;
	[sflag:s16] =	ssyncset.done $0x0  }
0x2cc: {  	s28 =	sshll.u32 s21, $0x6;
	[sflag:s16] =	ssyncadd.s32 $0xFFFFE000  }
0x2cd: {  	s4 =	sand.u32 $0x3FFFFFC0, s28;
	_ =	swait.ge [sflag:s17], $0x2000  }
0x2ce: {  	s4 =	sadd.s32 $0x1800, s4;
	[sflag:s17] =	ssyncset.done $0x0  }
0x2cf: {  	v0 =	vmov s4;
	[sflag:s17] =	ssyncadd.s32 $0xFFFFE000  }
0x2d0: {  	_ =	swait.ge [sflag:s18], $0x4000  }
0x2d1: {  	[sflag:s18] =	ssyncset.done $0x0  }
0x2d2: {  	s23 =	simm.s32 $0x0;
	[sflag:s18] =	ssyncadd.s32 $0xFFFFC000  }
.LBB2_11:
0x2d3: {  	s10 =	sand.u32 $0x30, s23  }
0x2d4: {  	s6 =	sshll.u32 s23, $0x7;
	v7 =	vld.idx.msk [tilespmem:v0+s10+$0x0 ss:$0x1], $0xffff  }
0x2d5: {  	v1 =	vld [tilespmem:s6+$0xE000]  }
0x2d6: {  	v2 =	vld [tilespmem:s6+$0x10000];
	_ =	sdelay $0x1  }
0x2d7: {  	s4 =	sand.u32 $0x8, s23  }
0x2d8: {  	v3 =	vmov s4  }
0x2d9: {  	v3 =	vperm.xlane v7, v3  }
0x2da: {  	v2 =	vsub.bf16 v2, v1  }
0x2db: {  	v12 =	vpack.i.f32.bf16 v3, v3  }
0x2dc: {  	v2 =	vmul.bf16 v2, v12;
	_ =	sdelay $0x1  }
0x2dd: {  	v1 =	vadd.bf16 v2, v1  }
0x2de: {  	s25 =	sshll.u32 s23, $0x8;
	s8 =	sor.u32 $0x1, s23  }
0x2df: {  	s24 =	sand.u32 $0x3FFFFF00, s25;
	s5 =	sshll.u32 s8, $0x7;
	v2 =	vunpack.i.l.bf16.f32 v1  }
0x2e0: {  	v4 =	vld [tilespmem:s5+$0xE000];
	v1 =	vunpack.i.u.bf16.f32 v1;
	[tilespmem:s24+$0x16000] =	vst v2  }
0x2e1: {  	[tilespmem:s24+$0x16010] =	vst v1;
	v1 =	vld [tilespmem:s5+$0x10000]  }
0x2e2: {  	v5 =	vld [tilespmem:s6+$0xE010]  }
0x2e3: {  	s26 =	sand.u32 $0x9, s8;
	v6 =	vld [tilespmem:s6+$0x10010]  }
0x2e4: {  	v2 =	vmov s26  }
0x2e5: {  	v2 =	vperm.xlane v7, v2  }
0x2e6: {  	s28 =	sor.u32 $0x2, s23;
	v1 =	vsub.bf16 v1, v4  }
0x2e7: {  	s25 =	sshll.u32 s28, $0x7;
	v10 =	vpack.i.f32.bf16 v2, v2  }
0x2e8: {  	v8 =	vld [tilespmem:s25+$0xE000];
	v6 =	vsub.bf16 v6, v5;
	v1 =	vmul.bf16 v1, v10  }
0x2e9: {  	v9 =	vld [tilespmem:s25+$0x10000]  }
0x2ea: {  	v6 =	vmul.bf16 v6, v12;
	v1 =	vadd.bf16 v1, v4  }
0x2eb: {  	s4 =	sand.u32 $0xA, s28  }
0x2ec: {  	v27 =	vmov s4;
	v25 =	vadd.bf16 v6, v5;
	v26 =	vunpack.i.l.bf16.f32 v1  }
0x2ed: {  	v11 =	vunpack.i.u.bf16.f32 v1;
	v1 =	vperm.xlane v7, v27;
	[tilespmem:s24+$0x16080] =	vst v26  }
0x2ee: {  	v29 =	vsub.bf16 v9, v8;
	v28 =	vunpack.i.l.bf16.f32 v25;
	[tilespmem:s24+$0x16090] =	vst v11  }
0x2ef: {  	v4 =	vunpack.i.u.bf16.f32 v25;
	[tilespmem:s24+$0x16020] =	vst v28;
	v30 =	vld [tilespmem:s5+$0xE010];
	v9 =	vpack.i.f32.bf16 v1, v1  }
0x2f0: {  	[tilespmem:s24+$0x16030] =	vst v4;
	v31 =	vld [tilespmem:s5+$0x10010];
	v6 =	vmul.bf16 v29, v9  }
0x2f1: {  	v32 =	vld [tilespmem:s6+$0xE020]  }
0x2f2: {  	v13 =	vld [tilespmem:s6+$0x10020];
	v6 =	vadd.bf16 v6, v8;
	_ =	sdelay $0x1  }
0x2f3: {  	v8 =	vunpack.i.l.bf16.f32 v6  }
0x2f4: {  	v4 =	vsub.bf16 v31, v30;
	v6 =	vunpack.i.u.bf16.f32 v6;
	[tilespmem:s24+$0x16100] =	vst v8  }
0x2f5: {  	[tilespmem:s24+$0x16110] =	vst v6  }
0x2f6: {  	v33 =	vsub.bf16 v13, v32;
	v4 =	vmul.bf16 v4, v10;
	v8 =	vld [tilespmem:s25+$0xE010]  }
0x2f7: {  	v34 =	vld [tilespmem:s25+$0x10010]  }
0x2f8: {  	v6 =	vmul.bf16 v33, v12;
	v4 =	vadd.bf16 v4, v30;
	_ =	sdelay $0x1  }
0x2f9: {  	v35 =	vadd.bf16 v6, v32;
	v36 =	vunpack.i.l.bf16.f32 v4  }
0x2fa: {  	v4 =	vunpack.i.u.bf16.f32 v4;
	[tilespmem:s24+$0x160A0] =	vst v36  }
0x2fb: {  	v37 =	vunpack.i.l.bf16.f32 v35;
	[tilespmem:s24+$0x160B0] =	vst v4;
	v38 =	vsub.bf16 v34, v8  }
0x2fc: {  	v5 =	vunpack.i.u.bf16.f32 v35;
	[tilespmem:s24+$0x16040] =	vst v37;
	v39 =	vld [tilespmem:s5+$0xE020]  }
0x2fd: {  	[tilespmem:s24+$0x16050] =	vst v5;
	v40 =	vld [tilespmem:s5+$0x10020];
	v4 =	vmul.bf16 v38, v9  }
0x2fe: {  	v41 =	vld [tilespmem:s6+$0xE030]  }
0x2ff: {  	v42 =	vld [tilespmem:s6+$0x10030];
	v4 =	vadd.bf16 v4, v8;
	_ =	sdelay $0x1  }
0x300: {  	v8 =	vunpack.i.l.bf16.f32 v4  }
0x301: {  	v5 =	vsub.bf16 v40, v39;
	v4 =	vunpack.i.u.bf16.f32 v4;
	[tilespmem:s24+$0x16120] =	vst v8  }
0x302: {  	[tilespmem:s24+$0x16130] =	vst v4  }
0x303: {  	v43 =	vunpack.i.l.bf16.f32 v41;
	v44 =	vunpack.i.l.bf16.f32 v42;
	v5 =	vmul.bf16 v5, v10;
	v14 =	vld [tilespmem:s25+$0xE020]  }
0x304: {  	s8 =	sor.u32 $0x3, s23;
	v11 =	vunpack.i.u.bf16.f32 v41;
	v13 =	vunpack.i.u.bf16.f32 v42;
	v8 =	vsub.f32 v44, v43;
	v15 =	vld [tilespmem:s25+$0x10020]  }
0x305: {  	s26 =	sshll.u32 s8, $0x7;
	v13 =	vsub.f32 v13, v11;
	v5 =	vadd.bf16 v5, v39  }
0x306: {  	v45 =	vld [tilespmem:s26+$0xE000];
	v8 =	vmul.f32 v8, v3  }
0x307: {  	s9 =	sor.u32 $0x4, s23;
	s4 =	sand.u32 $0xB, s8;
	v16 =	vld [tilespmem:s26+$0x10000];
	v13 =	vmul.f32 v13, v3;
	v17 =	vunpack.i.l.bf16.f32 v5  }
0x308: {  	v48 =	vmov s4;
	s4 =	sshll.u32 s9, $0x7;
	v4 =	vadd.f32 v8, v43;
	v5 =	vunpack.i.u.bf16.f32 v5;
	[tilespmem:s24+$0x160C0] =	vst v17  }
0x309: {  	v55 =	vld [tilespmem:s4+$0xE000];
	v46 =	vadd.f32 v13, v11;
	[tilespmem:s24+$0x160D0] =	vst v5;
	v47 =	vsub.bf16 v15, v14  }
0x30a: {  	[tilespmem:s24+$0x16060] =	vst v4;
	v49 =	vld [tilespmem:s5+$0xE030]  }
0x30b: {  	v4 =	vperm.xlane v7, v48;
	[tilespmem:s24+$0x16070] =	vst v46;
	v50 =	vld [tilespmem:s5+$0x10030];
	v5 =	vmul.bf16 v47, v9  }
0x30c: {  	v51 =	vsub.bf16 v16, v45;
	v52 =	vld [tilespmem:s6+$0xE040]  }
0x30d: {  	s11 =	sor.u32 $0x5, s23;
	s8 =	sand.u32 $0xC, s9;
	v53 =	vld [tilespmem:s6+$0x10040];
	v11 =	vpack.i.f32.bf16 v4, v4;
	v5 =	vadd.bf16 v5, v14  }
0x30e: {  	v56 =	vld [tilespmem:s4+$0x10000];
	s9 =	sshll.u32 s11, $0x7;
	v60 =	vmov s8;
	s8 =	sand.u32 $0xD, s11;
	v54 =	vmul.bf16 v51, v11  }
0x30f: {  	v63 =	vld [tilespmem:s9+$0xE000];
	s11 =	sor.u32 $0x6, s23;
	v35 =	vmov s8;
	v18 =	vunpack.i.u.bf16.f32 v49;
	v19 =	vunpack.i.l.bf16.f32 v5  }
0x310: {  	v32 =	vld [tilespmem:s9+$0x10000];
	s8 =	sshll.u32 s11, $0x7;
	v6 =	vadd.bf16 v54, v45;
	v13 =	vunpack.i.l.bf16.f32 v49;
	v8 =	vunpack.i.u.bf16.f32 v50  }
0x311: {  	v25 =	vld [tilespmem:s8+$0xE000];
	v20 =	vunpack.i.l.bf16.f32 v50;
	v5 =	vunpack.i.u.bf16.f32 v5;
	[tilespmem:s24+$0x16140] =	vst v19;
	v8 =	vsub.f32 v8, v18  }
0x312: {  	v36 =	vld [tilespmem:s8+$0x10000];
	v57 =	vsub.f32 v20, v13;
	[tilespmem:s24+$0x16150] =	vst v5;
	v17 =	vsub.bf16 v53, v52  }
0x313: {  	v5 =	vperm.xlane v7, v60;
	v58 =	vunpack.i.l.bf16.f32 v6;
	v59 =	vld [tilespmem:s25+$0xE030];
	v61 =	vmul.f32 v8, v2  }
0x314: {  	s11 =	sand.u32 $0xE, s11;
	v6 =	vunpack.i.u.bf16.f32 v6;
	[tilespmem:s24+$0x16180] =	vst v58;
	v19 =	vmul.f32 v57, v2;
	v17 =	vmul.bf16 v17, v12  }
0x315: {  	v40 =	vmov s11;
	v14 =	vsub.bf16 v56, v55;
	v21 =	vld [tilespmem:s25+$0x10030];
	[tilespmem:s24+$0x16190] =	vst v6;
	v6 =	vadd.f32 v61, v18  }
0x316: {  	v62 =	vld [tilespmem:s26+$0xE010];
	v19 =	vadd.f32 v19, v13;
	v13 =	vpack.i.f32.bf16 v5, v5;
	v16 =	vadd.bf16 v17, v52  }
0x317: {  	v43 =	vsub.bf16 v36, v25;
	v22 =	vld [tilespmem:s26+$0x10010];
	v14 =	vmul.bf16 v14, v13;
	[tilespmem:s24+$0x160F0] =	vst v6;
	v6 =	vperm.xlane v7, v35  }
0x318: {  	v17 =	vsub.bf16 v32, v63;
	v34 =	vunpack.i.u.bf16.f32 v16;
	v23 =	vunpack.i.u.bf16.f32 v59  }
0x319: {  	v20 =	vunpack.i.l.bf16.f32 v59;
	v33 =	vadd.bf16 v14, v55;
	v14 =	vpack.i.f32.bf16 v6, v6  }
0x31a: {  	v41 =	vld.idx.msk [tilespmem:v0+s10+$0x0 ss:$0x1], $0xffff;
	[tilespmem:s24+$0x160E0] =	vst v19;
	v37 =	vunpack.i.l.bf16.f32 v21;
	v21 =	vunpack.i.u.bf16.f32 v21;
	v17 =	vmul.bf16 v17, v14  }
0x31b: {  	s11 =	sor.u32 $0x7, s23;
	v19 =	vld [tilespmem:s5+$0xE040];
	v38 =	vsub.f32 v37, v20;
	v21 =	vsub.f32 v21, v23;
	v24 =	vunpack.i.l.bf16.f32 v33  }
0x31c: {  	s28 =	sshll.u32 s11, $0x7;
	v27 =	vld [tilespmem:s5+$0x10040];
	v22 =	vsub.bf16 v22, v62;
	v26 =	vunpack.i.u.bf16.f32 v33;
	[tilespmem:s24+$0x16200] =	vst v24;
	v17 =	vadd.bf16 v17, v63  }
0x31d: {  	v44 =	vld [tilespmem:s28+$0xE000];
	v16 =	vunpack.i.l.bf16.f32 v16;
	v7 =	vperm.xlane v7, v40;
	v21 =	vmul.f32 v21, v1;
	[tilespmem:s24+$0x16210] =	vst v26  }
0x31e: {  	[tilespmem:s24+$0x16400] =	vst v16;
	v22 =	vmul.bf16 v22, v11;
	v26 =	vmul.f32 v38, v1;
	v28 =	vld [tilespmem:s4+$0xE010];
	v45 =	vunpack.i.l.bf16.f32 v17  }
0x31f: {  	v15 =	vpack.i.f32.bf16 v7, v7;
	v39 =	vld [tilespmem:s4+$0x10010];
	v21 =	vadd.f32 v21, v23;
	v17 =	vunpack.i.u.bf16.f32 v17;
	[tilespmem:s24+$0x16280] =	vst v45  }
0x320: {  	v29 =	vld [tilespmem:s28+$0x10000];
	v18 =	vmul.bf16 v43, v15;
	v8 =	vadd.bf16 v22, v62;
	v20 =	vadd.f32 v26, v20;
	[tilespmem:s24+$0x16290] =	vst v17  }
0x321: {  	v27 =	vsub.bf16 v27, v19;
	[tilespmem:s24+$0x16170] =	vst v21;
	v51 =	vld [tilespmem:s9+$0xE010]  }
0x322: {  	v49 =	vadd.bf16 v18, v25;
	v42 =	vunpack.i.l.bf16.f32 v8;
	[tilespmem:s24+$0x16160] =	vst v20;
	v53 =	vld [tilespmem:s9+$0x10010]  }
0x323: {  	v8 =	vunpack.i.u.bf16.f32 v8;
	v50 =	vmul.bf16 v27, v10;
	[tilespmem:s24+$0x161A0] =	vst v42;
	v56 =	vld [tilespmem:s25+$0xE040]  }
0x324: {  	v47 =	vmov s11;
	v54 =	vunpack.i.l.bf16.f32 v49;
	[tilespmem:s24+$0x161B0] =	vst v8;
	v62 =	vld [tilespmem:s25+$0x10040];
	v16 =	vsub.bf16 v39, v28  }
0x325: {  	v17 =	vunpack.i.u.bf16.f32 v49;
	[tilespmem:s24+$0x16300] =	vst v54;
	v8 =	vperm.xlane v41, v47;
	v46 =	vld [tilespmem:s26+$0xE020];
	v18 =	vadd.bf16 v50, v19  }
0x326: {  	v55 =	vsub.bf16 v29, v44;
	[tilespmem:s24+$0x16310] =	vst v17;
	v48 =	vld [tilespmem:s26+$0x10020];
	v52 =	vmul.bf16 v16, v13  }
0x327: {  	v59 =	vld [tilespmem:s8+$0xE010];
	v16 =	vpack.i.f32.bf16 v8, v8;
	v58 =	vunpack.i.l.bf16.f32 v18  }
0x328: {  	[tilespmem:s24+$0x16410] =	vst v34;
	v61 =	vld [tilespmem:s8+$0x10010];
	v57 =	vmul.bf16 v55, v16;
	v21 =	vadd.bf16 v52, v28;
	v22 =	vsub.bf16 v53, v51  }
0x329: {  	v63 =	vld [tilespmem:s6+$0x10050];
	v18 =	vunpack.i.u.bf16.f32 v18;
	[tilespmem:s24+$0x16480] =	vst v58;
	v24 =	vsub.bf16 v62, v56  }
0x32a: {  	v27 =	vld [tilespmem:s6+$0xE050];
	[tilespmem:s24+$0x16490] =	vst v18;
	v17 =	vadd.bf16 v57, v44;
	v60 =	vunpack.i.l.bf16.f32 v21;
	v22 =	vmul.bf16 v22, v14  }
0x32b: {  	v41 =	vld [tilespmem:s5+$0xE050];
	v26 =	vsub.bf16 v48, v46;
	v21 =	vunpack.i.u.bf16.f32 v21;
	[tilespmem:s24+$0x16220] =	vst v60  }
0x32c: {  	v30 =	vld [tilespmem:s5+$0x10050];
	v24 =	vmul.bf16 v24, v9;
	[tilespmem:s24+$0x16230] =	vst v21;
	v33 =	vunpack.i.l.bf16.f32 v17;
	v37 =	vadd.bf16 v22, v51  }
0x32d: {  	v38 =	vsub.bf16 v61, v59;
	v17 =	vunpack.i.u.bf16.f32 v17;
	v34 =	vld [tilespmem:s4+$0xE020];
	[tilespmem:s24+$0x16380] =	vst v33  }
0x32e: {  	v26 =	vmul.bf16 v26, v11;
	v35 =	vld [tilespmem:s4+$0x10020];
	[tilespmem:s24+$0x16390] =	vst v17;
	v19 =	vadd.bf16 v24, v56;
	v42 =	vunpack.i.l.bf16.f32 v37  }
0x32f: {  	v39 =	vld [tilespmem:s28+$0xE010];
	v18 =	vunpack.i.u.bf16.f32 v37;
	[tilespmem:s24+$0x162A0] =	vst v42  }
0x330: {  	v20 =	vmul.bf16 v38, v15;
	v23 =	vadd.bf16 v26, v46;
	v40 =	vld [tilespmem:s28+$0x10010];
	v47 =	vunpack.i.l.bf16.f32 v19;
	[tilespmem:s24+$0x162B0] =	vst v18  }
0x331: {  	v19 =	vunpack.i.u.bf16.f32 v19;
	[tilespmem:s24+$0x16500] =	vst v47;
	v45 =	vld [tilespmem:s9+$0xE020]  }
0x332: {  	v44 =	vadd.bf16 v20, v59;
	v36 =	vunpack.i.l.bf16.f32 v23;
	[tilespmem:s24+$0x16510] =	vst v19;
	v46 =	vld [tilespmem:s9+$0x10020]  }
0x333: {  	v23 =	vunpack.i.u.bf16.f32 v23;
	[tilespmem:s24+$0x161C0] =	vst v36;
	v55 =	vld [tilespmem:s25+$0xE050];
	v21 =	vsub.bf16 v35, v34  }
0x334: {  	v48 =	vsub.bf16 v63, v27;
	v28 =	vunpack.i.l.bf16.f32 v44;
	[tilespmem:s24+$0x161D0] =	vst v23;
	v32 =	vld [tilespmem:s25+$0x10050]  }
0x335: {  	v18 =	vunpack.i.u.bf16.f32 v44;
	[tilespmem:s24+$0x16320] =	vst v28;
	v43 =	vld [tilespmem:s26+$0xE030];
	v17 =	vsub.bf16 v40, v39;
	v21 =	vmul.bf16 v21, v13  }
0x336: {  	v50 =	vsub.bf16 v30, v41;
	[tilespmem:s24+$0x16330] =	vst v18;
	v31 =	vld [tilespmem:s26+$0x10030]  }
0x337: {  	v18 =	vmul.bf16 v48, v12;
	v49 =	vld [tilespmem:s8+$0xE020];
	v17 =	vmul.bf16 v17, v16;
	v21 =	vadd.bf16 v21, v34  }
0x338: {  	v26 =	vmul.bf16 v50, v10;
	v52 =	vld [tilespmem:s8+$0x10020]  }
0x339: {  	v18 =	vadd.bf16 v18, v27;
	v17 =	vadd.bf16 v17, v39;
	v51 =	vunpack.i.l.bf16.f32 v21  }
0x33a: {  	v54 =	vsub.bf16 v46, v45;
	v32 =	vsub.bf16 v32, v55;
	v21 =	vunpack.i.u.bf16.f32 v21;
	[tilespmem:s24+$0x16240] =	vst v51  }
0x33b: {  	v23 =	vunpack.i.l.bf16.f32 v43;
	v56 =	vunpack.i.u.bf16.f32 v31;
	[tilespmem:s24+$0x16250] =	vst v21;
	v57 =	vunpack.i.l.bf16.f32 v17  }
0x33c: {  	v31 =	vunpack.i.l.bf16.f32 v31;
	v19 =	vmul.bf16 v54, v14;
	v17 =	vunpack.i.u.bf16.f32 v17;
	[tilespmem:s24+$0x163A0] =	vst v57;
	v59 =	vld [tilespmem:s4+$0xE030]  }
0x33d: {  	v53 =	vunpack.i.u.bf16.f32 v43;
	v61 =	vsub.bf16 v52, v49;
	v58 =	vsub.f32 v31, v23;
	[tilespmem:s24+$0x163B0] =	vst v17;
	v37 =	vld [tilespmem:s4+$0x10030]  }
0x33e: {  	v30 =	vsub.f32 v56, v53;
	v60 =	vadd.bf16 v19, v45;
	v62 =	vld [tilespmem:s28+$0xE020]  }
0x33f: {  	v40 =	vadd.bf16 v26, v41;
	v21 =	vmul.f32 v58, v4;
	v19 =	vmul.bf16 v61, v15;
	v63 =	vld [tilespmem:s28+$0x10020]  }
0x340: {  	v41 =	vmul.bf16 v32, v9;
	v36 =	vmul.f32 v30, v4;
	v33 =	vunpack.i.l.bf16.f32 v60  }
0x341: {  	v21 =	vadd.f32 v21, v23;
	v17 =	vunpack.i.u.bf16.f32 v60;
	v38 =	vadd.bf16 v19, v49;
	[tilespmem:s24+$0x162C0] =	vst v33  }
0x342: {  	v50 =	vunpack.i.l.bf16.f32 v40;
	v39 =	vunpack.i.l.bf16.f32 v18;
	v22 =	vadd.f32 v36, v53;
	[tilespmem:s24+$0x162D0] =	vst v17  }
0x343: {  	v53 =	vadd.bf16 v41, v55;
	[tilespmem:s24+$0x161E0] =	vst v21;
	v42 =	vld [tilespmem:s9+$0xE030];
	v45 =	vunpack.i.l.bf16.f32 v38;
	v17 =	vunpack.i.u.bf16.f32 v38  }
0x344: {  	[tilespmem:s24+$0x161F0] =	vst v22;
	v44 =	vld [tilespmem:s9+$0x10030];
	v31 =	vunpack.i.l.bf16.f32 v59;
	v47 =	vunpack.i.l.bf16.f32 v37;
	v27 =	vsub.bf16 v63, v62  }
0x345: {  	v43 =	vunpack.i.u.bf16.f32 v59;
	v46 =	vld [tilespmem:s26+$0xE040];
	[tilespmem:s24+$0x16340] =	vst v45;
	v30 =	vunpack.i.u.bf16.f32 v37;
	v32 =	vsub.f32 v47, v31  }
0x346: {  	v18 =	vunpack.i.u.bf16.f32 v18;
	v48 =	vld [tilespmem:s26+$0x10040];
	[tilespmem:s24+$0x16350] =	vst v17;
	v51 =	vsub.f32 v30, v43;
	v49 =	vmul.bf16 v27, v16  }
0x347: {  	[tilespmem:s24+$0x16430] =	vst v18;
	v36 =	vunpack.i.u.bf16.f32 v40;
	v18 =	vunpack.i.l.bf16.f32 v53;
	v52 =	vld [tilespmem:s8+$0xE030];
	v54 =	vmul.f32 v32, v5  }
0x348: {  	[tilespmem:s24+$0x16420] =	vst v39;
	v55 =	vld [tilespmem:s8+$0x10030];
	v27 =	vmul.f32 v51, v5;
	v56 =	vunpack.i.l.bf16.f32 v42;
	v17 =	vadd.bf16 v49, v62  }
0x349: {  	v20 =	vld [tilespmem:s6+$0xE060];
	v57 =	vunpack.i.l.bf16.f32 v44;
	v21 =	vunpack.i.u.bf16.f32 v42;
	v26 =	vunpack.i.u.bf16.f32 v44  }
0x34a: {  	[tilespmem:s24+$0x164A0] =	vst v50;
	v34 =	vld [tilespmem:s6+$0x10060];
	v24 =	vadd.f32 v54, v31;
	v58 =	vsub.f32 v57, v56;
	v59 =	vunpack.i.l.bf16.f32 v17  }
0x34b: {  	v28 =	vsub.bf16 v48, v46;
	v22 =	vadd.f32 v27, v43;
	v17 =	vunpack.i.u.bf16.f32 v17;
	[tilespmem:s24+$0x163C0] =	vst v59  }
0x34c: {  	v61 =	vsub.f32 v26, v21;
	v43 =	vunpack.i.u.bf16.f32 v53;
	v62 =	vunpack.i.l.bf16.f32 v52;
	[tilespmem:s24+$0x163D0] =	vst v17  }
0x34d: {  	[tilespmem:s24+$0x164B0] =	vst v36;
	v63 =	vunpack.i.l.bf16.f32 v55;
	v41 =	vunpack.i.u.bf16.f32 v52;
	v25 =	vunpack.i.u.bf16.f32 v55;
	v33 =	vld [tilespmem:s28+$0xE030]  }
0x34e: {  	[tilespmem:s24+$0x16520] =	vst v18;
	v60 =	vmul.f32 v58, v6;
	v38 =	vsub.f32 v63, v62;
	v28 =	vmul.bf16 v28, v11;
	v39 =	vld [tilespmem:s28+$0x10030]  }
0x34f: {  	v40 =	vsub.bf16 v34, v20;
	[tilespmem:s24+$0x16530] =	vst v43;
	v25 =	vsub.f32 v25, v41;
	v17 =	vmul.f32 v61, v6  }
0x350: {  	v42 =	vld [tilespmem:s5+$0xE060];
	[tilespmem:s24+$0x16260] =	vst v24;
	v37 =	vadd.f32 v60, v56;
	v27 =	vmul.f32 v38, v7;
	v28 =	vadd.bf16 v28, v46  }
0x351: {  	v54 =	vld [tilespmem:s5+$0x10060];
	[tilespmem:s24+$0x16270] =	vst v22;
	v47 =	vmul.f32 v25, v7;
	v17 =	vadd.f32 v17, v21  }
0x352: {  	v12 =	vmul.bf16 v40, v12;
	v44 =	vld [tilespmem:s4+$0xE040];
	[tilespmem:s24+$0x162E0] =	vst v37;
	v45 =	vadd.f32 v27, v62;
	v56 =	vunpack.i.l.bf16.f32 v28  }
0x353: {  	v46 =	vld [tilespmem:s4+$0x10040];
	[tilespmem:s24+$0x162F0] =	vst v17;
	v17 =	vadd.f32 v47, v41;
	v48 =	vunpack.i.l.bf16.f32 v33;
	v49 =	vunpack.i.l.bf16.f32 v39  }
0x354: {  	v55 =	vld [tilespmem:s25+$0xE060];
	[tilespmem:s24+$0x16580] =	vst v56;
	v51 =	vunpack.i.u.bf16.f32 v33;
	v31 =	vunpack.i.u.bf16.f32 v39;
	v27 =	vsub.f32 v49, v48  }
0x355: {  	v12 =	vadd.bf16 v12, v20;
	v50 =	vld [tilespmem:s9+$0xE040];
	[tilespmem:s24+$0x16360] =	vst v45;
	v53 =	vsub.f32 v31, v51  }
0x356: {  	v23 =	vsub.bf16 v54, v42;
	v57 =	vunpack.i.u.bf16.f32 v28;
	v52 =	vld [tilespmem:s9+$0x10040];
	[tilespmem:s24+$0x16370] =	vst v17;
	v27 =	vmul.f32 v27, v8  }
0x357: {  	v62 =	vunpack.i.l.bf16.f32 v12;
	v12 =	vunpack.i.u.bf16.f32 v12;
	[tilespmem:s24+$0x16590] =	vst v57;
	v58 =	vld [tilespmem:s8+$0xE040];
	v24 =	vmul.f32 v53, v8  }
0x358: {  	[tilespmem:s24+$0x16440] =	vst v62;
	v10 =	vmul.bf16 v23, v10;
	v26 =	vsub.bf16 v46, v44;
	v59 =	vld [tilespmem:s8+$0x10040];
	v25 =	vadd.f32 v27, v48  }
0x359: {  	[tilespmem:s24+$0x16450] =	vst v12;
	v60 =	vld [tilespmem:s26+$0xE050];
	v24 =	vadd.f32 v24, v51  }
0x35a: {  	v61 =	vld [tilespmem:s26+$0x10050];
	v10 =	vadd.bf16 v10, v42;
	v26 =	vmul.bf16 v26, v13;
	[tilespmem:s24+$0x163E0] =	vst v25  }
0x35b: {  	v35 =	vld [tilespmem:s6+$0xE070];
	v21 =	vsub.bf16 v52, v50;
	[tilespmem:s24+$0x163F0] =	vst v24  }
0x35c: {  	v39 =	vunpack.i.l.bf16.f32 v10;
	v26 =	vadd.bf16 v26, v44;
	v63 =	vld [tilespmem:s28+$0xE040]  }
0x35d: {  	v10 =	vunpack.i.u.bf16.f32 v10;
	[tilespmem:s24+$0x164C0] =	vst v39;
	v21 =	vmul.bf16 v21, v14;
	v17 =	vsub.bf16 v59, v58;
	v32 =	vld [tilespmem:s28+$0x10040]  }
0x35e: {  	v33 =	vld [tilespmem:s25+$0x10060];
	[tilespmem:s24+$0x164D0] =	vst v10;
	v34 =	vunpack.i.l.bf16.f32 v26;
	v36 =	vunpack.i.u.bf16.f32 v26  }
0x35f: {  	v37 =	vld [tilespmem:s6+$0x10070];
	[tilespmem:s24+$0x16600] =	vst v34;
	v25 =	vsub.bf16 v61, v60;
	v18 =	vadd.bf16 v21, v50;
	v17 =	vmul.bf16 v17, v15  }
0x360: {  	v48 =	vld [tilespmem:s5+$0x10070];
	[tilespmem:s24+$0x16610] =	vst v36  }
0x361: {  	v40 =	vld [tilespmem:s4+$0xE050];
	v41 =	vmul.bf16 v25, v11;
	v38 =	vunpack.i.l.bf16.f32 v18;
	v17 =	vadd.bf16 v17, v58  }
0x362: {  	v42 =	vld [tilespmem:s4+$0x10050];
	v18 =	vunpack.i.u.bf16.f32 v18;
	[tilespmem:s24+$0x16680] =	vst v38;
	v43 =	vsub.bf16 v32, v63  }
0x363: {  	v12 =	vsub.bf16 v33, v55;
	v26 =	vld [tilespmem:s5+$0xE070];
	[tilespmem:s24+$0x16690] =	vst v18;
	v45 =	vadd.bf16 v41, v60;
	v47 =	vunpack.i.l.bf16.f32 v17  }
0x364: {  	v44 =	vld [tilespmem:s9+$0xE050];
	v17 =	vunpack.i.u.bf16.f32 v17;
	[tilespmem:s24+$0x16700] =	vst v47;
	v18 =	vmul.bf16 v43, v16  }
0x365: {  	v9 =	vmul.bf16 v12, v9;
	v46 =	vld [tilespmem:s9+$0x10050];
	v49 =	vunpack.i.l.bf16.f32 v45;
	[tilespmem:s24+$0x16710] =	vst v17  }
0x366: {  	v10 =	vunpack.i.u.bf16.f32 v45;
	[tilespmem:s24+$0x165A0] =	vst v49;
	v53 =	vld [tilespmem:s8+$0xE050];
	v50 =	vadd.bf16 v18, v63  }
0x367: {  	v9 =	vadd.bf16 v9, v55;
	v52 =	vsub.bf16 v42, v40;
	[tilespmem:s24+$0x165B0] =	vst v10;
	v55 =	vld [tilespmem:s8+$0x10050]  }
0x368: {  	v54 =	vunpack.i.l.bf16.f32 v37;
	v57 =	vld [tilespmem:s26+$0xE060];
	v56 =	vunpack.i.l.bf16.f32 v50  }
0x369: {  	v51 =	vunpack.i.l.bf16.f32 v35;
	v12 =	vmul.bf16 v52, v13;
	v61 =	vld [tilespmem:s26+$0x10060];
	v17 =	vunpack.i.u.bf16.f32 v50;
	[tilespmem:s24+$0x16780] =	vst v56  }
0x36a: {  	v59 =	vunpack.i.u.bf16.f32 v37;
	v58 =	vunpack.i.u.bf16.f32 v35;
	v60 =	vsub.f32 v54, v51;
	[tilespmem:s24+$0x16790] =	vst v17  }
0x36b: {  	v22 =	vunpack.i.u.bf16.f32 v48;
	v20 =	vsub.bf16 v46, v44;
	v12 =	vadd.bf16 v12, v40;
	v63 =	vld [tilespmem:s28+$0xE050]  }
0x36c: {  	v62 =	vunpack.i.l.bf16.f32 v9;
	v21 =	vsub.f32 v59, v58;
	v9 =	vunpack.i.u.bf16.f32 v9;
	v31 =	vld [tilespmem:s28+$0x10050]  }
0x36d: {  	v20 =	vmul.bf16 v20, v14;
	v32 =	vunpack.i.l.bf16.f32 v12;
	v10 =	vsub.bf16 v55, v53  }
0x36e: {  	v37 =	vunpack.i.l.bf16.f32 v26;
	v12 =	vunpack.i.u.bf16.f32 v12;
	[tilespmem:s24+$0x16620] =	vst v32;
	v35 =	vsub.bf16 v61, v57  }
0x36f: {  	v38 =	vunpack.i.l.bf16.f32 v48;
	[tilespmem:s24+$0x16630] =	vst v12;
	v20 =	vadd.bf16 v20, v44;
	v10 =	vmul.bf16 v10, v15  }
0x370: {  	[tilespmem:s24+$0x16540] =	vst v62;
	v41 =	vsub.f32 v38, v37;
	v24 =	vmul.f32 v60, v3;
	v39 =	vld [tilespmem:s4+$0xE060];
	v11 =	vmul.bf16 v35, v11  }
0x371: {  	[tilespmem:s24+$0x16550] =	vst v9;
	v40 =	vld [tilespmem:s4+$0x10060];
	v36 =	vunpack.i.l.bf16.f32 v20;
	v10 =	vadd.bf16 v10, v53;
	v17 =	vsub.bf16 v31, v63  }
0x372: {  	v3 =	vmul.f32 v21, v3;
	v33 =	vld [tilespmem:s25+$0xE070];
	v19 =	vmul.f32 v41, v2;
	v20 =	vunpack.i.u.bf16.f32 v20;
	[tilespmem:s24+$0x166A0] =	vst v36  }
0x373: {  	v34 =	vld [tilespmem:s25+$0x10070];
	[tilespmem:s24+$0x166B0] =	vst v20;
	v11 =	vadd.bf16 v11, v57;
	v43 =	vunpack.i.l.bf16.f32 v10;
	v17 =	vmul.bf16 v17, v16  }
0x374: {  	v26 =	vunpack.i.u.bf16.f32 v26;
	v3 =	vadd.f32 v3, v58;
	v20 =	vld [tilespmem:s9+$0xE060];
	v10 =	vunpack.i.u.bf16.f32 v10;
	[tilespmem:s24+$0x16720] =	vst v43  }
0x375: {  	v19 =	vadd.f32 v19, v37;
	v42 =	vld [tilespmem:s9+$0x10060];
	v44 =	vunpack.i.l.bf16.f32 v11;
	[tilespmem:s24+$0x16730] =	vst v10;
	v45 =	vadd.bf16 v17, v63  }
0x376: {  	v18 =	vadd.f32 v24, v51;
	v11 =	vunpack.i.u.bf16.f32 v11;
	v47 =	vsub.bf16 v40, v39;
	[tilespmem:s24+$0x165C0] =	vst v44;
	v48 =	vld [tilespmem:s8+$0xE060]  }
0x377: {  	v46 =	vsub.f32 v22, v26;
	v49 =	vunpack.i.l.bf16.f32 v33;
	[tilespmem:s24+$0x165D0] =	vst v11;
	v51 =	vld [tilespmem:s8+$0x10060];
	v29 =	vunpack.i.l.bf16.f32 v45  }
0x378: {  	v50 =	vunpack.i.l.bf16.f32 v34;
	v13 =	vmul.bf16 v47, v13;
	v52 =	vld [tilespmem:s26+$0xE070];
	v10 =	vunpack.i.u.bf16.f32 v45;
	[tilespmem:s24+$0x167A0] =	vst v29  }
0x379: {  	v9 =	vunpack.i.u.bf16.f32 v34;
	v2 =	vmul.f32 v46, v2;
	v54 =	vsub.f32 v50, v49;
	v53 =	vld [tilespmem:s26+$0x10070];
	[tilespmem:s24+$0x167B0] =	vst v10  }
0x37a: {  	v57 =	vunpack.i.u.bf16.f32 v33;
	v25 =	vsub.bf16 v42, v20;
	v12 =	vadd.bf16 v13, v39;
	v56 =	vld [tilespmem:s28+$0xE060]  }
0x37b: {  	v2 =	vadd.f32 v2, v26;
	v9 =	vsub.f32 v9, v57;
	v58 =	vld [tilespmem:s28+$0x10060]  }
0x37c: {  	v55 =	vmul.bf16 v25, v14;
	v59 =	vunpack.i.l.bf16.f32 v12;
	v11 =	vsub.bf16 v51, v48  }
0x37d: {  	v12 =	vunpack.i.u.bf16.f32 v12;
	v10 =	vmul.f32 v54, v1;
	[tilespmem:s24+$0x16640] =	vst v59;
	v1 =	vmul.f32 v9, v1  }
0x37e: {  	[tilespmem:s24+$0x16650] =	vst v12;
	v61 =	vunpack.i.l.bf16.f32 v52;
	v28 =	vunpack.i.l.bf16.f32 v53;
	v13 =	vadd.bf16 v55, v20  }
0x37f: {  	v31 =	vunpack.i.u.bf16.f32 v52;
	v32 =	vunpack.i.u.bf16.f32 v53;
	v11 =	vmul.bf16 v11, v15;
	v62 =	vld [tilespmem:s4+$0xE070]  }
0x380: {  	v63 =	vld [tilespmem:s4+$0x10070];
	v20 =	vsub.f32 v28, v61;
	v60 =	vunpack.i.l.bf16.f32 v13;
	v30 =	vsub.bf16 v58, v56  }
0x381: {  	v22 =	vsub.f32 v32, v31;
	v13 =	vunpack.i.u.bf16.f32 v13;
	v11 =	vadd.bf16 v11, v48;
	[tilespmem:s24+$0x166C0] =	vst v60  }
0x382: {  	v10 =	vadd.f32 v10, v49;
	v1 =	vadd.f32 v1, v57;
	[tilespmem:s24+$0x166D0] =	vst v13;
	v13 =	vmul.bf16 v30, v16  }
0x383: {  	v36 =	vmul.f32 v20, v4;
	v4 =	vmul.f32 v22, v4;
	v33 =	vld [tilespmem:s9+$0xE070];
	v35 =	vunpack.i.l.bf16.f32 v11  }
0x384: {  	v34 =	vld [tilespmem:s9+$0x10070];
	v11 =	vunpack.i.u.bf16.f32 v11;
	[tilespmem:s24+$0x16740] =	vst v35;
	v37 =	vunpack.i.u.bf16.f32 v62;
	v38 =	vadd.bf16 v13, v56  }
0x385: {  	[tilespmem:s24+$0x16750] =	vst v11;
	v39 =	vunpack.i.l.bf16.f32 v62;
	v40 =	vunpack.i.u.bf16.f32 v63;
	v12 =	vunpack.i.l.bf16.f32 v63  }
0x386: {  	[tilespmem:s24+$0x16470] =	vst v3;
	v41 =	vld [tilespmem:s8+$0xE070];
	v12 =	vsub.f32 v12, v39;
	v14 =	vsub.f32 v40, v37;
	v43 =	vunpack.i.l.bf16.f32 v38  }
0x387: {  	v9 =	vadd.f32 v36, v61;
	v3 =	vadd.f32 v4, v31;
	v42 =	vld [tilespmem:s8+$0x10070];
	v11 =	vunpack.i.u.bf16.f32 v38;
	[tilespmem:s24+$0x167C0] =	vst v43  }
0x388: {  	v47 =	vmul.f32 v12, v5;
	v5 =	vmul.f32 v14, v5;
	v44 =	vunpack.i.l.bf16.f32 v33;
	[tilespmem:s24+$0x167D0] =	vst v11  }
0x389: {  	[tilespmem:s24+$0x164E0] =	vst v19;
	v45 =	vunpack.i.l.bf16.f32 v34;
	v49 =	vunpack.i.u.bf16.f32 v33;
	v50 =	vunpack.i.u.bf16.f32 v34;
	v48 =	vld [tilespmem:s28+$0xE070]  }
0x38a: {  	[tilespmem:s24+$0x164F0] =	vst v2;
	v46 =	vsub.f32 v45, v44;
	v2 =	vsub.f32 v50, v49;
	v51 =	vld [tilespmem:s28+$0x10070]  }
0x38b: {  	[tilespmem:s24+$0x16570] =	vst v1;
	v4 =	vadd.f32 v47, v39;
	v1 =	vadd.f32 v5, v37  }
0x38c: {  	[tilespmem:s24+$0x16460] =	vst v18;
	v52 =	vunpack.i.l.bf16.f32 v41;
	v53 =	vunpack.i.l.bf16.f32 v42;
	v11 =	vmul.f32 v46, v6  }
0x38d: {  	[tilespmem:s24+$0x16560] =	vst v10;
	v56 =	vunpack.i.u.bf16.f32 v41;
	v57 =	vunpack.i.u.bf16.f32 v42;
	v54 =	vsub.f32 v53, v52  }
0x38e: {  	[tilespmem:s24+$0x165F0] =	vst v3;
	v2 =	vmul.f32 v2, v6;
	v3 =	vsub.f32 v57, v56;
	v55 =	vadd.f32 v11, v44  }
0x38f: {  	[tilespmem:s24+$0x165E0] =	vst v9;
	v10 =	vmul.f32 v54, v7;
	v58 =	vunpack.i.l.bf16.f32 v48;
	v59 =	vunpack.i.l.bf16.f32 v51  }
0x390: {  	[tilespmem:s24+$0x16660] =	vst v4;
	v60 =	vunpack.i.u.bf16.f32 v48;
	v61 =	vunpack.i.u.bf16.f32 v51;
	v11 =	vsub.f32 v59, v58  }
0x391: {  	[tilespmem:s24+$0x16670] =	vst v1;
	v1 =	vadd.f32 v2, v49;
	v2 =	vmul.f32 v3, v7;
	v3 =	vsub.f32 v61, v60  }
0x392: {  	p1 =	slt.u32 s23, $0x38;
	[tilespmem:s24+$0x166E0] =	vst v55;
	v62 =	vadd.f32 v10, v52;
	v63 =	vmul.f32 v11, v8  }
.Ltmp4:
0x393: {  	[tilespmem:s24+$0x166F0] =	vst v1;
	v1 =	vadd.f32 v2, v56;
	v2 =	vmul.f32 v3, v8;
	(pc) =	sbr.rel @p1 .LBB2_11-.Ltmp4, $4  }
0x394: {  	[tilespmem:s24+$0x16760] =	vst v62;
	v3 =	vadd.f32 v63, v58  }
0x395: {  	[tilespmem:s24+$0x16770] =	vst v1;
	v1 =	vadd.f32 v2, v60  }
0x396: {  	s28 =	sadd.s32 $0x8, s23;
	[tilespmem:s24+$0x167E0] =	vst v3  }
0x397: {  	s23 =	smov.u32 s28;
	[tilespmem:s24+$0x167F0] =	vst v1  }
0x398: {  	s4 =	sshll.u32 s21, $0xB  }
0x399: {  	s4 =	sadd.s32 s4, s7  }
0x39a: {  	[hbm4b:s4+s3] =	stream.linear.scatter [tilespmem:s12], [sflag:$0xA], $0x4000, $0x38;
	[tilespmem:$0x1C000] =	vst v63  }
0x39b: {  	s5 =	simm.s32 @!p0 $0x40;
	s6 =	simm.s32 @!p0 $0xE000;
	s4 =	sadd.s32 @!p0 $0x9C0, s20  }
0x39c: {  	[tilespmem:s6], [sflag:$0x7] =	stream.indirect.gather @!p0 [spmem:s1], $0x80, s4, s5, $0xb8;
	[tilespmem:$0x1C000] =	vst v63  }
0x39d: {  	p1 =	sne.s32 @!p0 s22, $0x8;
	s4 =	sadd.s32 @!p0 $0x11C0, s20;
	s6 =	simm.s32 @!p0 $0x10000  }
0x39e: {  	[tilespmem:s6], [sflag:$0x8] =	stream.indirect.gather @!p0 [spmem:s1], $0x80, s4, s5, $0xb8;
	[tilespmem:$0x1C000] =	vst v63  }
0x39f: {  	p0 =	por p0, !p1  }
.Ltmp5:
0x3a0: {  	_ = 	snop;
	(pc) =	sbr.rel @!p0 .LBB2_4-.Ltmp5, $1  }
0x3a1: {  	_ =	sdelay $0x3  }
0x3a2: {  	_ =	swait.ge [sflag:s15], $0x4000  }
0x3a3: {  	[sflag:s15] =	ssyncset.done $0x0  }
0x3a4: {  	[sflag:s15] =	ssyncadd.s32 $0xFFFFC000  }
0x3a5: {  	_ =	swait.ge [sflag:s18], $0x4000  }
0x3a6: {  	s19 =	sadd.s32 $0x1, s19;
	s4 =	rddreg [dreg:$0x8]  }
0x3a7: {  	p0 =	sne.s32 s19, s4  }
.Ltmp6:
0x3a8: {  	_ = 	snop;
	(pc) =	sbr.rel @p0 .LBB2_1-.Ltmp6, $3  }
0x3a9: {  	_ =	sdelay $0x1  }
0x3aa: {  	[sflag:s18] =	ssyncset.done $0x0  }
0x3ab: {  	[sflag:s18] =	ssyncadd.s32 $0xFFFFC000  }
0x3ac: {  	_ =	sfence.sel $0x180000  }
0x3ad: {  	[bflag:$0x0] =	sbarrier.arrive $0xFFFF  }
0x3ae: {  	_ =	strace $0x90000047  }
0x3af: {  	s0 =	stileid.u32;
	[bflag:$0x2] =	sbarrier.arrive $0xFFFF  }
0x3b0: {  	p0 =	sne.s32 s0, $0x0;
	s0 =	rddreg [dreg:$0x4]  }
0x3b1: {  	s0 =	sadd.s32 @!p0 $0x100000, s0  }
0x3b2: {  	[sflag:s0] =	ssyncadd.tile.s32 @!p0 $0x1;
	_ =	shalt  }
.Lfunc_end2:
_tile_overlayer_lowered:
.L_overlay_start_2:
0x3b3: {  	(tag) =	ssettag $0x2  }
0x3b4: {  	s0 =	rddreg [dreg:$0x0];
	s2 =	stileid.u32  }
0x3b5: {  	s1 =	rddreg [dreg:$0x1];
	p0 =	sne.s32 s2, $0x0  }
0x3b6: {  	s3 =	rddreg [dreg:$0x2];
	[bflag:$0x3] =	sbarrier.arrive $0xFFFF;
	s2 =	simm.s32 @!p0 $0x1C0B  }
0x3b7: {  	[timem:s3], [sflag:s2] =	dma.local @!p0 [hbm:s0], s1  }
0x3b8: {  	s0 =	simm.s32 @!p0 $0xB  }
0x3b9: {  	_ =	swait.ge @!p0 [sflag:s0], s1  }
0x3ba: {  	s1 =	ssub.s32 @!p0 $0x0, s1;
	[sflag:s0] =	ssyncset.done @!p0 $0x0  }
0x3bb: {  	[sflag:s0] =	ssyncadd.s32 @!p0 s1  }
0x3bc: {  	[bflag:$0x3] =	sbarrier.arrive $0xFFFF  }
0x3bd: {  	_ =	shalt  }

</sc_bundles>
